<compile_context>
chip_gen: v7x
topology: tpu7x:2x2x1
jax: 0.10.2.dev20260603
libtpu: 0.0.44.dev20260713+nightly
codegen_flags: <defaults>
</compile_context>

<pallas_src>
import functools

import jax
import jax.numpy as jnp
from jax import lax
from jax.experimental import pallas as pl
from jax.experimental.pallas import tpu as pltpu
from jax.experimental.pallas import tpu_sc as plsc

NC = 2
NS = 16
NW = NC * NS
CHUNK = 128
NBUF = 8
NRB = 2
LANES = 16


def _tc_in_proj(x, wcat):
    n, d_in = x.shape
    bn = 1000

    def body(x_ref, w_ref, y1_ref, xr_ref):
        z = lax.dot_general(x_ref[...], w_ref[...], (((1,), (1,)), ((), ())),
                            preferred_element_type=jnp.float32)
        y1_ref[...] = z[:, :64]
        xr_ref[...] = z[:, 64:]

    return pl.pallas_call(
        body,
        grid=(n // bn,),
        in_specs=[pl.BlockSpec((bn, d_in), lambda i: (i, 0)),
                  pl.BlockSpec((d_in, d_in), lambda i: (0, 0))],
        out_specs=[pl.BlockSpec((bn, 64), lambda i: (i, 0)),
                   pl.BlockSpec((bn, 64), lambda i: (i, 0))],
        out_shape=[jax.ShapeDtypeStruct((n, 64), jnp.float32),
                   jax.ShapeDtypeStruct((n, 64), jnp.float32)],
    )(x, wcat)


def _sc_aggregate(tab, src2d, dst2d, with_count, rpw0):
    n, d = tab.shape
    rtot = src2d.shape[0]
    rpw1 = rtot // NS - rpw0
    npad = ((n + 1 + NS * CHUNK - 1) // (NS * CHUNK)) * (NS * CHUNK)
    stripe = npad // NS
    zrows = npad // NS

    mesh = plsc.VectorSubcoreMesh(core_axis_name="c", subcore_axis_name="s")

    out_type = [jax.ShapeDtypeStruct((NC, npad, d), jnp.float32)]
    scratch = (
        [pltpu.VMEM((NBUF, CHUNK), jnp.int32),
         pltpu.VMEM((NBUF, CHUNK), jnp.int32)]
        + [pltpu.VMEM((CHUNK, d), jnp.float32) for _ in range(NRB)]
        + [pltpu.VMEM((CHUNK, LANES), jnp.float32),
           pltpu.VMEM_SHARED((npad, d), jnp.float32)]
        + [pltpu.SemaphoreType.DMA for _ in range(NRB)]
    )
    if with_count:
        out_type.append(jax.ShapeDtypeStruct((NC, npad, LANES), jnp.float32))
        scratch.append(pltpu.VMEM_SHARED((npad, LANES), jnp.float32))

    @functools.partial(
        pl.kernel, out_type=out_type, mesh=mesh, scratch_types=scratch,
        compiler_params=pltpu.CompilerParams(use_tc_tiling_on_sc=False))
    def k(*refs):
        nout = 2 if with_count else 1
        tab_hbm, src_hbm, dst_hbm = refs[:3]
        s_hbm = refs[3]
        cnt_hbm = refs[4] if with_count else None
        r0 = 3 + nout
        isrc, idst = refs[r0], refs[r0 + 1]
        rbufs = refs[r0 + 2:r0 + 2 + NRB]
        ones = refs[r0 + 2 + NRB]
        acc = refs[r0 + 3 + NRB]
        gsems = refs[r0 + 4 + NRB:r0 + 4 + 2 * NRB]
        cacc = refs[r0 + 4 + 2 * NRB] if with_count else None
        c = lax.axis_index("c")
        s = lax.axis_index("s")
        rpw_me = jnp.where(c == 0, rpw0, rpw1)
        base = jnp.where(c == 0, s * rpw0, NS * rpw0 + s * rpw1)

        zbuf = rbufs[0]

        @pl.loop(0, CHUNK)
        def _(r):
            ones[r, pl.ds(0, LANES)] = jnp.zeros((LANES,), jnp.float32)

            @pl.loop(0, d, step=LANES)
            def _(cc):
                zbuf[r, pl.ds(cc, LANES)] = jnp.zeros((LANES,), jnp.float32)

        @pl.loop(0, zrows, step=CHUNK)
        def _(r):
            pltpu.sync_copy(zbuf, acc.at[pl.ds(s * zrows + r, CHUNK)])
            if with_count:
                pltpu.sync_copy(ones, cacc.at[pl.ds(s * zrows + r, CHUNK)])

        if with_count:
            @pl.loop(0, CHUNK)
            def _(r):
                ones[r, pl.ds(0, LANES)] = jnp.ones((LANES,), jnp.float32)

        plsc.subcore_barrier()

        @pl.loop(0, rpw_me, step=NBUF)
        def _(m):
            r = base + m
            pltpu.sync_copy(src_hbm.at[pl.ds(r, NBUF)], isrc)
            pltpu.sync_copy(dst_hbm.at[pl.ds(r, NBUF)], idst)
            cps = [None, None]
            cps[0] = pltpu.async_copy(tab_hbm.at[isrc.at[0]], rbufs[0],
                                      gsems[0])
            for b in range(NBUF):
                cur = b % 2
                cps[cur].wait()
                if b + 1 < NBUF:
                    cps[1 - cur] = pltpu.async_copy(
                        tab_hbm.at[isrc.at[b + 1]], rbufs[1 - cur],
                        gsems[1 - cur])
                if with_count:
                    pltpu.sync_copy(ones, cacc.at[idst.at[b]], add=True)
                pltpu.sync_copy(rbufs[cur], acc.at[idst.at[b]], add=True)

        plsc.subcore_barrier()

        pltpu.sync_copy(acc.at[pl.ds(s * stripe, stripe)],
                        s_hbm.at[c, pl.ds(s * stripe, stripe)])
        if with_count:
            pltpu.sync_copy(cacc.at[pl.ds(s * stripe, stripe)],
                            cnt_hbm.at[c, pl.ds(s * stripe, stripe)])

    return k(tab, src2d, dst2d)


def _tc_mid(s1, cnt, xr, b1, w2cat):
    n = xr.shape[0]
    bn = 1000

    def body(s1_ref, cnt_ref, xr_ref, b1_ref, w_ref, z2_ref, hr_ref):
        sb = s1_ref[...]
        cb = cnt_ref[...]
        ssum = sb[0] + sb[1]
        csum = cb[0, :, 0:1] + cb[1, :, 0:1]
        mean = ssum / jnp.maximum(csum, 1.0)
        h = jnp.maximum(mean + xr_ref[...] + b1_ref[...], 0.0)
        z = lax.dot_general(h, w_ref[...], (((1,), (1,)), ((), ())),
                            preferred_element_type=jnp.float32)
        z2_ref[...] = z[:, :LANES]
        hr_ref[...] = z[:, LANES:LANES + 2]

    return pl.pallas_call(
        body,
        grid=(n // bn,),
        in_specs=[pl.BlockSpec((NC, bn, 64), lambda i: (0, i, 0)),
                  pl.BlockSpec((NC, bn, LANES), lambda i: (0, i, 0)),
                  pl.BlockSpec((bn, 64), lambda i: (i, 0)),
                  pl.BlockSpec((1, 64), lambda i: (0, 0)),
                  pl.BlockSpec((2 * LANES, 64), lambda i: (0, 0))],
        out_specs=[pl.BlockSpec((bn, LANES), lambda i: (i, 0)),
                   pl.BlockSpec((bn, 2), lambda i: (i, 0))],
        out_shape=[jax.ShapeDtypeStruct((n, LANES), jnp.float32),
                   jax.ShapeDtypeStruct((n, 2), jnp.float32)],
    )(s1, cnt, xr, b1, w2cat)


def _tc_out(s2, cnt, hr, b2):
    n = hr.shape[0]
    bn = 1000

    def body(s2_ref, cnt_ref, hr_ref, b2_ref, o_ref):
        sb = s2_ref[...]
        cb = cnt_ref[...]
        ssum = sb[0] + sb[1]
        csum = cb[0, :, 0:1] + cb[1, :, 0:1]
        v = ssum[:, 0:2] / jnp.maximum(csum, 1.0) + hr_ref[...] + b2_ref[...]
        m = jnp.max(v, axis=1, keepdims=True)
        lse = jnp.log(jnp.sum(jnp.exp(v - m), axis=1, keepdims=True))
        o_ref[...] = v - m - lse

    return pl.pallas_call(
        body,
        grid=(n // bn,),
        in_specs=[pl.BlockSpec((NC, bn, LANES), lambda i: (0, i, 0)),
                  pl.BlockSpec((NC, bn, LANES), lambda i: (0, i, 0)),
                  pl.BlockSpec((bn, 2), lambda i: (i, 0)),
                  pl.BlockSpec((1, 2), lambda i: (0, 0))],
        out_specs=pl.BlockSpec((bn, 2), lambda i: (i, 0)),
        out_shape=jax.ShapeDtypeStruct((n, 2), jnp.float32),
    )(s2, cnt, hr, b2)


def kernel(x, edge_index, W1l, W1r, b1, W2l, W2r, b2):
    n = x.shape[0]
    e = edge_index.shape[1]

    src = edge_index[0].astype(jnp.int32)
    dst = edge_index[1].astype(jnp.int32)

    block = NW * CHUNK * NBUF
    e_pad = ((e + block - 1) // block) * block
    pad = e_pad - e
    src = jnp.concatenate([src, jnp.zeros((pad,), jnp.int32)])
    dst = jnp.concatenate([dst, jnp.full((pad,), n, jnp.int32)])
    src2d = src.reshape(e_pad // CHUNK, CHUNK)
    dst2d = dst.reshape(e_pad // CHUNK, CHUNK)

    wcat = jnp.concatenate([W1l, W1r], axis=0)
    w2cat = jnp.zeros((2 * LANES, 64), jnp.float32)
    w2cat = w2cat.at[0:2].set(W2l).at[LANES:LANES + 2].set(W2r)
    b1r = b1.reshape(1, 64)
    b2r = b2.reshape(1, 2)

    y1, xr = _tc_in_proj(x, wcat)
    s1, cnt = _sc_aggregate(y1, src2d, dst2d, with_count=True, rpw0=136)
    z2, hr = _tc_mid(s1, cnt, xr, b1r, w2cat)
    (s2,) = _sc_aggregate(z2, src2d, dst2d, with_count=False, rpw0=104)
    return _tc_out(s2, cnt, hr, b2r)

# --- scband reference (transcript-rebuilt; emitter-appended) ---
"""Pipeline reference for scband-graph-sage-20581483282517 (READ-ONLY COPY).

The authoritative reference and input builder live on the scoring server;
editing this copy changes nothing except your own understanding.
"""

import jax, jax.numpy as jnp
import numpy as np

N = 10000
E = 320000
D_IN = 128
D_H = 64
D_OUT = 2


def setup_inputs(seed: int = 0) -> dict:
    key = jax.random.key(seed)
    ks = jax.random.split(key, 9)
    x = jax.random.normal(ks[0], (N, D_IN), dtype=jnp.float32)
    edge_index = jax.random.randint(ks[1], (2, E), 0, N)
    # SAGEConv params: out = lin_l(mean_neighbors) + lin_r(x) + bias
    W1l = jax.random.normal(ks[2], (D_H, D_IN), dtype=jnp.float32) * (1.0 / np.sqrt(D_IN))
    W1r = jax.random.normal(ks[3], (D_H, D_IN), dtype=jnp.float32) * (1.0 / np.sqrt(D_IN))
    b1 = jax.random.normal(ks[4], (D_H,), dtype=jnp.float32) * 0.01
    W2l = jax.random.normal(ks[5], (D_OUT, D_H), dtype=jnp.float32) * (1.0 / np.sqrt(D_H))
    W2r = jax.random.normal(ks[6], (D_OUT, D_H), dtype=jnp.float32) * (1.0 / np.sqrt(D_H))
    b2 = jax.random.normal(ks[7], (D_OUT,), dtype=jnp.float32) * 0.01
    return {"x": x, "edge_index": edge_index, "W1l": W1l, "W1r": W1r, "b1": b1,
            "W2l": W2l, "W2r": W2r, "b2": b2}


def _sage_conv(x, edge_index, Wl, Wr, b):
    src = edge_index[0]
    dst = edge_index[1]
    n = x.shape[0]
    msg = jnp.take(x, src, axis=0)                       # gather source features
    s = jax.ops.segment_sum(msg, dst, num_segments=n)    # scatter-add at targets
    cnt = jax.ops.segment_sum(jnp.ones(edge_index.shape[1], dtype=x.dtype), dst, num_segments=n)
    mean = s / jnp.clip(cnt, 1.0, None)[:, None]         # mean aggregation (clamp min 1)
    return mean @ Wl.T + x @ Wr.T + b


def reference(x, edge_index, W1l, W1r, b1, W2l, W2r, b2):
    h = _sage_conv(x, edge_index, W1l, W1r, b1)
    h = jax.nn.relu(h)
    # dropout is identity in eval mode (training=False)
    h = _sage_conv(h, edge_index, W2l, W2r, b2)
    return jax.nn.log_softmax(h, axis=1)

if __name__ == "__main__":
    import jax
    _d = setup_inputs()
    print(jax.jit(kernel)(*tuple(_d.values())))

</pallas_src>

<mosaic_0001>
#map = affine_map<(d0, d1) -> (0, 0)>
#map1 = affine_map<(d0, d1) -> (0, 0, 0)>
module attributes {stable_mosaic.version = 14 : i64} {
  func.func @k(%arg0: i32, %arg1: i32, %arg2: memref<10000x64xf32, #tpu.memory_space<hbm>>, %arg3: memref<2560x128xi32, #tpu.memory_space<hbm>>, %arg4: memref<2560x128xi32, #tpu.memory_space<hbm>>, %arg5: memref<2x10240x64xf32, #tpu.memory_space<hbm>>, %arg6: memref<2x10240x16xf32, #tpu.memory_space<hbm>>, %arg7: memref<8x128xi32, #tpu.memory_space<vmem>>, %arg8: memref<8x128xi32, #tpu.memory_space<vmem>>, %arg9: memref<128x64xf32, #tpu.memory_space<vmem>>, %arg10: memref<128x64xf32, #tpu.memory_space<vmem>>, %arg11: memref<128x16xf32, #tpu.memory_space<vmem>>, %arg12: memref<10240x64xf32, #tpu.memory_space<vmem_shared>>, %arg13: memref<!tpu.dma_semaphore, #tpu.memory_space<semaphore_mem>>, %arg14: memref<!tpu.dma_semaphore, #tpu.memory_space<semaphore_mem>>, %arg15: memref<10240x16xf32, #tpu.memory_space<vmem_shared>>) attributes {dimension_semantics = [#tpu.dimension_semantics<core_parallel>, #tpu.dimension_semantics<subcore_parallel>], iteration_bounds = array<i64: 2, 16>, scalar_prefetch = 0 : i64, scratch_operands = 9 : i64, tpu.core_type = #tpu.core_type<sc_vector_subcore>, window_params = [{transform_indices = #map}, {transform_indices = #map}, {transform_indices = #map}, {transform_indices = #map1}, {transform_indices = #map1}]} {
    %eq3A = arith.constant 0 : i32
    %eq3A_0 = arith.cmpi eq, %arg0, %eq3A : i32
    %jit3A = arith.constant 136 : i32
    %jit3A_1 = arith.constant 24 : i32
    %select_n3A = arith.select %eq3A_0, %jit3A, %jit3A_1 : i32
    %eq3A_2 = arith.constant 0 : i32
    %eq3A_3 = arith.cmpi eq, %arg0, %eq3A_2 : i32
    %mul3A = arith.constant 136 : i32
    %mul3A_4 = arith.muli %arg1, %mul3A : i32
    %mul3A_5 = arith.constant 24 : i32
    %mul3A_6 = arith.muli %arg1, %mul3A_5 : i32
    %add3A = arith.constant 2176 : i32
    %add3A_7 = arith.addi %add3A, %mul3A_6 : i32
    %select_n3A_8 = arith.select %eq3A_3, %mul3A_4, %add3A_7 : i32
    %scan3A = arith.constant 0 : i32
    %scan3A_9 = arith.constant 128 : i32
    %scan3A_10 = arith.addi %scan3A, %scan3A_9 : i32
    %scan3A_11 = arith.constant 1 : i32
    scf.for %scan3A_48 = %scan3A to %scan3A_10 step %scan3A_11  : i32 {
      %mul3A_49 = arith.constant 1 : i32
      %mul3A_50 = arith.muli %scan3A_48, %mul3A_49 : i32
      %add3A_51 = arith.constant 0 : i32
      %add3A_52 = arith.addi %add3A_51, %mul3A_50 : i32
      %broadcast_in_dim3A = arith.constant 0.000000e+00 : f32
      %broadcast_in_dim3A_53 = vector.broadcast %broadcast_in_dim3A : f32 to vector<16xf32>
      %swap3A = arith.index_cast %add3A_52 : i32 to index
      %swap3A_54 = arith.constant 0 : index
      %swap3A_55 = tpu.vector_load %arg11[%swap3A, %swap3A_54] {strides = array<i32>} : memref<128x16xf32, #tpu.memory_space<vmem>>, vector<1x16xf32>,
      %swap3A_56 = vector.shape_cast %swap3A_55 : vector<1x16xf32> to vector<16xf32>
      %swap3A_57 = vector.shape_cast %broadcast_in_dim3A_53 : vector<16xf32> to vector<1x16xf32>
      tpu.vector_store %arg11[%swap3A, %swap3A_54], %swap3A_57 {strides = array<i32>} : memref<128x16xf32, #tpu.memory_space<vmem>>, vector<1x16xf32>,
      %scan3A_58 = arith.constant 0 : i32
      %scan3A_59 = arith.constant 4 : i32
      %scan3A_60 = arith.addi %scan3A_58, %scan3A_59 : i32
      %scan3A_61 = arith.constant 1 : i32
      scf.for %scan3A_63 = %scan3A_58 to %scan3A_60 step %scan3A_61  : i32 {
        %mul3A_64 = arith.constant 16 : i32
        %mul3A_65 = arith.muli %scan3A_63, %mul3A_64 : i32
        %add3A_66 = arith.constant 0 : i32
        %add3A_67 = arith.addi %add3A_66, %mul3A_65 : i32
        %broadcast_in_dim3A_68 = arith.constant 0.000000e+00 : f32
        %broadcast_in_dim3A_69 = vector.broadcast %broadcast_in_dim3A_68 : f32 to vector<16xf32>
        %swap3A_70 = arith.index_cast %add3A_52 : i32 to index
        %swap3A_71 = arith.index_cast %add3A_67 : i32 to index
        %swap3A_72 = tpu.vector_load %arg9[%swap3A_70, %swap3A_71] {strides = array<i32>} : memref<128x64xf32, #tpu.memory_space<vmem>>, vector<1x16xf32>,
        %swap3A_73 = vector.shape_cast %swap3A_72 : vector<1x16xf32> to vector<16xf32>
        %swap3A_74 = vector.shape_cast %broadcast_in_dim3A_69 : vector<16xf32> to vector<1x16xf32>
        tpu.vector_store %arg9[%swap3A_70, %swap3A_71], %swap3A_74 {strides = array<i32>} : memref<128x64xf32, #tpu.memory_space<vmem>>, vector<1x16xf32>,
      }
      %scan3A_62 = arith.constant 4 : i32
    }
    %scan3A_12 = arith.constant 128 : i32
    %scan3A_13 = arith.constant 0 : i32
    %scan3A_14 = arith.constant 5 : i32
    %scan3A_15 = arith.addi %scan3A_13, %scan3A_14 : i32
    %scan3A_16 = arith.constant 1 : i32
    scf.for %scan3A_48 = %scan3A_13 to %scan3A_15 step %scan3A_16  : i32 {
      %mul3A_49 = arith.constant 128 : i32
      %mul3A_50 = arith.muli %scan3A_48, %mul3A_49 : i32
      %add3A_51 = arith.constant 0 : i32
      %add3A_52 = arith.addi %add3A_51, %mul3A_50 : i32
      %mul3A_53 = arith.constant 640 : i32
      %mul3A_54 = arith.muli %arg1, %mul3A_53 : i32
      %add3A_55 = arith.addi %mul3A_54, %add3A_52 : i32
      "tpu.region"() ({
        %run_scoped3A = tpu.sem_alloc : memref<!tpu.dma_semaphore, #tpu.memory_space<semaphore_mem>>
        %dma_start3A = arith.constant 0 : i32
        %dma_start3A_59 = tpu.memref_slice %arg12[%add3A_55, %dma_start3A] : memref<10240x64xf32, #tpu.memory_space<vmem_shared>> -> memref<128x64xf32, #tpu.memory_space<vmem_shared>>
        %dma_start3A_60 = arith.constant 0 : i32
        %dma_start3A_61 = tpu.memref_slice %arg12[%add3A_55, %dma_start3A_60] : memref<10240x64xf32, #tpu.memory_space<vmem_shared>> -> memref<128x64xf32, #tpu.memory_space<vmem_shared>>
        tpu.enqueue_dma source(%arg9 : memref<128x64xf32, #tpu.memory_space<vmem>>) target(%dma_start3A_61 : memref<128x64xf32, #tpu.memory_space<vmem_shared>>) target_semaphore(%run_scoped3A : memref<!tpu.dma_semaphore, #tpu.memory_space<semaphore_mem>>)
        %dma_wait3A = arith.constant 0 : i32
        %dma_wait3A_62 = tpu.memref_slice %arg12[%add3A_55, %dma_wait3A] : memref<10240x64xf32, #tpu.memory_space<vmem_shared>> -> memref<128x64xf32, #tpu.memory_space<vmem_shared>>
        %dma_wait3A_63 = arith.constant 0 : i32
        %dma_wait3A_64 = tpu.memref_slice %arg12[%add3A_55, %dma_wait3A_63] : memref<10240x64xf32, #tpu.memory_space<vmem_shared>> -> memref<128x64xf32, #tpu.memory_space<vmem_shared>>
        tpu.wait_dma2 semaphore(%run_scoped3A : memref<!tpu.dma_semaphore, #tpu.memory_space<semaphore_mem>>) src(%arg9 : memref<128x64xf32, #tpu.memory_space<vmem>>) dst(%dma_wait3A_64 : memref<128x64xf32, #tpu.memory_space<vmem_shared>>)
        tpu.yield
      }) : () -> ()
      %mul3A_56 = arith.constant 640 : i32
      %mul3A_57 = arith.muli %arg1, %mul3A_56 : i32
      %add3A_58 = arith.addi %mul3A_57, %add3A_52 : i32
      "tpu.region"() ({
        %run_scoped3A = tpu.sem_alloc : memref<!tpu.dma_semaphore, #tpu.memory_space<semaphore_mem>>
        %dma_start3A = arith.constant 0 : i32
        %dma_start3A_59 = tpu.memref_slice %arg15[%add3A_58, %dma_start3A] : memref<10240x16xf32, #tpu.memory_space<vmem_shared>> -> memref<128x16xf32, #tpu.memory_space<vmem_shared>>
        %dma_start3A_60 = arith.constant 0 : i32
        %dma_start3A_61 = tpu.memref_slice %arg15[%add3A_58, %dma_start3A_60] : memref<10240x16xf32, #tpu.memory_space<vmem_shared>> -> memref<128x16xf32, #tpu.memory_space<vmem_shared>>
        tpu.enqueue_dma source(%arg11 : memref<128x16xf32, #tpu.memory_space<vmem>>) target(%dma_start3A_61 : memref<128x16xf32, #tpu.memory_space<vmem_shared>>) target_semaphore(%run_scoped3A : memref<!tpu.dma_semaphore, #tpu.memory_space<semaphore_mem>>)
        %dma_wait3A = arith.constant 0 : i32
        %dma_wait3A_62 = tpu.memref_slice %arg15[%add3A_58, %dma_wait3A] : memref<10240x16xf32, #tpu.memory_space<vmem_shared>> -> memref<128x16xf32, #tpu.memory_space<vmem_shared>>
        %dma_wait3A_63 = arith.constant 0 : i32
        %dma_wait3A_64 = tpu.memref_slice %arg15[%add3A_58, %dma_wait3A_63] : memref<10240x16xf32, #tpu.memory_space<vmem_shared>> -> memref<128x16xf32, #tpu.memory_space<vmem_shared>>
        tpu.wait_dma2 semaphore(%run_scoped3A : memref<!tpu.dma_semaphore, #tpu.memory_space<semaphore_mem>>) src(%arg11 : memref<128x16xf32, #tpu.memory_space<vmem>>) dst(%dma_wait3A_64 : memref<128x16xf32, #tpu.memory_space<vmem_shared>>)
        tpu.yield
      }) : () -> ()
    }
    %scan3A_17 = arith.constant 5 : i32
    %scan3A_18 = arith.constant 0 : i32
    %scan3A_19 = arith.constant 128 : i32
    %scan3A_20 = arith.addi %scan3A_18, %scan3A_19 : i32
    %scan3A_21 = arith.constant 1 : i32
    scf.for %scan3A_48 = %scan3A_18 to %scan3A_20 step %scan3A_21  : i32 {
      %mul3A_49 = arith.constant 1 : i32
      %mul3A_50 = arith.muli %scan3A_48, %mul3A_49 : i32
      %add3A_51 = arith.constant 0 : i32
      %add3A_52 = arith.addi %add3A_51, %mul3A_50 : i32
      %broadcast_in_dim3A = arith.constant 1.000000e+00 : f32
      %broadcast_in_dim3A_53 = vector.broadcast %broadcast_in_dim3A : f32 to vector<16xf32>
      %swap3A = arith.index_cast %add3A_52 : i32 to index
      %swap3A_54 = arith.constant 0 : index
      %swap3A_55 = tpu.vector_load %arg11[%swap3A, %swap3A_54] {strides = array<i32>} : memref<128x16xf32, #tpu.memory_space<vmem>>, vector<1x16xf32>,
      %swap3A_56 = vector.shape_cast %swap3A_55 : vector<1x16xf32> to vector<16xf32>
      %swap3A_57 = vector.shape_cast %broadcast_in_dim3A_53 : vector<16xf32> to vector<1x16xf32>
      tpu.vector_store %arg11[%swap3A, %swap3A_54], %swap3A_57 {strides = array<i32>} : memref<128x16xf32, #tpu.memory_space<vmem>>, vector<1x16xf32>,
    }
    %scan3A_22 = arith.constant 128 : i32
    %barrier3A = arith.constant 0 : index
    tpu.barrier barrier_id(%barrier3A)
    %sub3A = arith.constant 0 : i32
    %sub3A_23 = arith.subi %select_n3A, %sub3A : i32
    %sub3A_24 = arith.constant 8 : i32
    %sub3A_25 = arith.constant 1 : i32
    %sub3A_26 = arith.subi %sub3A_24, %sub3A_25 : i32
    %add3A_27 = arith.addi %sub3A_23, %sub3A_26 : i32
    %div3A = arith.constant 8 : i32
    %div3A_28 = arith.divsi %add3A_27, %div3A : i32
    %while3A = arith.constant 8 : i32
    %while3A_29 = arith.constant 0 : i32
    %while3A_30 = arith.constant 0 : i32
    %while3A_31 = arith.subi %div3A_28, %while3A_30 : i32
    %while3A_32 = arith.addi %while3A_30, %while3A_31 : i32
    %while3A_33 = arith.constant 1 : i32
    %while3A_34 = arith.divsi %while3A_31, %while3A_33 : i32
    %while3A_35 = arith.muli %while3A_34, %while3A_33 : i32
    %while3A_36 = arith.addi %while3A_30, %while3A_35 : i32
    %while3A_37 = arith.constant 1 : i32
    scf.for %while3A_48 = %while3A_30 to %while3A_36 step %while3A_37  : i32 {
      %mul3A_49 = arith.muli %while3A_48, %while3A : i32
      %add3A_50 = arith.addi %while3A_29, %mul3A_49 : i32
      %add3A_51 = arith.addi %select_n3A_8, %add3A_50 : i32
      "tpu.region"() ({
        %run_scoped3A_177 = tpu.sem_alloc : memref<!tpu.dma_semaphore, #tpu.memory_space<semaphore_mem>>
        %dma_start3A_178 = arith.constant 0 : i32
        %dma_start3A_179 = tpu.memref_slice %arg3[%add3A_51, %dma_start3A_178] : memref<2560x128xi32, #tpu.memory_space<hbm>> -> memref<8x128xi32, #tpu.memory_space<hbm>>
        %dma_start3A_180 = arith.constant 0 : i32
        %dma_start3A_181 = tpu.memref_slice %arg3[%add3A_51, %dma_start3A_180] : memref<2560x128xi32, #tpu.memory_space<hbm>> -> memref<8x128xi32, #tpu.memory_space<hbm>>
        tpu.enqueue_dma source(%dma_start3A_181 : memref<8x128xi32, #tpu.memory_space<hbm>>) target(%arg7 : memref<8x128xi32, #tpu.memory_space<vmem>>) target_semaphore(%run_scoped3A_177 : memref<!tpu.dma_semaphore, #tpu.memory_space<semaphore_mem>>)
        %dma_wait3A_182 = arith.constant 0 : i32
        %dma_wait3A_183 = tpu.memref_slice %arg3[%add3A_51, %dma_wait3A_182] : memref<2560x128xi32, #tpu.memory_space<hbm>> -> memref<8x128xi32, #tpu.memory_space<hbm>>
        %dma_wait3A_184 = arith.constant 0 : i32
        %dma_wait3A_185 = tpu.memref_slice %arg3[%add3A_51, %dma_wait3A_184] : memref<2560x128xi32, #tpu.memory_space<hbm>> -> memref<8x128xi32, #tpu.memory_space<hbm>>
        tpu.wait_dma2 semaphore(%run_scoped3A_177 : memref<!tpu.dma_semaphore, #tpu.memory_space<semaphore_mem>>) src(%dma_wait3A_185 : memref<8x128xi32, #tpu.memory_space<hbm>>) dst(%arg7 : memref<8x128xi32, #tpu.memory_space<vmem>>)
        tpu.yield
      }) : () -> ()
      "tpu.region"() ({
        %run_scoped3A_177 = tpu.sem_alloc : memref<!tpu.dma_semaphore, #tpu.memory_space<semaphore_mem>>
        %dma_start3A_178 = arith.constant 0 : i32
        %dma_start3A_179 = tpu.memref_slice %arg4[%add3A_51, %dma_start3A_178] : memref<2560x128xi32, #tpu.memory_space<hbm>> -> memref<8x128xi32, #tpu.memory_space<hbm>>
        %dma_start3A_180 = arith.constant 0 : i32
        %dma_start3A_181 = tpu.memref_slice %arg4[%add3A_51, %dma_start3A_180] : memref<2560x128xi32, #tpu.memory_space<hbm>> -> memref<8x128xi32, #tpu.memory_space<hbm>>
        tpu.enqueue_dma source(%dma_start3A_181 : memref<8x128xi32, #tpu.memory_space<hbm>>) target(%arg8 : memref<8x128xi32, #tpu.memory_space<vmem>>) target_semaphore(%run_scoped3A_177 : memref<!tpu.dma_semaphore, #tpu.memory_space<semaphore_mem>>)
        %dma_wait3A_182 = arith.constant 0 : i32
        %dma_wait3A_183 = tpu.memref_slice %arg4[%add3A_51, %dma_wait3A_182] : memref<2560x128xi32, #tpu.memory_space<hbm>> -> memref<8x128xi32, #tpu.memory_space<hbm>>
        %dma_wait3A_184 = arith.constant 0 : i32
        %dma_wait3A_185 = tpu.memref_slice %arg4[%add3A_51, %dma_wait3A_184] : memref<2560x128xi32, #tpu.memory_space<hbm>> -> memref<8x128xi32, #tpu.memory_space<hbm>>
        tpu.wait_dma2 semaphore(%run_scoped3A_177 : memref<!tpu.dma_semaphore, #tpu.memory_space<semaphore_mem>>) src(%dma_wait3A_185 : memref<8x128xi32, #tpu.memory_space<hbm>>) dst(%arg8 : memref<8x128xi32, #tpu.memory_space<vmem>>)
        tpu.yield
      }) : () -> ()
      %dma_start3A = arith.constant 0 : i32
      %dma_start3A_52 = arith.constant 0 : i32
      %dma_start3A_53 = tpu.memref_slice %arg7[%dma_start3A, %dma_start3A_52] : memref<8x128xi32, #tpu.memory_space<vmem>> -> memref<1x128xi32, #tpu.memory_space<vmem>>
      %dma_start3A_54 = tpu.memref_squeeze %dma_start3A_53 : memref<1x128xi32, #tpu.memory_space<vmem>> -> memref<128xi32, #tpu.memory_space<vmem>>
      %dma_start3A_55 = arith.constant 0 : i32
      %dma_start3A_56 = arith.constant 0 : i32
      %dma_start3A_57 = tpu.memref_slice %arg2[%dma_start3A_55, %dma_start3A_56] : memref<10000x64xf32, #tpu.memory_space<hbm>> -> memref<10000x64xf32, #tpu.memory_space<hbm>>
      tpu.enqueue_indirect_dma source(%dma_start3A_57 : memref<10000x64xf32, #tpu.memory_space<hbm>>) target(%arg9 : memref<128x64xf32, #tpu.memory_space<vmem>>) offsets(%dma_start3A_54 : memref<128xi32, #tpu.memory_space<vmem>>) semaphore(%arg13 : memref<!tpu.dma_semaphore, #tpu.memory_space<semaphore_mem>>)
      %dma_wait3A = arith.constant 0 : i32
      %dma_wait3A_58 = arith.constant 0 : i32
      %dma_wait3A_59 = tpu.memref_slice %arg7[%dma_wait3A, %dma_wait3A_58] : memref<8x128xi32, #tpu.memory_space<vmem>> -> memref<1x128xi32, #tpu.memory_space<vmem>>
      %dma_wait3A_60 = tpu.memref_squeeze %dma_wait3A_59 : memref<1x128xi32, #tpu.memory_space<vmem>> -> memref<128xi32, #tpu.memory_space<vmem>>
      %dma_wait3A_61 = arith.constant 0 : i32
      %dma_wait3A_62 = arith.constant 0 : i32
      %dma_wait3A_63 = tpu.memref_slice %arg2[%dma_wait3A_61, %dma_wait3A_62] : memref<10000x64xf32, #tpu.memory_space<hbm>> -> memref<10000x64xf32, #tpu.memory_space<hbm>>
      tpu.wait_indirect_dma semaphore(%arg13 : memref<!tpu.dma_semaphore, #tpu.memory_space<semaphore_mem>>) src(%dma_wait3A_63 : memref<10000x64xf32, #tpu.memory_space<hbm>>) dst(%arg9 : memref<128x64xf32, #tpu.memory_space<vmem>>)
      %dma_start3A_64 = arith.constant 1 : i32
      %dma_start3A_65 = arith.constant 0 : i32
      %dma_start3A_66 = tpu.memref_slice %arg7[%dma_start3A_64, %dma_start3A_65] : memref<8x128xi32, #tpu.memory_space<vmem>> -> memref<1x128xi32, #tpu.memory_space<vmem>>
      %dma_start3A_67 = tpu.memref_squeeze %dma_start3A_66 : memref<1x128xi32, #tpu.memory_space<vmem>> -> memref<128xi32, #tpu.memory_space<vmem>>
      %dma_start3A_68 = arith.constant 0 : i32
      %dma_start3A_69 = arith.constant 0 : i32
      %dma_start3A_70 = tpu.memref_slice %arg2[%dma_start3A_68, %dma_start3A_69] : memref<10000x64xf32, #tpu.memory_space<hbm>> -> memref<10000x64xf32, #tpu.memory_space<hbm>>
      tpu.enqueue_indirect_dma source(%dma_start3A_70 : memref<10000x64xf32, #tpu.memory_space<hbm>>) target(%arg10 : memref<128x64xf32, #tpu.memory_space<vmem>>) offsets(%dma_start3A_67 : memref<128xi32, #tpu.memory_space<vmem>>) semaphore(%arg14 : memref<!tpu.dma_semaphore, #tpu.memory_space<semaphore_mem>>)
      %run_scoped3A = arith.constant 0 : i32
      "tpu.region"() ({
        %run_scoped3A_177 = tpu.sem_alloc : memref<!tpu.dma_semaphore, #tpu.memory_space<semaphore_mem>>
        %dma_start3A_178 = arith.constant 0 : i32
        %dma_start3A_179 = tpu.memref_slice %arg8[%run_scoped3A, %dma_start3A_178] : memref<8x128xi32, #tpu.memory_space<vmem>> -> memref<1x128xi32, #tpu.memory_space<vmem>>
        %dma_start3A_180 = tpu.memref_squeeze %dma_start3A_179 : memref<1x128xi32, #tpu.memory_space<vmem>> -> memref<128xi32, #tpu.memory_space<vmem>>
        %dma_start3A_181 = arith.constant 0 : i32
        %dma_start3A_182 = arith.constant 0 : i32
        %dma_start3A_183 = tpu.memref_slice %arg15[%dma_start3A_181, %dma_start3A_182] : memref<10240x16xf32, #tpu.memory_space<vmem_shared>> -> memref<10240x16xf32, #tpu.memory_space<vmem_shared>>
        tpu.enqueue_indirect_dma source(%arg11 : memref<128x16xf32, #tpu.memory_space<vmem>>) target(%dma_start3A_183 : memref<10240x16xf32, #tpu.memory_space<vmem_shared>>) offsets(%dma_start3A_180 : memref<128xi32, #tpu.memory_space<vmem>>) semaphore(%run_scoped3A_177 : memref<!tpu.dma_semaphore, #tpu.memory_space<semaphore_mem>>) {add = true}
        %dma_wait3A_184 = arith.constant 0 : i32
        %dma_wait3A_185 = tpu.memref_slice %arg8[%run_scoped3A, %dma_wait3A_184] : memref<8x128xi32, #tpu.memory_space<vmem>> -> memref<1x128xi32, #tpu.memory_space<vmem>>
        %dma_wait3A_186 = tpu.memref_squeeze %dma_wait3A_185 : memref<1x128xi32, #tpu.memory_space<vmem>> -> memref<128xi32, #tpu.memory_space<vmem>>
        %dma_wait3A_187 = arith.constant 0 : i32
        %dma_wait3A_188 = arith.constant 0 : i32
        %dma_wait3A_189 = tpu.memref_slice %arg15[%dma_wait3A_187, %dma_wait3A_188] : memref<10240x16xf32, #tpu.memory_space<vmem_shared>> -> memref<10240x16xf32, #tpu.memory_space<vmem_shared>>
        tpu.wait_indirect_dma semaphore(%run_scoped3A_177 : memref<!tpu.dma_semaphore, #tpu.memory_space<semaphore_mem>>) src(%arg11 : memref<128x16xf32, #tpu.memory_space<vmem>>) dst(%dma_wait3A_189 : memref<10240x16xf32, #tpu.memory_space<vmem_shared>>)
        tpu.yield
      }) : () -> ()
      %run_scoped3A_71 = arith.constant 0 : i32
      "tpu.region"() ({
        %run_scoped3A_177 = tpu.sem_alloc : memref<!tpu.dma_semaphore, #tpu.memory_space<semaphore_mem>>
        %dma_start3A_178 = arith.constant 0 : i32
        %dma_start3A_179 = tpu.memref_slice %arg8[%run_scoped3A_71, %dma_start3A_178] : memref<8x128xi32, #tpu.memory_space<vmem>> -> memref<1x128xi32, #tpu.memory_space<vmem>>
        %dma_start3A_180 = tpu.memref_squeeze %dma_start3A_179 : memref<1x128xi32, #tpu.memory_space<vmem>> -> memref<128xi32, #tpu.memory_space<vmem>>
        %dma_start3A_181 = arith.constant 0 : i32
        %dma_start3A_182 = arith.constant 0 : i32
        %dma_start3A_183 = tpu.memref_slice %arg12[%dma_start3A_181, %dma_start3A_182] : memref<10240x64xf32, #tpu.memory_space<vmem_shared>> -> memref<10240x64xf32, #tpu.memory_space<vmem_shared>>
        tpu.enqueue_indirect_dma source(%arg9 : memref<128x64xf32, #tpu.memory_space<vmem>>) target(%dma_start3A_183 : memref<10240x64xf32, #tpu.memory_space<vmem_shared>>) offsets(%dma_start3A_180 : memref<128xi32, #tpu.memory_space<vmem>>) semaphore(%run_scoped3A_177 : memref<!tpu.dma_semaphore, #tpu.memory_space<semaphore_mem>>) {add = true}
        %dma_wait3A_184 = arith.constant 0 : i32
        %dma_wait3A_185 = tpu.memref_slice %arg8[%run_scoped3A_71, %dma_wait3A_184] : memref<8x128xi32, #tpu.memory_space<vmem>> -> memref<1x128xi32, #tpu.memory_space<vmem>>
        %dma_wait3A_186 = tpu.memref_squeeze %dma_wait3A_185 : memref<1x128xi32, #tpu.memory_space<vmem>> -> memref<128xi32, #tpu.memory_space<vmem>>
        %dma_wait3A_187 = arith.constant 0 : i32
        %dma_wait3A_188 = arith.constant 0 : i32
        %dma_wait3A_189 = tpu.memref_slice %arg12[%dma_wait3A_187, %dma_wait3A_188] : memref<10240x64xf32, #tpu.memory_space<vmem_shared>> -> memref<10240x64xf32, #tpu.memory_space<vmem_shared>>
        tpu.wait_indirect_dma semaphore(%run_scoped3A_177 : memref<!tpu.dma_semaphore, #tpu.memory_space<semaphore_mem>>) src(%arg9 : memref<128x64xf32, #tpu.memory_space<vmem>>) dst(%dma_wait3A_189 : memref<10240x64xf32, #tpu.memory_space<vmem_shared>>)
        tpu.yield
      }) : () -> ()
      %dma_wait3A_72 = arith.constant 1 : i32
      %dma_wait3A_73 = arith.constant 0 : i32
      %dma_wait3A_74 = tpu.memref_slice %arg7[%dma_wait3A_72, %dma_wait3A_73] : memref<8x128xi32, #tpu.memory_space<vmem>> -> memref<1x128xi32, #tpu.memory_space<vmem>>
      %dma_wait3A_75 = tpu.memref_squeeze %dma_wait3A_74 : memref<1x128xi32, #tpu.memory_space<vmem>> -> memref<128xi32, #tpu.memory_space<vmem>>
      %dma_wait3A_76 = arith.constant 0 : i32
      %dma_wait3A_77 = arith.constant 0 : i32
      %dma_wait3A_78 = tpu.memref_slice %arg2[%dma_wait3A_76, %dma_wait3A_77] : memref<10000x64xf32, #tpu.memory_space<hbm>> -> memref<10000x64xf32, #tpu.memory_space<hbm>>
      tpu.wait_indirect_dma semaphore(%arg14 : memref<!tpu.dma_semaphore, #tpu.memory_space<semaphore_mem>>) src(%dma_wait3A_78 : memref<10000x64xf32, #tpu.memory_space<hbm>>) dst(%arg10 : memref<128x64xf32, #tpu.memory_space<vmem>>)
      %dma_start3A_79 = arith.constant 2 : i32
      %dma_start3A_80 = arith.constant 0 : i32
      %dma_start3A_81 = tpu.memref_slice %arg7[%dma_start3A_79, %dma_start3A_80] : memref<8x128xi32, #tpu.memory_space<vmem>> -> memref<1x128xi32, #tpu.memory_space<vmem>>
      %dma_start3A_82 = tpu.memref_squeeze %dma_start3A_81 : memref<1x128xi32, #tpu.memory_space<vmem>> -> memref<128xi32, #tpu.memory_space<vmem>>
      %dma_start3A_83 = arith.constant 0 : i32
      %dma_start3A_84 = arith.constant 0 : i32
      %dma_start3A_85 = tpu.memref_slice %arg2[%dma_start3A_83, %dma_start3A_84] : memref<10000x64xf32, #tpu.memory_space<hbm>> -> memref<10000x64xf32, #tpu.memory_space<hbm>>
      tpu.enqueue_indirect_dma source(%dma_start3A_85 : memref<10000x64xf32, #tpu.memory_space<hbm>>) target(%arg9 : memref<128x64xf32, #tpu.memory_space<vmem>>) offsets(%dma_start3A_82 : memref<128xi32, #tpu.memory_space<vmem>>) semaphore(%arg13 : memref<!tpu.dma_semaphore, #tpu.memory_space<semaphore_mem>>)
      %run_scoped3A_86 = arith.constant 1 : i32
      "tpu.region"() ({
        %run_scoped3A_177 = tpu.sem_alloc : memref<!tpu.dma_semaphore, #tpu.memory_space<semaphore_mem>>
        %dma_start3A_178 = arith.constant 0 : i32
        %dma_start3A_179 = tpu.memref_slice %arg8[%run_scoped3A_86, %dma_start3A_178] : memref<8x128xi32, #tpu.memory_space<vmem>> -> memref<1x128xi32, #tpu.memory_space<vmem>>
        %dma_start3A_180 = tpu.memref_squeeze %dma_start3A_179 : memref<1x128xi32, #tpu.memory_space<vmem>> -> memref<128xi32, #tpu.memory_space<vmem>>
        %dma_start3A_181 = arith.constant 0 : i32
        %dma_start3A_182 = arith.constant 0 : i32
        %dma_start3A_183 = tpu.memref_slice %arg15[%dma_start3A_181, %dma_start3A_182] : memref<10240x16xf32, #tpu.memory_space<vmem_shared>> -> memref<10240x16xf32, #tpu.memory_space<vmem_shared>>
        tpu.enqueue_indirect_dma source(%arg11 : memref<128x16xf32, #tpu.memory_space<vmem>>) target(%dma_start3A_183 : memref<10240x16xf32, #tpu.memory_space<vmem_shared>>) offsets(%dma_start3A_180 : memref<128xi32, #tpu.memory_space<vmem>>) semaphore(%run_scoped3A_177 : memref<!tpu.dma_semaphore, #tpu.memory_space<semaphore_mem>>) {add = true}
        %dma_wait3A_184 = arith.constant 0 : i32
        %dma_wait3A_185 = tpu.memref_slice %arg8[%run_scoped3A_86, %dma_wait3A_184] : memref<8x128xi32, #tpu.memory_space<vmem>> -> memref<1x128xi32, #tpu.memory_space<vmem>>
        %dma_wait3A_186 = tpu.memref_squeeze %dma_wait3A_185 : memref<1x128xi32, #tpu.memory_space<vmem>> -> memref<128xi32, #tpu.memory_space<vmem>>
        %dma_wait3A_187 = arith.constant 0 : i32
        %dma_wait3A_188 = arith.constant 0 : i32
        %dma_wait3A_189 = tpu.memref_slice %arg15[%dma_wait3A_187, %dma_wait3A_188] : memref<10240x16xf32, #tpu.memory_space<vmem_shared>> -> memref<10240x16xf32, #tpu.memory_space<vmem_shared>>
        tpu.wait_indirect_dma semaphore(%run_scoped3A_177 : memref<!tpu.dma_semaphore, #tpu.memory_space<semaphore_mem>>) src(%arg11 : memref<128x16xf32, #tpu.memory_space<vmem>>) dst(%dma_wait3A_189 : memref<10240x16xf32, #tpu.memory_space<vmem_shared>>)
        tpu.yield
      }) : () -> ()
      %run_scoped3A_87 = arith.constant 1 : i32
      "tpu.region"() ({
        %run_scoped3A_177 = tpu.sem_alloc : memref<!tpu.dma_semaphore, #tpu.memory_space<semaphore_mem>>
        %dma_start3A_178 = arith.constant 0 : i32
        %dma_start3A_179 = tpu.memref_slice %arg8[%run_scoped3A_87, %dma_start3A_178] : memref<8x128xi32, #tpu.memory_space<vmem>> -> memref<1x128xi32, #tpu.memory_space<vmem>>
        %dma_start3A_180 = tpu.memref_squeeze %dma_start3A_179 : memref<1x128xi32, #tpu.memory_space<vmem>> -> memref<128xi32, #tpu.memory_space<vmem>>
        %dma_start3A_181 = arith.constant 0 : i32
        %dma_start3A_182 = arith.constant 0 : i32
        %dma_start3A_183 = tpu.memref_slice %arg12[%dma_start3A_181, %dma_start3A_182] : memref<10240x64xf32, #tpu.memory_space<vmem_shared>> -> memref<10240x64xf32, #tpu.memory_space<vmem_shared>>
        tpu.enqueue_indirect_dma source(%arg10 : memref<128x64xf32, #tpu.memory_space<vmem>>) target(%dma_start3A_183 : memref<10240x64xf32, #tpu.memory_space<vmem_shared>>) offsets(%dma_start3A_180 : memref<128xi32, #tpu.memory_space<vmem>>) semaphore(%run_scoped3A_177 : memref<!tpu.dma_semaphore, #tpu.memory_space<semaphore_mem>>) {add = true}
        %dma_wait3A_184 = arith.constant 0 : i32
        %dma_wait3A_185 = tpu.memref_slice %arg8[%run_scoped3A_87, %dma_wait3A_184] : memref<8x128xi32, #tpu.memory_space<vmem>> -> memref<1x128xi32, #tpu.memory_space<vmem>>
        %dma_wait3A_186 = tpu.memref_squeeze %dma_wait3A_185 : memref<1x128xi32, #tpu.memory_space<vmem>> -> memref<128xi32, #tpu.memory_space<vmem>>
        %dma_wait3A_187 = arith.constant 0 : i32
        %dma_wait3A_188 = arith.constant 0 : i32
        %dma_wait3A_189 = tpu.memref_slice %arg12[%dma_wait3A_187, %dma_wait3A_188] : memref<10240x64xf32, #tpu.memory_space<vmem_shared>> -> memref<10240x64xf32, #tpu.memory_space<vmem_shared>>
        tpu.wait_indirect_dma semaphore(%run_scoped3A_177 : memref<!tpu.dma_semaphore, #tpu.memory_space<semaphore_mem>>) src(%arg10 : memref<128x64xf32, #tpu.memory_space<vmem>>) dst(%dma_wait3A_189 : memref<10240x64xf32, #tpu.memory_space<vmem_shared>>)
        tpu.yield
      }) : () -> ()
      %dma_wait3A_88 = arith.constant 2 : i32
      %dma_wait3A_89 = arith.constant 0 : i32
      %dma_wait3A_90 = tpu.memref_slice %arg7[%dma_wait3A_88, %dma_wait3A_89] : memref<8x128xi32, #tpu.memory_space<vmem>> -> memref<1x128xi32, #tpu.memory_space<vmem>>
      %dma_wait3A_91 = tpu.memref_squeeze %dma_wait3A_90 : memref<1x128xi32, #tpu.memory_space<vmem>> -> memref<128xi32, #tpu.memory_space<vmem>>
      %dma_wait3A_92 = arith.constant 0 : i32
      %dma_wait3A_93 = arith.constant 0 : i32
      %dma_wait3A_94 = tpu.memref_slice %arg2[%dma_wait3A_92, %dma_wait3A_93] : memref<10000x64xf32, #tpu.memory_space<hbm>> -> memref<10000x64xf32, #tpu.memory_space<hbm>>
      tpu.wait_indirect_dma semaphore(%arg13 : memref<!tpu.dma_semaphore, #tpu.memory_space<semaphore_mem>>) src(%dma_wait3A_94 : memref<10000x64xf32, #tpu.memory_space<hbm>>) dst(%arg9 : memref<128x64xf32, #tpu.memory_space<vmem>>)
      %dma_start3A_95 = arith.constant 3 : i32
      %dma_start3A_96 = arith.constant 0 : i32
      %dma_start3A_97 = tpu.memref_slice %arg7[%dma_start3A_95, %dma_start3A_96] : memref<8x128xi32, #tpu.memory_space<vmem>> -> memref<1x128xi32, #tpu.memory_space<vmem>>
      %dma_start3A_98 = tpu.memref_squeeze %dma_start3A_97 : memref<1x128xi32, #tpu.memory_space<vmem>> -> memref<128xi32, #tpu.memory_space<vmem>>
      %dma_start3A_99 = arith.constant 0 : i32
      %dma_start3A_100 = arith.constant 0 : i32
      %dma_start3A_101 = tpu.memref_slice %arg2[%dma_start3A_99, %dma_start3A_100] : memref<10000x64xf32, #tpu.memory_space<hbm>> -> memref<10000x64xf32, #tpu.memory_space<hbm>>
      tpu.enqueue_indirect_dma source(%dma_start3A_101 : memref<10000x64xf32, #tpu.memory_space<hbm>>) target(%arg10 : memref<128x64xf32, #tpu.memory_space<vmem>>) offsets(%dma_start3A_98 : memref<128xi32, #tpu.memory_space<vmem>>) semaphore(%arg14 : memref<!tpu.dma_semaphore, #tpu.memory_space<semaphore_mem>>)
      %run_scoped3A_102 = arith.constant 2 : i32
      "tpu.region"() ({
        %run_scoped3A_177 = tpu.sem_alloc : memref<!tpu.dma_semaphore, #tpu.memory_space<semaphore_mem>>
        %dma_start3A_178 = arith.constant 0 : i32
        %dma_start3A_179 = tpu.memref_slice %arg8[%run_scoped3A_102, %dma_start3A_178] : memref<8x128xi32, #tpu.memory_space<vmem>> -> memref<1x128xi32, #tpu.memory_space<vmem>>
        %dma_start3A_180 = tpu.memref_squeeze %dma_start3A_179 : memref<1x128xi32, #tpu.memory_space<vmem>> -> memref<128xi32, #tpu.memory_space<vmem>>
        %dma_start3A_181 = arith.constant 0 : i32
        %dma_start3A_182 = arith.constant 0 : i32
        %dma_start3A_183 = tpu.memref_slice %arg15[%dma_start3A_181, %dma_start3A_182] : memref<10240x16xf32, #tpu.memory_space<vmem_shared>> -> memref<10240x16xf32, #tpu.memory_space<vmem_shared>>
        tpu.enqueue_indirect_dma source(%arg11 : memref<128x16xf32, #tpu.memory_space<vmem>>) target(%dma_start3A_183 : memref<10240x16xf32, #tpu.memory_space<vmem_shared>>) offsets(%dma_start3A_180 : memref<128xi32, #tpu.memory_space<vmem>>) semaphore(%run_scoped3A_177 : memref<!tpu.dma_semaphore, #tpu.memory_space<semaphore_mem>>) {add = true}
        %dma_wait3A_184 = arith.constant 0 : i32
        %dma_wait3A_185 = tpu.memref_slice %arg8[%run_scoped3A_102, %dma_wait3A_184] : memref<8x128xi32, #tpu.memory_space<vmem>> -> memref<1x128xi32, #tpu.memory_space<vmem>>
        %dma_wait3A_186 = tpu.memref_squeeze %dma_wait3A_185 : memref<1x128xi32, #tpu.memory_space<vmem>> -> memref<128xi32, #tpu.memory_space<vmem>>
        %dma_wait3A_187 = arith.constant 0 : i32
        %dma_wait3A_188 = arith.constant 0 : i32
        %dma_wait3A_189 = tpu.memref_slice %arg15[%dma_wait3A_187, %dma_wait3A_188] : memref<10240x16xf32, #tpu.memory_space<vmem_shared>> -> memref<10240x16xf32, #tpu.memory_space<vmem_shared>>
        tpu.wait_indirect_dma semaphore(%run_scoped3A_177 : memref<!tpu.dma_semaphore, #tpu.memory_space<semaphore_mem>>) src(%arg11 : memref<128x16xf32, #tpu.memory_space<vmem>>) dst(%dma_wait3A_189 : memref<10240x16xf32, #tpu.memory_space<vmem_shared>>)
        tpu.yield
      }) : () -> ()
      %run_scoped3A_103 = arith.constant 2 : i32
      "tpu.region"() ({
        %run_scoped3A_177 = tpu.sem_alloc : memref<!tpu.dma_semaphore, #tpu.memory_space<semaphore_mem>>
        %dma_start3A_178 = arith.constant 0 : i32
        %dma_start3A_179 = tpu.memref_slice %arg8[%run_scoped3A_103, %dma_start3A_178] : memref<8x128xi32, #tpu.memory_space<vmem>> -> memref<1x128xi32, #tpu.memory_space<vmem>>
        %dma_start3A_180 = tpu.memref_squeeze %dma_start3A_179 : memref<1x128xi32, #tpu.memory_space<vmem>> -> memref<128xi32, #tpu.memory_space<vmem>>
        %dma_start3A_181 = arith.constant 0 : i32
        %dma_start3A_182 = arith.constant 0 : i32
        %dma_start3A_183 = tpu.memref_slice %arg12[%dma_start3A_181, %dma_start3A_182] : memref<10240x64xf32, #tpu.memory_space<vmem_shared>> -> memref<10240x64xf32, #tpu.memory_space<vmem_shared>>
        tpu.enqueue_indirect_dma source(%arg9 : memref<128x64xf32, #tpu.memory_space<vmem>>) target(%dma_start3A_183 : memref<10240x64xf32, #tpu.memory_space<vmem_shared>>) offsets(%dma_start3A_180 : memref<128xi32, #tpu.memory_space<vmem>>) semaphore(%run_scoped3A_177 : memref<!tpu.dma_semaphore, #tpu.memory_space<semaphore_mem>>) {add = true}
        %dma_wait3A_184 = arith.constant 0 : i32
        %dma_wait3A_185 = tpu.memref_slice %arg8[%run_scoped3A_103, %dma_wait3A_184] : memref<8x128xi32, #tpu.memory_space<vmem>> -> memref<1x128xi32, #tpu.memory_space<vmem>>
        %dma_wait3A_186 = tpu.memref_squeeze %dma_wait3A_185 : memref<1x128xi32, #tpu.memory_space<vmem>> -> memref<128xi32, #tpu.memory_space<vmem>>
        %dma_wait3A_187 = arith.constant 0 : i32
        %dma_wait3A_188 = arith.constant 0 : i32
        %dma_wait3A_189 = tpu.memref_slice %arg12[%dma_wait3A_187, %dma_wait3A_188] : memref<10240x64xf32, #tpu.memory_space<vmem_shared>> -> memref<10240x64xf32, #tpu.memory_space<vmem_shared>>
        tpu.wait_indirect_dma semaphore(%run_scoped3A_177 : memref<!tpu.dma_semaphore, #tpu.memory_space<semaphore_mem>>) src(%arg9 : memref<128x64xf32, #tpu.memory_space<vmem>>) dst(%dma_wait3A_189 : memref<10240x64xf32, #tpu.memory_space<vmem_shared>>)
        tpu.yield
      }) : () -> ()
      %dma_wait3A_104 = arith.constant 3 : i32
      %dma_wait3A_105 = arith.constant 0 : i32
      %dma_wait3A_106 = tpu.memref_slice %arg7[%dma_wait3A_104, %dma_wait3A_105] : memref<8x128xi32, #tpu.memory_space<vmem>> -> memref<1x128xi32, #tpu.memory_space<vmem>>
      %dma_wait3A_107 = tpu.memref_squeeze %dma_wait3A_106 : memref<1x128xi32, #tpu.memory_space<vmem>> -> memref<128xi32, #tpu.memory_space<vmem>>
      %dma_wait3A_108 = arith.constant 0 : i32
      %dma_wait3A_109 = arith.constant 0 : i32
      %dma_wait3A_110 = tpu.memref_slice %arg2[%dma_wait3A_108, %dma_wait3A_109] : memref<10000x64xf32, #tpu.memory_space<hbm>> -> memref<10000x64xf32, #tpu.memory_space<hbm>>
      tpu.wait_indirect_dma semaphore(%arg14 : memref<!tpu.dma_semaphore, #tpu.memory_space<semaphore_mem>>) src(%dma_wait3A_110 : memref<10000x64xf32, #tpu.memory_space<hbm>>) dst(%arg10 : memref<128x64xf32, #tpu.memory_space<vmem>>)
      %dma_start3A_111 = arith.constant 4 : i32
      %dma_start3A_112 = arith.constant 0 : i32
      %dma_start3A_113 = tpu.memref_slice %arg7[%dma_start3A_111, %dma_start3A_112] : memref<8x128xi32, #tpu.memory_space<vmem>> -> memref<1x128xi32, #tpu.memory_space<vmem>>
      %dma_start3A_114 = tpu.memref_squeeze %dma_start3A_113 : memref<1x128xi32, #tpu.memory_space<vmem>> -> memref<128xi32, #tpu.memory_space<vmem>>
      %dma_start3A_115 = arith.constant 0 : i32
      %dma_start3A_116 = arith.constant 0 : i32
      %dma_start3A_117 = tpu.memref_slice %arg2[%dma_start3A_115, %dma_start3A_116] : memref<10000x64xf32, #tpu.memory_space<hbm>> -> memref<10000x64xf32, #tpu.memory_space<hbm>>
      tpu.enqueue_indirect_dma source(%dma_start3A_117 : memref<10000x64xf32, #tpu.memory_space<hbm>>) target(%arg9 : memref<128x64xf32, #tpu.memory_space<vmem>>) offsets(%dma_start3A_114 : memref<128xi32, #tpu.memory_space<vmem>>) semaphore(%arg13 : memref<!tpu.dma_semaphore, #tpu.memory_space<semaphore_mem>>)
      %run_scoped3A_118 = arith.constant 3 : i32
      "tpu.region"() ({
        %run_scoped3A_177 = tpu.sem_alloc : memref<!tpu.dma_semaphore, #tpu.memory_space<semaphore_mem>>
        %dma_start3A_178 = arith.constant 0 : i32
        %dma_start3A_179 = tpu.memref_slice %arg8[%run_scoped3A_118, %dma_start3A_178] : memref<8x128xi32, #tpu.memory_space<vmem>> -> memref<1x128xi32, #tpu.memory_space<vmem>>
        %dma_start3A_180 = tpu.memref_squeeze %dma_start3A_179 : memref<1x128xi32, #tpu.memory_space<vmem>> -> memref<128xi32, #tpu.memory_space<vmem>>
        %dma_start3A_181 = arith.constant 0 : i32
        %dma_start3A_182 = arith.constant 0 : i32
        %dma_start3A_183 = tpu.memref_slice %arg15[%dma_start3A_181, %dma_start3A_182] : memref<10240x16xf32, #tpu.memory_space<vmem_shared>> -> memref<10240x16xf32, #tpu.memory_space<vmem_shared>>
        tpu.enqueue_indirect_dma source(%arg11 : memref<128x16xf32, #tpu.memory_space<vmem>>) target(%dma_start3A_183 : memref<10240x16xf32, #tpu.memory_space<vmem_shared>>) offsets(%dma_start3A_180 : memref<128xi32, #tpu.memory_space<vmem>>) semaphore(%run_scoped3A_177 : memref<!tpu.dma_semaphore, #tpu.memory_space<semaphore_mem>>) {add = true}
        %dma_wait3A_184 = arith.constant 0 : i32
        %dma_wait3A_185 = tpu.memref_slice %arg8[%run_scoped3A_118, %dma_wait3A_184] : memref<8x128xi32, #tpu.memory_space<vmem>> -> memref<1x128xi32, #tpu.memory_space<vmem>>
        %dma_wait3A_186 = tpu.memref_squeeze %dma_wait3A_185 : memref<1x128xi32, #tpu.memory_space<vmem>> -> memref<128xi32, #tpu.memory_space<vmem>>
        %dma_wait3A_187 = arith.constant 0 : i32
        %dma_wait3A_188 = arith.constant 0 : i32
        %dma_wait3A_189 = tpu.memref_slice %arg15[%dma_wait3A_187, %dma_wait3A_188] : memref<10240x16xf32, #tpu.memory_space<vmem_shared>> -> memref<10240x16xf32, #tpu.memory_space<vmem_shared>>
        tpu.wait_indirect_dma semaphore(%run_scoped3A_177 : memref<!tpu.dma_semaphore, #tpu.memory_space<semaphore_mem>>) src(%arg11 : memref<128x16xf32, #tpu.memory_space<vmem>>) dst(%dma_wait3A_189 : memref<10240x16xf32, #tpu.memory_space<vmem_shared>>)
        tpu.yield
      }) : () -> ()
      %run_scoped3A_119 = arith.constant 3 : i32
      "tpu.region"() ({
        %run_scoped3A_177 = tpu.sem_alloc : memref<!tpu.dma_semaphore, #tpu.memory_space<semaphore_mem>>
        %dma_start3A_178 = arith.constant 0 : i32
        %dma_start3A_179 = tpu.memref_slice %arg8[%run_scoped3A_119, %dma_start3A_178] : memref<8x128xi32, #tpu.memory_space<vmem>> -> memref<1x128xi32, #tpu.memory_space<vmem>>
        %dma_start3A_180 = tpu.memref_squeeze %dma_start3A_179 : memref<1x128xi32, #tpu.memory_space<vmem>> -> memref<128xi32, #tpu.memory_space<vmem>>
        %dma_start3A_181 = arith.constant 0 : i32
        %dma_start3A_182 = arith.constant 0 : i32
        %dma_start3A_183 = tpu.memref_slice %arg12[%dma_start3A_181, %dma_start3A_182] : memref<10240x64xf32, #tpu.memory_space<vmem_shared>> -> memref<10240x64xf32, #tpu.memory_space<vmem_shared>>
        tpu.enqueue_indirect_dma source(%arg10 : memref<128x64xf32, #tpu.memory_space<vmem>>) target(%dma_start3A_183 : memref<10240x64xf32, #tpu.memory_space<vmem_shared>>) offsets(%dma_start3A_180 : memref<128xi32, #tpu.memory_space<vmem>>) semaphore(%run_scoped3A_177 : memref<!tpu.dma_semaphore, #tpu.memory_space<semaphore_mem>>) {add = true}
        %dma_wait3A_184 = arith.constant 0 : i32
        %dma_wait3A_185 = tpu.memref_slice %arg8[%run_scoped3A_119, %dma_wait3A_184] : memref<8x128xi32, #tpu.memory_space<vmem>> -> memref<1x128xi32, #tpu.memory_space<vmem>>
        %dma_wait3A_186 = tpu.memref_squeeze %dma_wait3A_185 : memref<1x128xi32, #tpu.memory_space<vmem>> -> memref<128xi32, #tpu.memory_space<vmem>>
        %dma_wait3A_187 = arith.constant 0 : i32
        %dma_wait3A_188 = arith.constant 0 : i32
        %dma_wait3A_189 = tpu.memref_slice %arg12[%dma_wait3A_187, %dma_wait3A_188] : memref<10240x64xf32, #tpu.memory_space<vmem_shared>> -> memref<10240x64xf32, #tpu.memory_space<vmem_shared>>
        tpu.wait_indirect_dma semaphore(%run_scoped3A_177 : memref<!tpu.dma_semaphore, #tpu.memory_space<semaphore_mem>>) src(%arg10 : memref<128x64xf32, #tpu.memory_space<vmem>>) dst(%dma_wait3A_189 : memref<10240x64xf32, #tpu.memory_space<vmem_shared>>)
        tpu.yield
      }) : () -> ()
      %dma_wait3A_120 = arith.constant 4 : i32
      %dma_wait3A_121 = arith.constant 0 : i32
      %dma_wait3A_122 = tpu.memref_slice %arg7[%dma_wait3A_120, %dma_wait3A_121] : memref<8x128xi32, #tpu.memory_space<vmem>> -> memref<1x128xi32, #tpu.memory_space<vmem>>
      %dma_wait3A_123 = tpu.memref_squeeze %dma_wait3A_122 : memref<1x128xi32, #tpu.memory_space<vmem>> -> memref<128xi32, #tpu.memory_space<vmem>>
      %dma_wait3A_124 = arith.constant 0 : i32
      %dma_wait3A_125 = arith.constant 0 : i32
      %dma_wait3A_126 = tpu.memref_slice %arg2[%dma_wait3A_124, %dma_wait3A_125] : memref<10000x64xf32, #tpu.memory_space<hbm>> -> memref<10000x64xf32, #tpu.memory_space<hbm>>
      tpu.wait_indirect_dma semaphore(%arg13 : memref<!tpu.dma_semaphore, #tpu.memory_space<semaphore_mem>>) src(%dma_wait3A_126 : memref<10000x64xf32, #tpu.memory_space<hbm>>) dst(%arg9 : memref<128x64xf32, #tpu.memory_space<vmem>>)
      %dma_start3A_127 = arith.constant 5 : i32
      %dma_start3A_128 = arith.constant 0 : i32
      %dma_start3A_129 = tpu.memref_slice %arg7[%dma_start3A_127, %dma_start3A_128] : memref<8x128xi32, #tpu.memory_space<vmem>> -> memref<1x128xi32, #tpu.memory_space<vmem>>
      %dma_start3A_130 = tpu.memref_squeeze %dma_start3A_129 : memref<1x128xi32, #tpu.memory_space<vmem>> -> memref<128xi32, #tpu.memory_space<vmem>>
      %dma_start3A_131 = arith.constant 0 : i32
      %dma_start3A_132 = arith.constant 0 : i32
      %dma_start3A_133 = tpu.memref_slice %arg2[%dma_start3A_131, %dma_start3A_132] : memref<10000x64xf32, #tpu.memory_space<hbm>> -> memref<10000x64xf32, #tpu.memory_space<hbm>>
      tpu.enqueue_indirect_dma source(%dma_start3A_133 : memref<10000x64xf32, #tpu.memory_space<hbm>>) target(%arg10 : memref<128x64xf32, #tpu.memory_space<vmem>>) offsets(%dma_start3A_130 : memref<128xi32, #tpu.memory_space<vmem>>) semaphore(%arg14 : memref<!tpu.dma_semaphore, #tpu.memory_space<semaphore_mem>>)
      %run_scoped3A_134 = arith.constant 4 : i32
      "tpu.region"() ({
        %run_scoped3A_177 = tpu.sem_alloc : memref<!tpu.dma_semaphore, #tpu.memory_space<semaphore_mem>>
        %dma_start3A_178 = arith.constant 0 : i32
        %dma_start3A_179 = tpu.memref_slice %arg8[%run_scoped3A_134, %dma_start3A_178] : memref<8x128xi32, #tpu.memory_space<vmem>> -> memref<1x128xi32, #tpu.memory_space<vmem>>
        %dma_start3A_180 = tpu.memref_squeeze %dma_start3A_179 : memref<1x128xi32, #tpu.memory_space<vmem>> -> memref<128xi32, #tpu.memory_space<vmem>>
        %dma_start3A_181 = arith.constant 0 : i32
        %dma_start3A_182 = arith.constant 0 : i32
        %dma_start3A_183 = tpu.memref_slice %arg15[%dma_start3A_181, %dma_start3A_182] : memref<10240x16xf32, #tpu.memory_space<vmem_shared>> -> memref<10240x16xf32, #tpu.memory_space<vmem_shared>>
        tpu.enqueue_indirect_dma source(%arg11 : memref<128x16xf32, #tpu.memory_space<vmem>>) target(%dma_start3A_183 : memref<10240x16xf32, #tpu.memory_space<vmem_shared>>) offsets(%dma_start3A_180 : memref<128xi32, #tpu.memory_space<vmem>>) semaphore(%run_scoped3A_177 : memref<!tpu.dma_semaphore, #tpu.memory_space<semaphore_mem>>) {add = true}
        %dma_wait3A_184 = arith.constant 0 : i32
        %dma_wait3A_185 = tpu.memref_slice %arg8[%run_scoped3A_134, %dma_wait3A_184] : memref<8x128xi32, #tpu.memory_space<vmem>> -> memref<1x128xi32, #tpu.memory_space<vmem>>
        %dma_wait3A_186 = tpu.memref_squeeze %dma_wait3A_185 : memref<1x128xi32, #tpu.memory_space<vmem>> -> memref<128xi32, #tpu.memory_space<vmem>>
        %dma_wait3A_187 = arith.constant 0 : i32
        %dma_wait3A_188 = arith.constant 0 : i32
        %dma_wait3A_189 = tpu.memref_slice %arg15[%dma_wait3A_187, %dma_wait3A_188] : memref<10240x16xf32, #tpu.memory_space<vmem_shared>> -> memref<10240x16xf32, #tpu.memory_space<vmem_shared>>
        tpu.wait_indirect_dma semaphore(%run_scoped3A_177 : memref<!tpu.dma_semaphore, #tpu.memory_space<semaphore_mem>>) src(%arg11 : memref<128x16xf32, #tpu.memory_space<vmem>>) dst(%dma_wait3A_189 : memref<10240x16xf32, #tpu.memory_space<vmem_shared>>)
        tpu.yield
      }) : () -> ()
      %run_scoped3A_135 = arith.constant 4 : i32
      "tpu.region"() ({
        %run_scoped3A_177 = tpu.sem_alloc : memref<!tpu.dma_semaphore, #tpu.memory_space<semaphore_mem>>
        %dma_start3A_178 = arith.constant 0 : i32
        %dma_start3A_179 = tpu.memref_slice %arg8[%run_scoped3A_135, %dma_start3A_178] : memref<8x128xi32, #tpu.memory_space<vmem>> -> memref<1x128xi32, #tpu.memory_space<vmem>>
        %dma_start3A_180 = tpu.memref_squeeze %dma_start3A_179 : memref<1x128xi32, #tpu.memory_space<vmem>> -> memref<128xi32, #tpu.memory_space<vmem>>
        %dma_start3A_181 = arith.constant 0 : i32
        %dma_start3A_182 = arith.constant 0 : i32
        %dma_start3A_183 = tpu.memref_slice %arg12[%dma_start3A_181, %dma_start3A_182] : memref<10240x64xf32, #tpu.memory_space<vmem_shared>> -> memref<10240x64xf32, #tpu.memory_space<vmem_shared>>
        tpu.enqueue_indirect_dma source(%arg9 : memref<128x64xf32, #tpu.memory_space<vmem>>) target(%dma_start3A_183 : memref<10240x64xf32, #tpu.memory_space<vmem_shared>>) offsets(%dma_start3A_180 : memref<128xi32, #tpu.memory_space<vmem>>) semaphore(%run_scoped3A_177 : memref<!tpu.dma_semaphore, #tpu.memory_space<semaphore_mem>>) {add = true}
        %dma_wait3A_184 = arith.constant 0 : i32
        %dma_wait3A_185 = tpu.memref_slice %arg8[%run_scoped3A_135, %dma_wait3A_184] : memref<8x128xi32, #tpu.memory_space<vmem>> -> memref<1x128xi32, #tpu.memory_space<vmem>>
        %dma_wait3A_186 = tpu.memref_squeeze %dma_wait3A_185 : memref<1x128xi32, #tpu.memory_space<vmem>> -> memref<128xi32, #tpu.memory_space<vmem>>
        %dma_wait3A_187 = arith.constant 0 : i32
        %dma_wait3A_188 = arith.constant 0 : i32
        %dma_wait3A_189 = tpu.memref_slice %arg12[%dma_wait3A_187, %dma_wait3A_188] : memref<10240x64xf32, #tpu.memory_space<vmem_shared>> -> memref<10240x64xf32, #tpu.memory_space<vmem_shared>>
        tpu.wait_indirect_dma semaphore(%run_scoped3A_177 : memref<!tpu.dma_semaphore, #tpu.memory_space<semaphore_mem>>) src(%arg9 : memref<128x64xf32, #tpu.memory_space<vmem>>) dst(%dma_wait3A_189 : memref<10240x64xf32, #tpu.memory_space<vmem_shared>>)
        tpu.yield
      }) : () -> ()
      %dma_wait3A_136 = arith.constant 5 : i32
      %dma_wait3A_137 = arith.constant 0 : i32
      %dma_wait3A_138 = tpu.memref_slice %arg7[%dma_wait3A_136, %dma_wait3A_137] : memref<8x128xi32, #tpu.memory_space<vmem>> -> memref<1x128xi32, #tpu.memory_space<vmem>>
      %dma_wait3A_139 = tpu.memref_squeeze %dma_wait3A_138 : memref<1x128xi32, #tpu.memory_space<vmem>> -> memref<128xi32, #tpu.memory_space<vmem>>
      %dma_wait3A_140 = arith.constant 0 : i32
      %dma_wait3A_141 = arith.constant 0 : i32
      %dma_wait3A_142 = tpu.memref_slice %arg2[%dma_wait3A_140, %dma_wait3A_141] : memref<10000x64xf32, #tpu.memory_space<hbm>> -> memref<10000x64xf32, #tpu.memory_space<hbm>>
      tpu.wait_indirect_dma semaphore(%arg14 : memref<!tpu.dma_semaphore, #tpu.memory_space<semaphore_mem>>) src(%dma_wait3A_142 : memref<10000x64xf32, #tpu.memory_space<hbm>>) dst(%arg10 : memref<128x64xf32, #tpu.memory_space<vmem>>)
      %dma_start3A_143 = arith.constant 6 : i32
      %dma_start3A_144 = arith.constant 0 : i32
      %dma_start3A_145 = tpu.memref_slice %arg7[%dma_start3A_143, %dma_start3A_144] : memref<8x128xi32, #tpu.memory_space<vmem>> -> memref<1x128xi32, #tpu.memory_space<vmem>>
      %dma_start3A_146 = tpu.memref_squeeze %dma_start3A_145 : memref<1x128xi32, #tpu.memory_space<vmem>> -> memref<128xi32, #tpu.memory_space<vmem>>
      %dma_start3A_147 = arith.constant 0 : i32
      %dma_start3A_148 = arith.constant 0 : i32
      %dma_start3A_149 = tpu.memref_slice %arg2[%dma_start3A_147, %dma_start3A_148] : memref<10000x64xf32, #tpu.memory_space<hbm>> -> memref<10000x64xf32, #tpu.memory_space<hbm>>
      tpu.enqueue_indirect_dma source(%dma_start3A_149 : memref<10000x64xf32, #tpu.memory_space<hbm>>) target(%arg9 : memref<128x64xf32, #tpu.memory_space<vmem>>) offsets(%dma_start3A_146 : memref<128xi32, #tpu.memory_space<vmem>>) semaphore(%arg13 : memref<!tpu.dma_semaphore, #tpu.memory_space<semaphore_mem>>)
      %run_scoped3A_150 = arith.constant 5 : i32
      "tpu.region"() ({
        %run_scoped3A_177 = tpu.sem_alloc : memref<!tpu.dma_semaphore, #tpu.memory_space<semaphore_mem>>
        %dma_start3A_178 = arith.constant 0 : i32
        %dma_start3A_179 = tpu.memref_slice %arg8[%run_scoped3A_150, %dma_start3A_178] : memref<8x128xi32, #tpu.memory_space<vmem>> -> memref<1x128xi32, #tpu.memory_space<vmem>>
        %dma_start3A_180 = tpu.memref_squeeze %dma_start3A_179 : memref<1x128xi32, #tpu.memory_space<vmem>> -> memref<128xi32, #tpu.memory_space<vmem>>
        %dma_start3A_181 = arith.constant 0 : i32
        %dma_start3A_182 = arith.constant 0 : i32
        %dma_start3A_183 = tpu.memref_slice %arg15[%dma_start3A_181, %dma_start3A_182] : memref<10240x16xf32, #tpu.memory_space<vmem_shared>> -> memref<10240x16xf32, #tpu.memory_space<vmem_shared>>
        tpu.enqueue_indirect_dma source(%arg11 : memref<128x16xf32, #tpu.memory_space<vmem>>) target(%dma_start3A_183 : memref<10240x16xf32, #tpu.memory_space<vmem_shared>>) offsets(%dma_start3A_180 : memref<128xi32, #tpu.memory_space<vmem>>) semaphore(%run_scoped3A_177 : memref<!tpu.dma_semaphore, #tpu.memory_space<semaphore_mem>>) {add = true}
        %dma_wait3A_184 = arith.constant 0 : i32
        %dma_wait3A_185 = tpu.memref_slice %arg8[%run_scoped3A_150, %dma_wait3A_184] : memref<8x128xi32, #tpu.memory_space<vmem>> -> memref<1x128xi32, #tpu.memory_space<vmem>>
        %dma_wait3A_186 = tpu.memref_squeeze %dma_wait3A_185 : memref<1x128xi32, #tpu.memory_space<vmem>> -> memref<128xi32, #tpu.memory_space<vmem>>
        %dma_wait3A_187 = arith.constant 0 : i32
        %dma_wait3A_188 = arith.constant 0 : i32
        %dma_wait3A_189 = tpu.memref_slice %arg15[%dma_wait3A_187, %dma_wait3A_188] : memref<10240x16xf32, #tpu.memory_space<vmem_shared>> -> memref<10240x16xf32, #tpu.memory_space<vmem_shared>>
        tpu.wait_indirect_dma semaphore(%run_scoped3A_177 : memref<!tpu.dma_semaphore, #tpu.memory_space<semaphore_mem>>) src(%arg11 : memref<128x16xf32, #tpu.memory_space<vmem>>) dst(%dma_wait3A_189 : memref<10240x16xf32, #tpu.memory_space<vmem_shared>>)
        tpu.yield
      }) : () -> ()
      %run_scoped3A_151 = arith.constant 5 : i32
      "tpu.region"() ({
        %run_scoped3A_177 = tpu.sem_alloc : memref<!tpu.dma_semaphore, #tpu.memory_space<semaphore_mem>>
        %dma_start3A_178 = arith.constant 0 : i32
        %dma_start3A_179 = tpu.memref_slice %arg8[%run_scoped3A_151, %dma_start3A_178] : memref<8x128xi32, #tpu.memory_space<vmem>> -> memref<1x128xi32, #tpu.memory_space<vmem>>
        %dma_start3A_180 = tpu.memref_squeeze %dma_start3A_179 : memref<1x128xi32, #tpu.memory_space<vmem>> -> memref<128xi32, #tpu.memory_space<vmem>>
        %dma_start3A_181 = arith.constant 0 : i32
        %dma_start3A_182 = arith.constant 0 : i32
        %dma_start3A_183 = tpu.memref_slice %arg12[%dma_start3A_181, %dma_start3A_182] : memref<10240x64xf32, #tpu.memory_space<vmem_shared>> -> memref<10240x64xf32, #tpu.memory_space<vmem_shared>>
        tpu.enqueue_indirect_dma source(%arg10 : memref<128x64xf32, #tpu.memory_space<vmem>>) target(%dma_start3A_183 : memref<10240x64xf32, #tpu.memory_space<vmem_shared>>) offsets(%dma_start3A_180 : memref<128xi32, #tpu.memory_space<vmem>>) semaphore(%run_scoped3A_177 : memref<!tpu.dma_semaphore, #tpu.memory_space<semaphore_mem>>) {add = true}
        %dma_wait3A_184 = arith.constant 0 : i32
        %dma_wait3A_185 = tpu.memref_slice %arg8[%run_scoped3A_151, %dma_wait3A_184] : memref<8x128xi32, #tpu.memory_space<vmem>> -> memref<1x128xi32, #tpu.memory_space<vmem>>
        %dma_wait3A_186 = tpu.memref_squeeze %dma_wait3A_185 : memref<1x128xi32, #tpu.memory_space<vmem>> -> memref<128xi32, #tpu.memory_space<vmem>>
        %dma_wait3A_187 = arith.constant 0 : i32
        %dma_wait3A_188 = arith.constant 0 : i32
        %dma_wait3A_189 = tpu.memref_slice %arg12[%dma_wait3A_187, %dma_wait3A_188] : memref<10240x64xf32, #tpu.memory_space<vmem_shared>> -> memref<10240x64xf32, #tpu.memory_space<vmem_shared>>
        tpu.wait_indirect_dma semaphore(%run_scoped3A_177 : memref<!tpu.dma_semaphore, #tpu.memory_space<semaphore_mem>>) src(%arg10 : memref<128x64xf32, #tpu.memory_space<vmem>>) dst(%dma_wait3A_189 : memref<10240x64xf32, #tpu.memory_space<vmem_shared>>)
        tpu.yield
      }) : () -> ()
      %dma_wait3A_152 = arith.constant 6 : i32
      %dma_wait3A_153 = arith.constant 0 : i32
      %dma_wait3A_154 = tpu.memref_slice %arg7[%dma_wait3A_152, %dma_wait3A_153] : memref<8x128xi32, #tpu.memory_space<vmem>> -> memref<1x128xi32, #tpu.memory_space<vmem>>
      %dma_wait3A_155 = tpu.memref_squeeze %dma_wait3A_154 : memref<1x128xi32, #tpu.memory_space<vmem>> -> memref<128xi32, #tpu.memory_space<vmem>>
      %dma_wait3A_156 = arith.constant 0 : i32
      %dma_wait3A_157 = arith.constant 0 : i32
      %dma_wait3A_158 = tpu.memref_slice %arg2[%dma_wait3A_156, %dma_wait3A_157] : memref<10000x64xf32, #tpu.memory_space<hbm>> -> memref<10000x64xf32, #tpu.memory_space<hbm>>
      tpu.wait_indirect_dma semaphore(%arg13 : memref<!tpu.dma_semaphore, #tpu.memory_space<semaphore_mem>>) src(%dma_wait3A_158 : memref<10000x64xf32, #tpu.memory_space<hbm>>) dst(%arg9 : memref<128x64xf32, #tpu.memory_space<vmem>>)
      %dma_start3A_159 = arith.constant 7 : i32
      %dma_start3A_160 = arith.constant 0 : i32
      %dma_start3A_161 = tpu.memref_slice %arg7[%dma_start3A_159, %dma_start3A_160] : memref<8x128xi32, #tpu.memory_space<vmem>> -> memref<1x128xi32, #tpu.memory_space<vmem>>
      %dma_start3A_162 = tpu.memref_squeeze %dma_start3A_161 : memref<1x128xi32, #tpu.memory_space<vmem>> -> memref<128xi32, #tpu.memory_space<vmem>>
      %dma_start3A_163 = arith.constant 0 : i32
      %dma_start3A_164 = arith.constant 0 : i32
      %dma_start3A_165 = tpu.memref_slice %arg2[%dma_start3A_163, %dma_start3A_164] : memref<10000x64xf32, #tpu.memory_space<hbm>> -> memref<10000x64xf32, #tpu.memory_space<hbm>>
      tpu.enqueue_indirect_dma source(%dma_start3A_165 : memref<10000x64xf32, #tpu.memory_space<hbm>>) target(%arg10 : memref<128x64xf32, #tpu.memory_space<vmem>>) offsets(%dma_start3A_162 : memref<128xi32, #tpu.memory_space<vmem>>) semaphore(%arg14 : memref<!tpu.dma_semaphore, #tpu.memory_space<semaphore_mem>>)
      %run_scoped3A_166 = arith.constant 6 : i32
      "tpu.region"() ({
        %run_scoped3A_177 = tpu.sem_alloc : memref<!tpu.dma_semaphore, #tpu.memory_space<semaphore_mem>>
        %dma_start3A_178 = arith.constant 0 : i32
        %dma_start3A_179 = tpu.memref_slice %arg8[%run_scoped3A_166, %dma_start3A_178] : memref<8x128xi32, #tpu.memory_space<vmem>> -> memref<1x128xi32, #tpu.memory_space<vmem>>
        %dma_start3A_180 = tpu.memref_squeeze %dma_start3A_179 : memref<1x128xi32, #tpu.memory_space<vmem>> -> memref<128xi32, #tpu.memory_space<vmem>>
        %dma_start3A_181 = arith.constant 0 : i32
        %dma_start3A_182 = arith.constant 0 : i32
        %dma_start3A_183 = tpu.memref_slice %arg15[%dma_start3A_181, %dma_start3A_182] : memref<10240x16xf32, #tpu.memory_space<vmem_shared>> -> memref<10240x16xf32, #tpu.memory_space<vmem_shared>>
        tpu.enqueue_indirect_dma source(%arg11 : memref<128x16xf32, #tpu.memory_space<vmem>>) target(%dma_start3A_183 : memref<10240x16xf32, #tpu.memory_space<vmem_shared>>) offsets(%dma_start3A_180 : memref<128xi32, #tpu.memory_space<vmem>>) semaphore(%run_scoped3A_177 : memref<!tpu.dma_semaphore, #tpu.memory_space<semaphore_mem>>) {add = true}
        %dma_wait3A_184 = arith.constant 0 : i32
        %dma_wait3A_185 = tpu.memref_slice %arg8[%run_scoped3A_166, %dma_wait3A_184] : memref<8x128xi32, #tpu.memory_space<vmem>> -> memref<1x128xi32, #tpu.memory_space<vmem>>
        %dma_wait3A_186 = tpu.memref_squeeze %dma_wait3A_185 : memref<1x128xi32, #tpu.memory_space<vmem>> -> memref<128xi32, #tpu.memory_space<vmem>>
        %dma_wait3A_187 = arith.constant 0 : i32
        %dma_wait3A_188 = arith.constant 0 : i32
        %dma_wait3A_189 = tpu.memref_slice %arg15[%dma_wait3A_187, %dma_wait3A_188] : memref<10240x16xf32, #tpu.memory_space<vmem_shared>> -> memref<10240x16xf32, #tpu.memory_space<vmem_shared>>
        tpu.wait_indirect_dma semaphore(%run_scoped3A_177 : memref<!tpu.dma_semaphore, #tpu.memory_space<semaphore_mem>>) src(%arg11 : memref<128x16xf32, #tpu.memory_space<vmem>>) dst(%dma_wait3A_189 : memref<10240x16xf32, #tpu.memory_space<vmem_shared>>)
        tpu.yield
      }) : () -> ()
      %run_scoped3A_167 = arith.constant 6 : i32
      "tpu.region"() ({
        %run_scoped3A_177 = tpu.sem_alloc : memref<!tpu.dma_semaphore, #tpu.memory_space<semaphore_mem>>
        %dma_start3A_178 = arith.constant 0 : i32
        %dma_start3A_179 = tpu.memref_slice %arg8[%run_scoped3A_167, %dma_start3A_178] : memref<8x128xi32, #tpu.memory_space<vmem>> -> memref<1x128xi32, #tpu.memory_space<vmem>>
        %dma_start3A_180 = tpu.memref_squeeze %dma_start3A_179 : memref<1x128xi32, #tpu.memory_space<vmem>> -> memref<128xi32, #tpu.memory_space<vmem>>
        %dma_start3A_181 = arith.constant 0 : i32
        %dma_start3A_182 = arith.constant 0 : i32
        %dma_start3A_183 = tpu.memref_slice %arg12[%dma_start3A_181, %dma_start3A_182] : memref<10240x64xf32, #tpu.memory_space<vmem_shared>> -> memref<10240x64xf32, #tpu.memory_space<vmem_shared>>
        tpu.enqueue_indirect_dma source(%arg9 : memref<128x64xf32, #tpu.memory_space<vmem>>) target(%dma_start3A_183 : memref<10240x64xf32, #tpu.memory_space<vmem_shared>>) offsets(%dma_start3A_180 : memref<128xi32, #tpu.memory_space<vmem>>) semaphore(%run_scoped3A_177 : memref<!tpu.dma_semaphore, #tpu.memory_space<semaphore_mem>>) {add = true}
        %dma_wait3A_184 = arith.constant 0 : i32
        %dma_wait3A_185 = tpu.memref_slice %arg8[%run_scoped3A_167, %dma_wait3A_184] : memref<8x128xi32, #tpu.memory_space<vmem>> -> memref<1x128xi32, #tpu.memory_space<vmem>>
        %dma_wait3A_186 = tpu.memref_squeeze %dma_wait3A_185 : memref<1x128xi32, #tpu.memory_space<vmem>> -> memref<128xi32, #tpu.memory_space<vmem>>
        %dma_wait3A_187 = arith.constant 0 : i32
        %dma_wait3A_188 = arith.constant 0 : i32
        %dma_wait3A_189 = tpu.memref_slice %arg12[%dma_wait3A_187, %dma_wait3A_188] : memref<10240x64xf32, #tpu.memory_space<vmem_shared>> -> memref<10240x64xf32, #tpu.memory_space<vmem_shared>>
        tpu.wait_indirect_dma semaphore(%run_scoped3A_177 : memref<!tpu.dma_semaphore, #tpu.memory_space<semaphore_mem>>) src(%arg9 : memref<128x64xf32, #tpu.memory_space<vmem>>) dst(%dma_wait3A_189 : memref<10240x64xf32, #tpu.memory_space<vmem_shared>>)
        tpu.yield
      }) : () -> ()
      %dma_wait3A_168 = arith.constant 7 : i32
      %dma_wait3A_169 = arith.constant 0 : i32
      %dma_wait3A_170 = tpu.memref_slice %arg7[%dma_wait3A_168, %dma_wait3A_169] : memref<8x128xi32, #tpu.memory_space<vmem>> -> memref<1x128xi32, #tpu.memory_space<vmem>>
      %dma_wait3A_171 = tpu.memref_squeeze %dma_wait3A_170 : memref<1x128xi32, #tpu.memory_space<vmem>> -> memref<128xi32, #tpu.memory_space<vmem>>
      %dma_wait3A_172 = arith.constant 0 : i32
      %dma_wait3A_173 = arith.constant 0 : i32
      %dma_wait3A_174 = tpu.memref_slice %arg2[%dma_wait3A_172, %dma_wait3A_173] : memref<10000x64xf32, #tpu.memory_space<hbm>> -> memref<10000x64xf32, #tpu.memory_space<hbm>>
      tpu.wait_indirect_dma semaphore(%arg14 : memref<!tpu.dma_semaphore, #tpu.memory_space<semaphore_mem>>) src(%dma_wait3A_174 : memref<10000x64xf32, #tpu.memory_space<hbm>>) dst(%arg10 : memref<128x64xf32, #tpu.memory_space<vmem>>)
      %run_scoped3A_175 = arith.constant 7 : i32
      "tpu.region"() ({
        %run_scoped3A_177 = tpu.sem_alloc : memref<!tpu.dma_semaphore, #tpu.memory_space<semaphore_mem>>
        %dma_start3A_178 = arith.constant 0 : i32
        %dma_start3A_179 = tpu.memref_slice %arg8[%run_scoped3A_175, %dma_start3A_178] : memref<8x128xi32, #tpu.memory_space<vmem>> -> memref<1x128xi32, #tpu.memory_space<vmem>>
        %dma_start3A_180 = tpu.memref_squeeze %dma_start3A_179 : memref<1x128xi32, #tpu.memory_space<vmem>> -> memref<128xi32, #tpu.memory_space<vmem>>
        %dma_start3A_181 = arith.constant 0 : i32
        %dma_start3A_182 = arith.constant 0 : i32
        %dma_start3A_183 = tpu.memref_slice %arg15[%dma_start3A_181, %dma_start3A_182] : memref<10240x16xf32, #tpu.memory_space<vmem_shared>> -> memref<10240x16xf32, #tpu.memory_space<vmem_shared>>
        tpu.enqueue_indirect_dma source(%arg11 : memref<128x16xf32, #tpu.memory_space<vmem>>) target(%dma_start3A_183 : memref<10240x16xf32, #tpu.memory_space<vmem_shared>>) offsets(%dma_start3A_180 : memref<128xi32, #tpu.memory_space<vmem>>) semaphore(%run_scoped3A_177 : memref<!tpu.dma_semaphore, #tpu.memory_space<semaphore_mem>>) {add = true}
        %dma_wait3A_184 = arith.constant 0 : i32
        %dma_wait3A_185 = tpu.memref_slice %arg8[%run_scoped3A_175, %dma_wait3A_184] : memref<8x128xi32, #tpu.memory_space<vmem>> -> memref<1x128xi32, #tpu.memory_space<vmem>>
        %dma_wait3A_186 = tpu.memref_squeeze %dma_wait3A_185 : memref<1x128xi32, #tpu.memory_space<vmem>> -> memref<128xi32, #tpu.memory_space<vmem>>
        %dma_wait3A_187 = arith.constant 0 : i32
        %dma_wait3A_188 = arith.constant 0 : i32
        %dma_wait3A_189 = tpu.memref_slice %arg15[%dma_wait3A_187, %dma_wait3A_188] : memref<10240x16xf32, #tpu.memory_space<vmem_shared>> -> memref<10240x16xf32, #tpu.memory_space<vmem_shared>>
        tpu.wait_indirect_dma semaphore(%run_scoped3A_177 : memref<!tpu.dma_semaphore, #tpu.memory_space<semaphore_mem>>) src(%arg11 : memref<128x16xf32, #tpu.memory_space<vmem>>) dst(%dma_wait3A_189 : memref<10240x16xf32, #tpu.memory_space<vmem_shared>>)
        tpu.yield
      }) : () -> ()
      %run_scoped3A_176 = arith.constant 7 : i32
      "tpu.region"() ({
        %run_scoped3A_177 = tpu.sem_alloc : memref<!tpu.dma_semaphore, #tpu.memory_space<semaphore_mem>>
        %dma_start3A_178 = arith.constant 0 : i32
        %dma_start3A_179 = tpu.memref_slice %arg8[%run_scoped3A_176, %dma_start3A_178] : memref<8x128xi32, #tpu.memory_space<vmem>> -> memref<1x128xi32, #tpu.memory_space<vmem>>
        %dma_start3A_180 = tpu.memref_squeeze %dma_start3A_179 : memref<1x128xi32, #tpu.memory_space<vmem>> -> memref<128xi32, #tpu.memory_space<vmem>>
        %dma_start3A_181 = arith.constant 0 : i32
        %dma_start3A_182 = arith.constant 0 : i32
        %dma_start3A_183 = tpu.memref_slice %arg12[%dma_start3A_181, %dma_start3A_182] : memref<10240x64xf32, #tpu.memory_space<vmem_shared>> -> memref<10240x64xf32, #tpu.memory_space<vmem_shared>>
        tpu.enqueue_indirect_dma source(%arg10 : memref<128x64xf32, #tpu.memory_space<vmem>>) target(%dma_start3A_183 : memref<10240x64xf32, #tpu.memory_space<vmem_shared>>) offsets(%dma_start3A_180 : memref<128xi32, #tpu.memory_space<vmem>>) semaphore(%run_scoped3A_177 : memref<!tpu.dma_semaphore, #tpu.memory_space<semaphore_mem>>) {add = true}
        %dma_wait3A_184 = arith.constant 0 : i32
        %dma_wait3A_185 = tpu.memref_slice %arg8[%run_scoped3A_176, %dma_wait3A_184] : memref<8x128xi32, #tpu.memory_space<vmem>> -> memref<1x128xi32, #tpu.memory_space<vmem>>
        %dma_wait3A_186 = tpu.memref_squeeze %dma_wait3A_185 : memref<1x128xi32, #tpu.memory_space<vmem>> -> memref<128xi32, #tpu.memory_space<vmem>>
        %dma_wait3A_187 = arith.constant 0 : i32
        %dma_wait3A_188 = arith.constant 0 : i32
        %dma_wait3A_189 = tpu.memref_slice %arg12[%dma_wait3A_187, %dma_wait3A_188] : memref<10240x64xf32, #tpu.memory_space<vmem_shared>> -> memref<10240x64xf32, #tpu.memory_space<vmem_shared>>
        tpu.wait_indirect_dma semaphore(%run_scoped3A_177 : memref<!tpu.dma_semaphore, #tpu.memory_space<semaphore_mem>>) src(%arg10 : memref<128x64xf32, #tpu.memory_space<vmem>>) dst(%dma_wait3A_189 : memref<10240x64xf32, #tpu.memory_space<vmem_shared>>)
        tpu.yield
      }) : () -> ()
    }
    %while3A_38 = arith.constant 1 : i32
    scf.for %while3A_48 = %while3A_36 to %while3A_32 step %while3A_38  : i32 {
      %mul3A_49 = arith.muli %while3A_48, %while3A : i32
      %add3A_50 = arith.addi %while3A_29, %mul3A_49 : i32
      %add3A_51 = arith.addi %select_n3A_8, %add3A_50 : i32
      "tpu.region"() ({
        %run_scoped3A_177 = tpu.sem_alloc : memref<!tpu.dma_semaphore, #tpu.memory_space<semaphore_mem>>
        %dma_start3A_178 = arith.constant 0 : i32
        %dma_start3A_179 = tpu.memref_slice %arg3[%add3A_51, %dma_start3A_178] : memref<2560x128xi32, #tpu.memory_space<hbm>> -> memref<8x128xi32, #tpu.memory_space<hbm>>
        %dma_start3A_180 = arith.constant 0 : i32
        %dma_start3A_181 = tpu.memref_slice %arg3[%add3A_51, %dma_start3A_180] : memref<2560x128xi32, #tpu.memory_space<hbm>> -> memref<8x128xi32, #tpu.memory_space<hbm>>
        tpu.enqueue_dma source(%dma_start3A_181 : memref<8x128xi32, #tpu.memory_space<hbm>>) target(%arg7 : memref<8x128xi32, #tpu.memory_space<vmem>>) target_semaphore(%run_scoped3A_177 : memref<!tpu.dma_semaphore, #tpu.memory_space<semaphore_mem>>)
        %dma_wait3A_182 = arith.constant 0 : i32
        %dma_wait3A_183 = tpu.memref_slice %arg3[%add3A_51, %dma_wait3A_182] : memref<2560x128xi32, #tpu.memory_space<hbm>> -> memref<8x128xi32, #tpu.memory_space<hbm>>
        %dma_wait3A_184 = arith.constant 0 : i32
        %dma_wait3A_185 = tpu.memref_slice %arg3[%add3A_51, %dma_wait3A_184] : memref<2560x128xi32, #tpu.memory_space<hbm>> -> memref<8x128xi32, #tpu.memory_space<hbm>>
        tpu.wait_dma2 semaphore(%run_scoped3A_177 : memref<!tpu.dma_semaphore, #tpu.memory_space<semaphore_mem>>) src(%dma_wait3A_185 : memref<8x128xi32, #tpu.memory_space<hbm>>) dst(%arg7 : memref<8x128xi32, #tpu.memory_space<vmem>>)
        tpu.yield
      }) : () -> ()
      "tpu.region"() ({
        %run_scoped3A_177 = tpu.sem_alloc : memref<!tpu.dma_semaphore, #tpu.memory_space<semaphore_mem>>
        %dma_start3A_178 = arith.constant 0 : i32
        %dma_start3A_179 = tpu.memref_slice %arg4[%add3A_51, %dma_start3A_178] : memref<2560x128xi32, #tpu.memory_space<hbm>> -> memref<8x128xi32, #tpu.memory_space<hbm>>
        %dma_start3A_180 = arith.constant 0 : i32
        %dma_start3A_181 = tpu.memref_slice %arg4[%add3A_51, %dma_start3A_180] : memref<2560x128xi32, #tpu.memory_space<hbm>> -> memref<8x128xi32, #tpu.memory_space<hbm>>
        tpu.enqueue_dma source(%dma_start3A_181 : memref<8x128xi32, #tpu.memory_space<hbm>>) target(%arg8 : memref<8x128xi32, #tpu.memory_space<vmem>>) target_semaphore(%run_scoped3A_177 : memref<!tpu.dma_semaphore, #tpu.memory_space<semaphore_mem>>)
        %dma_wait3A_182 = arith.constant 0 : i32
        %dma_wait3A_183 = tpu.memref_slice %arg4[%add3A_51, %dma_wait3A_182] : memref<2560x128xi32, #tpu.memory_space<hbm>> -> memref<8x128xi32, #tpu.memory_space<hbm>>
        %dma_wait3A_184 = arith.constant 0 : i32
        %dma_wait3A_185 = tpu.memref_slice %arg4[%add3A_51, %dma_wait3A_184] : memref<2560x128xi32, #tpu.memory_space<hbm>> -> memref<8x128xi32, #tpu.memory_space<hbm>>
        tpu.wait_dma2 semaphore(%run_scoped3A_177 : memref<!tpu.dma_semaphore, #tpu.memory_space<semaphore_mem>>) src(%dma_wait3A_185 : memref<8x128xi32, #tpu.memory_space<hbm>>) dst(%arg8 : memref<8x128xi32, #tpu.memory_space<vmem>>)
        tpu.yield
      }) : () -> ()
      %dma_start3A = arith.constant 0 : i32
      %dma_start3A_52 = arith.constant 0 : i32
      %dma_start3A_53 = tpu.memref_slice %arg7[%dma_start3A, %dma_start3A_52] : memref<8x128xi32, #tpu.memory_space<vmem>> -> memref<1x128xi32, #tpu.memory_space<vmem>>
      %dma_start3A_54 = tpu.memref_squeeze %dma_start3A_53 : memref<1x128xi32, #tpu.memory_space<vmem>> -> memref<128xi32, #tpu.memory_space<vmem>>
      %dma_start3A_55 = arith.constant 0 : i32
      %dma_start3A_56 = arith.constant 0 : i32
      %dma_start3A_57 = tpu.memref_slice %arg2[%dma_start3A_55, %dma_start3A_56] : memref<10000x64xf32, #tpu.memory_space<hbm>> -> memref<10000x64xf32, #tpu.memory_space<hbm>>
      tpu.enqueue_indirect_dma source(%dma_start3A_57 : memref<10000x64xf32, #tpu.memory_space<hbm>>) target(%arg9 : memref<128x64xf32, #tpu.memory_space<vmem>>) offsets(%dma_start3A_54 : memref<128xi32, #tpu.memory_space<vmem>>) semaphore(%arg13 : memref<!tpu.dma_semaphore, #tpu.memory_space<semaphore_mem>>)
      %dma_wait3A = arith.constant 0 : i32
      %dma_wait3A_58 = arith.constant 0 : i32
      %dma_wait3A_59 = tpu.memref_slice %arg7[%dma_wait3A, %dma_wait3A_58] : memref<8x128xi32, #tpu.memory_space<vmem>> -> memref<1x128xi32, #tpu.memory_space<vmem>>
      %dma_wait3A_60 = tpu.memref_squeeze %dma_wait3A_59 : memref<1x128xi32, #tpu.memory_space<vmem>> -> memref<128xi32, #tpu.memory_space<vmem>>
      %dma_wait3A_61 = arith.constant 0 : i32
      %dma_wait3A_62 = arith.constant 0 : i32
      %dma_wait3A_63 = tpu.memref_slice %arg2[%dma_wait3A_61, %dma_wait3A_62] : memref<10000x64xf32, #tpu.memory_space<hbm>> -> memref<10000x64xf32, #tpu.memory_space<hbm>>
      tpu.wait_indirect_dma semaphore(%arg13 : memref<!tpu.dma_semaphore, #tpu.memory_space<semaphore_mem>>) src(%dma_wait3A_63 : memref<10000x64xf32, #tpu.memory_space<hbm>>) dst(%arg9 : memref<128x64xf32, #tpu.memory_space<vmem>>)
      %dma_start3A_64 = arith.constant 1 : i32
      %dma_start3A_65 = arith.constant 0 : i32
      %dma_start3A_66 = tpu.memref_slice %arg7[%dma_start3A_64, %dma_start3A_65] : memref<8x128xi32, #tpu.memory_space<vmem>> -> memref<1x128xi32, #tpu.memory_space<vmem>>
      %dma_start3A_67 = tpu.memref_squeeze %dma_start3A_66 : memref<1x128xi32, #tpu.memory_space<vmem>> -> memref<128xi32, #tpu.memory_space<vmem>>
      %dma_start3A_68 = arith.constant 0 : i32
      %dma_start3A_69 = arith.constant 0 : i32
      %dma_start3A_70 = tpu.memref_slice %arg2[%dma_start3A_68, %dma_start3A_69] : memref<10000x64xf32, #tpu.memory_space<hbm>> -> memref<10000x64xf32, #tpu.memory_space<hbm>>
      tpu.enqueue_indirect_dma source(%dma_start3A_70 : memref<10000x64xf32, #tpu.memory_space<hbm>>) target(%arg10 : memref<128x64xf32, #tpu.memory_space<vmem>>) offsets(%dma_start3A_67 : memref<128xi32, #tpu.memory_space<vmem>>) semaphore(%arg14 : memref<!tpu.dma_semaphore, #tpu.memory_space<semaphore_mem>>)
      %run_scoped3A = arith.constant 0 : i32
      "tpu.region"() ({
        %run_scoped3A_177 = tpu.sem_alloc : memref<!tpu.dma_semaphore, #tpu.memory_space<semaphore_mem>>
        %dma_start3A_178 = arith.constant 0 : i32
        %dma_start3A_179 = tpu.memref_slice %arg8[%run_scoped3A, %dma_start3A_178] : memref<8x128xi32, #tpu.memory_space<vmem>> -> memref<1x128xi32, #tpu.memory_space<vmem>>
        %dma_start3A_180 = tpu.memref_squeeze %dma_start3A_179 : memref<1x128xi32, #tpu.memory_space<vmem>> -> memref<128xi32, #tpu.memory_space<vmem>>
        %dma_start3A_181 = arith.constant 0 : i32
        %dma_start3A_182 = arith.constant 0 : i32
        %dma_start3A_183 = tpu.memref_slice %arg15[%dma_start3A_181, %dma_start3A_182] : memref<10240x16xf32, #tpu.memory_space<vmem_shared>> -> memref<10240x16xf32, #tpu.memory_space<vmem_shared>>
        tpu.enqueue_indirect_dma source(%arg11 : memref<128x16xf32, #tpu.memory_space<vmem>>) target(%dma_start3A_183 : memref<10240x16xf32, #tpu.memory_space<vmem_shared>>) offsets(%dma_start3A_180 : memref<128xi32, #tpu.memory_space<vmem>>) semaphore(%run_scoped3A_177 : memref<!tpu.dma_semaphore, #tpu.memory_space<semaphore_mem>>) {add = true}
        %dma_wait3A_184 = arith.constant 0 : i32
        %dma_wait3A_185 = tpu.memref_slice %arg8[%run_scoped3A, %dma_wait3A_184] : memref<8x128xi32, #tpu.memory_space<vmem>> -> memref<1x128xi32, #tpu.memory_space<vmem>>
        %dma_wait3A_186 = tpu.memref_squeeze %dma_wait3A_185 : memref<1x128xi32, #tpu.memory_space<vmem>> -> memref<128xi32, #tpu.memory_space<vmem>>
        %dma_wait3A_187 = arith.constant 0 : i32
        %dma_wait3A_188 = arith.constant 0 : i32
        %dma_wait3A_189 = tpu.memref_slice %arg15[%dma_wait3A_187, %dma_wait3A_188] : memref<10240x16xf32, #tpu.memory_space<vmem_shared>> -> memref<10240x16xf32, #tpu.memory_space<vmem_shared>>
        tpu.wait_indirect_dma semaphore(%run_scoped3A_177 : memref<!tpu.dma_semaphore, #tpu.memory_space<semaphore_mem>>) src(%arg11 : memref<128x16xf32, #tpu.memory_space<vmem>>) dst(%dma_wait3A_189 : memref<10240x16xf32, #tpu.memory_space<vmem_shared>>)
        tpu.yield
      }) : () -> ()
      %run_scoped3A_71 = arith.constant 0 : i32
      "tpu.region"() ({
        %run_scoped3A_177 = tpu.sem_alloc : memref<!tpu.dma_semaphore, #tpu.memory_space<semaphore_mem>>
        %dma_start3A_178 = arith.constant 0 : i32
        %dma_start3A_179 = tpu.memref_slice %arg8[%run_scoped3A_71, %dma_start3A_178] : memref<8x128xi32, #tpu.memory_space<vmem>> -> memref<1x128xi32, #tpu.memory_space<vmem>>
        %dma_start3A_180 = tpu.memref_squeeze %dma_start3A_179 : memref<1x128xi32, #tpu.memory_space<vmem>> -> memref<128xi32, #tpu.memory_space<vmem>>
        %dma_start3A_181 = arith.constant 0 : i32
        %dma_start3A_182 = arith.constant 0 : i32
        %dma_start3A_183 = tpu.memref_slice %arg12[%dma_start3A_181, %dma_start3A_182] : memref<10240x64xf32, #tpu.memory_space<vmem_shared>> -> memref<10240x64xf32, #tpu.memory_space<vmem_shared>>
        tpu.enqueue_indirect_dma source(%arg9 : memref<128x64xf32, #tpu.memory_space<vmem>>) target(%dma_start3A_183 : memref<10240x64xf32, #tpu.memory_space<vmem_shared>>) offsets(%dma_start3A_180 : memref<128xi32, #tpu.memory_space<vmem>>) semaphore(%run_scoped3A_177 : memref<!tpu.dma_semaphore, #tpu.memory_space<semaphore_mem>>) {add = true}
        %dma_wait3A_184 = arith.constant 0 : i32
        %dma_wait3A_185 = tpu.memref_slice %arg8[%run_scoped3A_71, %dma_wait3A_184] : memref<8x128xi32, #tpu.memory_space<vmem>> -> memref<1x128xi32, #tpu.memory_space<vmem>>
        %dma_wait3A_186 = tpu.memref_squeeze %dma_wait3A_185 : memref<1x128xi32, #tpu.memory_space<vmem>> -> memref<128xi32, #tpu.memory_space<vmem>>
        %dma_wait3A_187 = arith.constant 0 : i32
        %dma_wait3A_188 = arith.constant 0 : i32
        %dma_wait3A_189 = tpu.memref_slice %arg12[%dma_wait3A_187, %dma_wait3A_188] : memref<10240x64xf32, #tpu.memory_space<vmem_shared>> -> memref<10240x64xf32, #tpu.memory_space<vmem_shared>>
        tpu.wait_indirect_dma semaphore(%run_scoped3A_177 : memref<!tpu.dma_semaphore, #tpu.memory_space<semaphore_mem>>) src(%arg9 : memref<128x64xf32, #tpu.memory_space<vmem>>) dst(%dma_wait3A_189 : memref<10240x64xf32, #tpu.memory_space<vmem_shared>>)
        tpu.yield
      }) : () -> ()
      %dma_wait3A_72 = arith.constant 1 : i32
      %dma_wait3A_73 = arith.constant 0 : i32
      %dma_wait3A_74 = tpu.memref_slice %arg7[%dma_wait3A_72, %dma_wait3A_73] : memref<8x128xi32, #tpu.memory_space<vmem>> -> memref<1x128xi32, #tpu.memory_space<vmem>>
      %dma_wait3A_75 = tpu.memref_squeeze %dma_wait3A_74 : memref<1x128xi32, #tpu.memory_space<vmem>> -> memref<128xi32, #tpu.memory_space<vmem>>
      %dma_wait3A_76 = arith.constant 0 : i32
      %dma_wait3A_77 = arith.constant 0 : i32
      %dma_wait3A_78 = tpu.memref_slice %arg2[%dma_wait3A_76, %dma_wait3A_77] : memref<10000x64xf32, #tpu.memory_space<hbm>> -> memref<10000x64xf32, #tpu.memory_space<hbm>>
      tpu.wait_indirect_dma semaphore(%arg14 : memref<!tpu.dma_semaphore, #tpu.memory_space<semaphore_mem>>) src(%dma_wait3A_78 : memref<10000x64xf32, #tpu.memory_space<hbm>>) dst(%arg10 : memref<128x64xf32, #tpu.memory_space<vmem>>)
      %dma_start3A_79 = arith.constant 2 : i32
      %dma_start3A_80 = arith.constant 0 : i32
      %dma_start3A_81 = tpu.memref_slice %arg7[%dma_start3A_79, %dma_start3A_80] : memref<8x128xi32, #tpu.memory_space<vmem>> -> memref<1x128xi32, #tpu.memory_space<vmem>>
      %dma_start3A_82 = tpu.memref_squeeze %dma_start3A_81 : memref<1x128xi32, #tpu.memory_space<vmem>> -> memref<128xi32, #tpu.memory_space<vmem>>
      %dma_start3A_83 = arith.constant 0 : i32
      %dma_start3A_84 = arith.constant 0 : i32
      %dma_start3A_85 = tpu.memref_slice %arg2[%dma_start3A_83, %dma_start3A_84] : memref<10000x64xf32, #tpu.memory_space<hbm>> -> memref<10000x64xf32, #tpu.memory_space<hbm>>
      tpu.enqueue_indirect_dma source(%dma_start3A_85 : memref<10000x64xf32, #tpu.memory_space<hbm>>) target(%arg9 : memref<128x64xf32, #tpu.memory_space<vmem>>) offsets(%dma_start3A_82 : memref<128xi32, #tpu.memory_space<vmem>>) semaphore(%arg13 : memref<!tpu.dma_semaphore, #tpu.memory_space<semaphore_mem>>)
      %run_scoped3A_86 = arith.constant 1 : i32
      "tpu.region"() ({
        %run_scoped3A_177 = tpu.sem_alloc : memref<!tpu.dma_semaphore, #tpu.memory_space<semaphore_mem>>
        %dma_start3A_178 = arith.constant 0 : i32
        %dma_start3A_179 = tpu.memref_slice %arg8[%run_scoped3A_86, %dma_start3A_178] : memref<8x128xi32, #tpu.memory_space<vmem>> -> memref<1x128xi32, #tpu.memory_space<vmem>>
        %dma_start3A_180 = tpu.memref_squeeze %dma_start3A_179 : memref<1x128xi32, #tpu.memory_space<vmem>> -> memref<128xi32, #tpu.memory_space<vmem>>
        %dma_start3A_181 = arith.constant 0 : i32
        %dma_start3A_182 = arith.constant 0 : i32
        %dma_start3A_183 = tpu.memref_slice %arg15[%dma_start3A_181, %dma_start3A_182] : memref<10240x16xf32, #tpu.memory_space<vmem_shared>> -> memref<10240x16xf32, #tpu.memory_space<vmem_shared>>
        tpu.enqueue_indirect_dma source(%arg11 : memref<128x16xf32, #tpu.memory_space<vmem>>) target(%dma_start3A_183 : memref<10240x16xf32, #tpu.memory_space<vmem_shared>>) offsets(%dma_start3A_180 : memref<128xi32, #tpu.memory_space<vmem>>) semaphore(%run_scoped3A_177 : memref<!tpu.dma_semaphore, #tpu.memory_space<semaphore_mem>>) {add = true}
        %dma_wait3A_184 = arith.constant 0 : i32
        %dma_wait3A_185 = tpu.memref_slice %arg8[%run_scoped3A_86, %dma_wait3A_184] : memref<8x128xi32, #tpu.memory_space<vmem>> -> memref<1x128xi32, #tpu.memory_space<vmem>>
        %dma_wait3A_186 = tpu.memref_squeeze %dma_wait3A_185 : memref<1x128xi32, #tpu.memory_space<vmem>> -> memref<128xi32, #tpu.memory_space<vmem>>
        %dma_wait3A_187 = arith.constant 0 : i32
        %dma_wait3A_188 = arith.constant 0 : i32
        %dma_wait3A_189 = tpu.memref_slice %arg15[%dma_wait3A_187, %dma_wait3A_188] : memref<10240x16xf32, #tpu.memory_space<vmem_shared>> -> memref<10240x16xf32, #tpu.memory_space<vmem_shared>>
        tpu.wait_indirect_dma semaphore(%run_scoped3A_177 : memref<!tpu.dma_semaphore, #tpu.memory_space<semaphore_mem>>) src(%arg11 : memref<128x16xf32, #tpu.memory_space<vmem>>) dst(%dma_wait3A_189 : memref<10240x16xf32, #tpu.memory_space<vmem_shared>>)
        tpu.yield
      }) : () -> ()
      %run_scoped3A_87 = arith.constant 1 : i32
      "tpu.region"() ({
        %run_scoped3A_177 = tpu.sem_alloc : memref<!tpu.dma_semaphore, #tpu.memory_space<semaphore_mem>>
        %dma_start3A_178 = arith.constant 0 : i32
        %dma_start3A_179 = tpu.memref_slice %arg8[%run_scoped3A_87, %dma_start3A_178] : memref<8x128xi32, #tpu.memory_space<vmem>> -> memref<1x128xi32, #tpu.memory_space<vmem>>
        %dma_start3A_180 = tpu.memref_squeeze %dma_start3A_179 : memref<1x128xi32, #tpu.memory_space<vmem>> -> memref<128xi32, #tpu.memory_space<vmem>>
        %dma_start3A_181 = arith.constant 0 : i32
        %dma_start3A_182 = arith.constant 0 : i32
        %dma_start3A_183 = tpu.memref_slice %arg12[%dma_start3A_181, %dma_start3A_182] : memref<10240x64xf32, #tpu.memory_space<vmem_shared>> -> memref<10240x64xf32, #tpu.memory_space<vmem_shared>>
        tpu.enqueue_indirect_dma source(%arg10 : memref<128x64xf32, #tpu.memory_space<vmem>>) target(%dma_start3A_183 : memref<10240x64xf32, #tpu.memory_space<vmem_shared>>) offsets(%dma_start3A_180 : memref<128xi32, #tpu.memory_space<vmem>>) semaphore(%run_scoped3A_177 : memref<!tpu.dma_semaphore, #tpu.memory_space<semaphore_mem>>) {add = true}
        %dma_wait3A_184 = arith.constant 0 : i32
        %dma_wait3A_185 = tpu.memref_slice %arg8[%run_scoped3A_87, %dma_wait3A_184] : memref<8x128xi32, #tpu.memory_space<vmem>> -> memref<1x128xi32, #tpu.memory_space<vmem>>
        %dma_wait3A_186 = tpu.memref_squeeze %dma_wait3A_185 : memref<1x128xi32, #tpu.memory_space<vmem>> -> memref<128xi32, #tpu.memory_space<vmem>>
        %dma_wait3A_187 = arith.constant 0 : i32
        %dma_wait3A_188 = arith.constant 0 : i32
        %dma_wait3A_189 = tpu.memref_slice %arg12[%dma_wait3A_187, %dma_wait3A_188] : memref<10240x64xf32, #tpu.memory_space<vmem_shared>> -> memref<10240x64xf32, #tpu.memory_space<vmem_shared>>
        tpu.wait_indirect_dma semaphore(%run_scoped3A_177 : memref<!tpu.dma_semaphore, #tpu.memory_space<semaphore_mem>>) src(%arg10 : memref<128x64xf32, #tpu.memory_space<vmem>>) dst(%dma_wait3A_189 : memref<10240x64xf32, #tpu.memory_space<vmem_shared>>)
        tpu.yield
      }) : () -> ()
      %dma_wait3A_88 = arith.constant 2 : i32
      %dma_wait3A_89 = arith.constant 0 : i32
      %dma_wait3A_90 = tpu.memref_slice %arg7[%dma_wait3A_88, %dma_wait3A_89] : memref<8x128xi32, #tpu.memory_space<vmem>> -> memref<1x128xi32, #tpu.memory_space<vmem>>
      %dma_wait3A_91 = tpu.memref_squeeze %dma_wait3A_90 : memref<1x128xi32, #tpu.memory_space<vmem>> -> memref<128xi32, #tpu.memory_space<vmem>>
      %dma_wait3A_92 = arith.constant 0 : i32
      %dma_wait3A_93 = arith.constant 0 : i32
      %dma_wait3A_94 = tpu.memref_slice %arg2[%dma_wait3A_92, %dma_wait3A_93] : memref<10000x64xf32, #tpu.memory_space<hbm>> -> memref<10000x64xf32, #tpu.memory_space<hbm>>
      tpu.wait_indirect_dma semaphore(%arg13 : memref<!tpu.dma_semaphore, #tpu.memory_space<semaphore_mem>>) src(%dma_wait3A_94 : memref<10000x64xf32, #tpu.memory_space<hbm>>) dst(%arg9 : memref<128x64xf32, #tpu.memory_space<vmem>>)
      %dma_start3A_95 = arith.constant 3 : i32
      %dma_start3A_96 = arith.constant 0 : i32
      %dma_start3A_97 = tpu.memref_slice %arg7[%dma_start3A_95, %dma_start3A_96] : memref<8x128xi32, #tpu.memory_space<vmem>> -> memref<1x128xi32, #tpu.memory_space<vmem>>
      %dma_start3A_98 = tpu.memref_squeeze %dma_start3A_97 : memref<1x128xi32, #tpu.memory_space<vmem>> -> memref<128xi32, #tpu.memory_space<vmem>>
      %dma_start3A_99 = arith.constant 0 : i32
      %dma_start3A_100 = arith.constant 0 : i32
      %dma_start3A_101 = tpu.memref_slice %arg2[%dma_start3A_99, %dma_start3A_100] : memref<10000x64xf32, #tpu.memory_space<hbm>> -> memref<10000x64xf32, #tpu.memory_space<hbm>>
      tpu.enqueue_indirect_dma source(%dma_start3A_101 : memref<10000x64xf32, #tpu.memory_space<hbm>>) target(%arg10 : memref<128x64xf32, #tpu.memory_space<vmem>>) offsets(%dma_start3A_98 : memref<128xi32, #tpu.memory_space<vmem>>) semaphore(%arg14 : memref<!tpu.dma_semaphore, #tpu.memory_space<semaphore_mem>>)
      %run_scoped3A_102 = arith.constant 2 : i32
      "tpu.region"() ({
        %run_scoped3A_177 = tpu.sem_alloc : memref<!tpu.dma_semaphore, #tpu.memory_space<semaphore_mem>>
        %dma_start3A_178 = arith.constant 0 : i32
        %dma_start3A_179 = tpu.memref_slice %arg8[%run_scoped3A_102, %dma_start3A_178] : memref<8x128xi32, #tpu.memory_space<vmem>> -> memref<1x128xi32, #tpu.memory_space<vmem>>
        %dma_start3A_180 = tpu.memref_squeeze %dma_start3A_179 : memref<1x128xi32, #tpu.memory_space<vmem>> -> memref<128xi32, #tpu.memory_space<vmem>>
        %dma_start3A_181 = arith.constant 0 : i32
        %dma_start3A_182 = arith.constant 0 : i32
        %dma_start3A_183 = tpu.memref_slice %arg15[%dma_start3A_181, %dma_start3A_182] : memref<10240x16xf32, #tpu.memory_space<vmem_shared>> -> memref<10240x16xf32, #tpu.memory_space<vmem_shared>>
        tpu.enqueue_indirect_dma source(%arg11 : memref<128x16xf32, #tpu.memory_space<vmem>>) target(%dma_start3A_183 : memref<10240x16xf32, #tpu.memory_space<vmem_shared>>) offsets(%dma_start3A_180 : memref<128xi32, #tpu.memory_space<vmem>>) semaphore(%run_scoped3A_177 : memref<!tpu.dma_semaphore, #tpu.memory_space<semaphore_mem>>) {add = true}
        %dma_wait3A_184 = arith.constant 0 : i32
        %dma_wait3A_185 = tpu.memref_slice %arg8[%run_scoped3A_102, %dma_wait3A_184] : memref<8x128xi32, #tpu.memory_space<vmem>> -> memref<1x128xi32, #tpu.memory_space<vmem>>
        %dma_wait3A_186 = tpu.memref_squeeze %dma_wait3A_185 : memref<1x128xi32, #tpu.memory_space<vmem>> -> memref<128xi32, #tpu.memory_space<vmem>>
        %dma_wait3A_187 = arith.constant 0 : i32
        %dma_wait3A_188 = arith.constant 0 : i32
        %dma_wait3A_189 = tpu.memref_slice %arg15[%dma_wait3A_187, %dma_wait3A_188] : memref<10240x16xf32, #tpu.memory_space<vmem_shared>> -> memref<10240x16xf32, #tpu.memory_space<vmem_shared>>
        tpu.wait_indirect_dma semaphore(%run_scoped3A_177 : memref<!tpu.dma_semaphore, #tpu.memory_space<semaphore_mem>>) src(%arg11 : memref<128x16xf32, #tpu.memory_space<vmem>>) dst(%dma_wait3A_189 : memref<10240x16xf32, #tpu.memory_space<vmem_shared>>)
        tpu.yield
      }) : () -> ()
      %run_scoped3A_103 = arith.constant 2 : i32
      "tpu.region"() ({
        %run_scoped3A_177 = tpu.sem_alloc : memref<!tpu.dma_semaphore, #tpu.memory_space<semaphore_mem>>
        %dma_start3A_178 = arith.constant 0 : i32
        %dma_start3A_179 = tpu.memref_slice %arg8[%run_scoped3A_103, %dma_start3A_178] : memref<8x128xi32, #tpu.memory_space<vmem>> -> memref<1x128xi32, #tpu.memory_space<vmem>>
        %dma_start3A_180 = tpu.memref_squeeze %dma_start3A_179 : memref<1x128xi32, #tpu.memory_space<vmem>> -> memref<128xi32, #tpu.memory_space<vmem>>
        %dma_start3A_181 = arith.constant 0 : i32
        %dma_start3A_182 = arith.constant 0 : i32
        %dma_start3A_183 = tpu.memref_slice %arg12[%dma_start3A_181, %dma_start3A_182] : memref<10240x64xf32, #tpu.memory_space<vmem_shared>> -> memref<10240x64xf32, #tpu.memory_space<vmem_shared>>
        tpu.enqueue_indirect_dma source(%arg9 : memref<128x64xf32, #tpu.memory_space<vmem>>) target(%dma_start3A_183 : memref<10240x64xf32, #tpu.memory_space<vmem_shared>>) offsets(%dma_start3A_180 : memref<128xi32, #tpu.memory_space<vmem>>) semaphore(%run_scoped3A_177 : memref<!tpu.dma_semaphore, #tpu.memory_space<semaphore_mem>>) {add = true}
        %dma_wait3A_184 = arith.constant 0 : i32
        %dma_wait3A_185 = tpu.memref_slice %arg8[%run_scoped3A_103, %dma_wait3A_184] : memref<8x128xi32, #tpu.memory_space<vmem>> -> memref<1x128xi32, #tpu.memory_space<vmem>>
        %dma_wait3A_186 = tpu.memref_squeeze %dma_wait3A_185 : memref<1x128xi32, #tpu.memory_space<vmem>> -> memref<128xi32, #tpu.memory_space<vmem>>
        %dma_wait3A_187 = arith.constant 0 : i32
        %dma_wait3A_188 = arith.constant 0 : i32
        %dma_wait3A_189 = tpu.memref_slice %arg12[%dma_wait3A_187, %dma_wait3A_188] : memref<10240x64xf32, #tpu.memory_space<vmem_shared>> -> memref<10240x64xf32, #tpu.memory_space<vmem_shared>>
        tpu.wait_indirect_dma semaphore(%run_scoped3A_177 : memref<!tpu.dma_semaphore, #tpu.memory_space<semaphore_mem>>) src(%arg9 : memref<128x64xf32, #tpu.memory_space<vmem>>) dst(%dma_wait3A_189 : memref<10240x64xf32, #tpu.memory_space<vmem_shared>>)
        tpu.yield
      }) : () -> ()
      %dma_wait3A_104 = arith.constant 3 : i32
      %dma_wait3A_105 = arith.constant 0 : i32
      %dma_wait3A_106 = tpu.memref_slice %arg7[%dma_wait3A_104, %dma_wait3A_105] : memref<8x128xi32, #tpu.memory_space<vmem>> -> memref<1x128xi32, #tpu.memory_space<vmem>>
      %dma_wait3A_107 = tpu.memref_squeeze %dma_wait3A_106 : memref<1x128xi32, #tpu.memory_space<vmem>> -> memref<128xi32, #tpu.memory_space<vmem>>
      %dma_wait3A_108 = arith.constant 0 : i32
      %dma_wait3A_109 = arith.constant 0 : i32
      %dma_wait3A_110 = tpu.memref_slice %arg2[%dma_wait3A_108, %dma_wait3A_109] : memref<10000x64xf32, #tpu.memory_space<hbm>> -> memref<10000x64xf32, #tpu.memory_space<hbm>>
      tpu.wait_indirect_dma semaphore(%arg14 : memref<!tpu.dma_semaphore, #tpu.memory_space<semaphore_mem>>) src(%dma_wait3A_110 : memref<10000x64xf32, #tpu.memory_space<hbm>>) dst(%arg10 : memref<128x64xf32, #tpu.memory_space<vmem>>)
      %dma_start3A_111 = arith.constant 4 : i32
      %dma_start3A_112 = arith.constant 0 : i32
      %dma_start3A_113 = tpu.memref_slice %arg7[%dma_start3A_111, %dma_start3A_112] : memref<8x128xi32, #tpu.memory_space<vmem>> -> memref<1x128xi32, #tpu.memory_space<vmem>>
      %dma_start3A_114 = tpu.memref_squeeze %dma_start3A_113 : memref<1x128xi32, #tpu.memory_space<vmem>> -> memref<128xi32, #tpu.memory_space<vmem>>
      %dma_start3A_115 = arith.constant 0 : i32
      %dma_start3A_116 = arith.constant 0 : i32
      %dma_start3A_117 = tpu.memref_slice %arg2[%dma_start3A_115, %dma_start3A_116] : memref<10000x64xf32, #tpu.memory_space<hbm>> -> memref<10000x64xf32, #tpu.memory_space<hbm>>
      tpu.enqueue_indirect_dma source(%dma_start3A_117 : memref<10000x64xf32, #tpu.memory_space<hbm>>) target(%arg9 : memref<128x64xf32, #tpu.memory_space<vmem>>) offsets(%dma_start3A_114 : memref<128xi32, #tpu.memory_space<vmem>>) semaphore(%arg13 : memref<!tpu.dma_semaphore, #tpu.memory_space<semaphore_mem>>)
      %run_scoped3A_118 = arith.constant 3 : i32
      "tpu.region"() ({
        %run_scoped3A_177 = tpu.sem_alloc : memref<!tpu.dma_semaphore, #tpu.memory_space<semaphore_mem>>
        %dma_start3A_178 = arith.constant 0 : i32
        %dma_start3A_179 = tpu.memref_slice %arg8[%run_scoped3A_118, %dma_start3A_178] : memref<8x128xi32, #tpu.memory_space<vmem>> -> memref<1x128xi32, #tpu.memory_space<vmem>>
        %dma_start3A_180 = tpu.memref_squeeze %dma_start3A_179 : memref<1x128xi32, #tpu.memory_space<vmem>> -> memref<128xi32, #tpu.memory_space<vmem>>
        %dma_start3A_181 = arith.constant 0 : i32
        %dma_start3A_182 = arith.constant 0 : i32
        %dma_start3A_183 = tpu.memref_slice %arg15[%dma_start3A_181, %dma_start3A_182] : memref<10240x16xf32, #tpu.memory_space<vmem_shared>> -> memref<10240x16xf32, #tpu.memory_space<vmem_shared>>
        tpu.enqueue_indirect_dma source(%arg11 : memref<128x16xf32, #tpu.memory_space<vmem>>) target(%dma_start3A_183 : memref<10240x16xf32, #tpu.memory_space<vmem_shared>>) offsets(%dma_start3A_180 : memref<128xi32, #tpu.memory_space<vmem>>) semaphore(%run_scoped3A_177 : memref<!tpu.dma_semaphore, #tpu.memory_space<semaphore_mem>>) {add = true}
        %dma_wait3A_184 = arith.constant 0 : i32
        %dma_wait3A_185 = tpu.memref_slice %arg8[%run_scoped3A_118, %dma_wait3A_184] : memref<8x128xi32, #tpu.memory_space<vmem>> -> memref<1x128xi32, #tpu.memory_space<vmem>>
        %dma_wait3A_186 = tpu.memref_squeeze %dma_wait3A_185 : memref<1x128xi32, #tpu.memory_space<vmem>> -> memref<128xi32, #tpu.memory_space<vmem>>
        %dma_wait3A_187 = arith.constant 0 : i32
        %dma_wait3A_188 = arith.constant 0 : i32
        %dma_wait3A_189 = tpu.memref_slice %arg15[%dma_wait3A_187, %dma_wait3A_188] : memref<10240x16xf32, #tpu.memory_space<vmem_shared>> -> memref<10240x16xf32, #tpu.memory_space<vmem_shared>>
        tpu.wait_indirect_dma semaphore(%run_scoped3A_177 : memref<!tpu.dma_semaphore, #tpu.memory_space<semaphore_mem>>) src(%arg11 : memref<128x16xf32, #tpu.memory_space<vmem>>) dst(%dma_wait3A_189 : memref<10240x16xf32, #tpu.memory_space<vmem_shared>>)
        tpu.yield
      }) : () -> ()
      %run_scoped3A_119 = arith.constant 3 : i32
      "tpu.region"() ({
        %run_scoped3A_177 = tpu.sem_alloc : memref<!tpu.dma_semaphore, #tpu.memory_space<semaphore_mem>>
        %dma_start3A_178 = arith.constant 0 : i32
        %dma_start3A_179 = tpu.memref_slice %arg8[%run_scoped3A_119, %dma_start3A_178] : memref<8x128xi32, #tpu.memory_space<vmem>> -> memref<1x128xi32, #tpu.memory_space<vmem>>
        %dma_start3A_180 = tpu.memref_squeeze %dma_start3A_179 : memref<1x128xi32, #tpu.memory_space<vmem>> -> memref<128xi32, #tpu.memory_space<vmem>>
        %dma_start3A_181 = arith.constant 0 : i32
        %dma_start3A_182 = arith.constant 0 : i32
        %dma_start3A_183 = tpu.memref_slice %arg12[%dma_start3A_181, %dma_start3A_182] : memref<10240x64xf32, #tpu.memory_space<vmem_shared>> -> memref<10240x64xf32, #tpu.memory_space<vmem_shared>>
        tpu.enqueue_indirect_dma source(%arg10 : memref<128x64xf32, #tpu.memory_space<vmem>>) target(%dma_start3A_183 : memref<10240x64xf32, #tpu.memory_space<vmem_shared>>) offsets(%dma_start3A_180 : memref<128xi32, #tpu.memory_space<vmem>>) semaphore(%run_scoped3A_177 : memref<!tpu.dma_semaphore, #tpu.memory_space<semaphore_mem>>) {add = true}
        %dma_wait3A_184 = arith.constant 0 : i32
        %dma_wait3A_185 = tpu.memref_slice %arg8[%run_scoped3A_119, %dma_wait3A_184] : memref<8x128xi32, #tpu.memory_space<vmem>> -> memref<1x128xi32, #tpu.memory_space<vmem>>
        %dma_wait3A_186 = tpu.memref_squeeze %dma_wait3A_185 : memref<1x128xi32, #tpu.memory_space<vmem>> -> memref<128xi32, #tpu.memory_space<vmem>>
        %dma_wait3A_187 = arith.constant 0 : i32
        %dma_wait3A_188 = arith.constant 0 : i32
        %dma_wait3A_189 = tpu.memref_slice %arg12[%dma_wait3A_187, %dma_wait3A_188] : memref<10240x64xf32, #tpu.memory_space<vmem_shared>> -> memref<10240x64xf32, #tpu.memory_space<vmem_shared>>
        tpu.wait_indirect_dma semaphore(%run_scoped3A_177 : memref<!tpu.dma_semaphore, #tpu.memory_space<semaphore_mem>>) src(%arg10 : memref<128x64xf32, #tpu.memory_space<vmem>>) dst(%dma_wait3A_189 : memref<10240x64xf32, #tpu.memory_space<vmem_shared>>)
        tpu.yield
      }) : () -> ()
      %dma_wait3A_120 = arith.constant 4 : i32
      %dma_wait3A_121 = arith.constant 0 : i32
      %dma_wait3A_122 = tpu.memref_slice %arg7[%dma_wait3A_120, %dma_wait3A_121] : memref<8x128xi32, #tpu.memory_space<vmem>> -> memref<1x128xi32, #tpu.memory_space<vmem>>
      %dma_wait3A_123 = tpu.memref_squeeze %dma_wait3A_122 : memref<1x128xi32, #tpu.memory_space<vmem>> -> memref<128xi32, #tpu.memory_space<vmem>>
      %dma_wait3A_124 = arith.constant 0 : i32
      %dma_wait3A_125 = arith.constant 0 : i32
      %dma_wait3A_126 = tpu.memref_slice %arg2[%dma_wait3A_124, %dma_wait3A_125] : memref<10000x64xf32, #tpu.memory_space<hbm>> -> memref<10000x64xf32, #tpu.memory_space<hbm>>
      tpu.wait_indirect_dma semaphore(%arg13 : memref<!tpu.dma_semaphore, #tpu.memory_space<semaphore_mem>>) src(%dma_wait3A_126 : memref<10000x64xf32, #tpu.memory_space<hbm>>) dst(%arg9 : memref<128x64xf32, #tpu.memory_space<vmem>>)
      %dma_start3A_127 = arith.constant 5 : i32
      %dma_start3A_128 = arith.constant 0 : i32
      %dma_start3A_129 = tpu.memref_slice %arg7[%dma_start3A_127, %dma_start3A_128] : memref<8x128xi32, #tpu.memory_space<vmem>> -> memref<1x128xi32, #tpu.memory_space<vmem>>
      %dma_start3A_130 = tpu.memref_squeeze %dma_start3A_129 : memref<1x128xi32, #tpu.memory_space<vmem>> -> memref<128xi32, #tpu.memory_space<vmem>>
      %dma_start3A_131 = arith.constant 0 : i32
      %dma_start3A_132 = arith.constant 0 : i32
      %dma_start3A_133 = tpu.memref_slice %arg2[%dma_start3A_131, %dma_start3A_132] : memref<10000x64xf32, #tpu.memory_space<hbm>> -> memref<10000x64xf32, #tpu.memory_space<hbm>>
      tpu.enqueue_indirect_dma source(%dma_start3A_133 : memref<10000x64xf32, #tpu.memory_space<hbm>>) target(%arg10 : memref<128x64xf32, #tpu.memory_space<vmem>>) offsets(%dma_start3A_130 : memref<128xi32, #tpu.memory_space<vmem>>) semaphore(%arg14 : memref<!tpu.dma_semaphore, #tpu.memory_space<semaphore_mem>>)
      %run_scoped3A_134 = arith.constant 4 : i32
      "tpu.region"() ({
        %run_scoped3A_177 = tpu.sem_alloc : memref<!tpu.dma_semaphore, #tpu.memory_space<semaphore_mem>>
        %dma_start3A_178 = arith.constant 0 : i32
        %dma_start3A_179 = tpu.memref_slice %arg8[%run_scoped3A_134, %dma_start3A_178] : memref<8x128xi32, #tpu.memory_space<vmem>> -> memref<1x128xi32, #tpu.memory_space<vmem>>
        %dma_start3A_180 = tpu.memref_squeeze %dma_start3A_179 : memref<1x128xi32, #tpu.memory_space<vmem>> -> memref<128xi32, #tpu.memory_space<vmem>>
        %dma_start3A_181 = arith.constant 0 : i32
        %dma_start3A_182 = arith.constant 0 : i32
        %dma_start3A_183 = tpu.memref_slice %arg15[%dma_start3A_181, %dma_start3A_182] : memref<10240x16xf32, #tpu.memory_space<vmem_shared>> -> memref<10240x16xf32, #tpu.memory_space<vmem_shared>>
        tpu.enqueue_indirect_dma source(%arg11 : memref<128x16xf32, #tpu.memory_space<vmem>>) target(%dma_start3A_183 : memref<10240x16xf32, #tpu.memory_space<vmem_shared>>) offsets(%dma_start3A_180 : memref<128xi32, #tpu.memory_space<vmem>>) semaphore(%run_scoped3A_177 : memref<!tpu.dma_semaphore, #tpu.memory_space<semaphore_mem>>) {add = true}
        %dma_wait3A_184 = arith.constant 0 : i32
        %dma_wait3A_185 = tpu.memref_slice %arg8[%run_scoped3A_134, %dma_wait3A_184] : memref<8x128xi32, #tpu.memory_space<vmem>> -> memref<1x128xi32, #tpu.memory_space<vmem>>
        %dma_wait3A_186 = tpu.memref_squeeze %dma_wait3A_185 : memref<1x128xi32, #tpu.memory_space<vmem>> -> memref<128xi32, #tpu.memory_space<vmem>>
        %dma_wait3A_187 = arith.constant 0 : i32
        %dma_wait3A_188 = arith.constant 0 : i32
        %dma_wait3A_189 = tpu.memref_slice %arg15[%dma_wait3A_187, %dma_wait3A_188] : memref<10240x16xf32, #tpu.memory_space<vmem_shared>> -> memref<10240x16xf32, #tpu.memory_space<vmem_shared>>
        tpu.wait_indirect_dma semaphore(%run_scoped3A_177 : memref<!tpu.dma_semaphore, #tpu.memory_space<semaphore_mem>>) src(%arg11 : memref<128x16xf32, #tpu.memory_space<vmem>>) dst(%dma_wait3A_189 : memref<10240x16xf32, #tpu.memory_space<vmem_shared>>)
        tpu.yield
      }) : () -> ()
      %run_scoped3A_135 = arith.constant 4 : i32
      "tpu.region"() ({
        %run_scoped3A_177 = tpu.sem_alloc : memref<!tpu.dma_semaphore, #tpu.memory_space<semaphore_mem>>
        %dma_start3A_178 = arith.constant 0 : i32
        %dma_start3A_179 = tpu.memref_slice %arg8[%run_scoped3A_135, %dma_start3A_178] : memref<8x128xi32, #tpu.memory_space<vmem>> -> memref<1x128xi32, #tpu.memory_space<vmem>>
        %dma_start3A_180 = tpu.memref_squeeze %dma_start3A_179 : memref<1x128xi32, #tpu.memory_space<vmem>> -> memref<128xi32, #tpu.memory_space<vmem>>
        %dma_start3A_181 = arith.constant 0 : i32
        %dma_start3A_182 = arith.constant 0 : i32
        %dma_start3A_183 = tpu.memref_slice %arg12[%dma_start3A_181, %dma_start3A_182] : memref<10240x64xf32, #tpu.memory_space<vmem_shared>> -> memref<10240x64xf32, #tpu.memory_space<vmem_shared>>
        tpu.enqueue_indirect_dma source(%arg9 : memref<128x64xf32, #tpu.memory_space<vmem>>) target(%dma_start3A_183 : memref<10240x64xf32, #tpu.memory_space<vmem_shared>>) offsets(%dma_start3A_180 : memref<128xi32, #tpu.memory_space<vmem>>) semaphore(%run_scoped3A_177 : memref<!tpu.dma_semaphore, #tpu.memory_space<semaphore_mem>>) {add = true}
        %dma_wait3A_184 = arith.constant 0 : i32
        %dma_wait3A_185 = tpu.memref_slice %arg8[%run_scoped3A_135, %dma_wait3A_184] : memref<8x128xi32, #tpu.memory_space<vmem>> -> memref<1x128xi32, #tpu.memory_space<vmem>>
        %dma_wait3A_186 = tpu.memref_squeeze %dma_wait3A_185 : memref<1x128xi32, #tpu.memory_space<vmem>> -> memref<128xi32, #tpu.memory_space<vmem>>
        %dma_wait3A_187 = arith.constant 0 : i32
        %dma_wait3A_188 = arith.constant 0 : i32
        %dma_wait3A_189 = tpu.memref_slice %arg12[%dma_wait3A_187, %dma_wait3A_188] : memref<10240x64xf32, #tpu.memory_space<vmem_shared>> -> memref<10240x64xf32, #tpu.memory_space<vmem_shared>>
        tpu.wait_indirect_dma semaphore(%run_scoped3A_177 : memref<!tpu.dma_semaphore, #tpu.memory_space<semaphore_mem>>) src(%arg9 : memref<128x64xf32, #tpu.memory_space<vmem>>) dst(%dma_wait3A_189 : memref<10240x64xf32, #tpu.memory_space<vmem_shared>>)
        tpu.yield
      }) : () -> ()
      %dma_wait3A_136 = arith.constant 5 : i32
      %dma_wait3A_137 = arith.constant 0 : i32
      %dma_wait3A_138 = tpu.memref_slice %arg7[%dma_wait3A_136, %dma_wait3A_137] : memref<8x128xi32, #tpu.memory_space<vmem>> -> memref<1x128xi32, #tpu.memory_space<vmem>>
      %dma_wait3A_139 = tpu.memref_squeeze %dma_wait3A_138 : memref<1x128xi32, #tpu.memory_space<vmem>> -> memref<128xi32, #tpu.memory_space<vmem>>
      %dma_wait3A_140 = arith.constant 0 : i32
      %dma_wait3A_141 = arith.constant 0 : i32
      %dma_wait3A_142 = tpu.memref_slice %arg2[%dma_wait3A_140, %dma_wait3A_141] : memref<10000x64xf32, #tpu.memory_space<hbm>> -> memref<10000x64xf32, #tpu.memory_space<hbm>>
      tpu.wait_indirect_dma semaphore(%arg14 : memref<!tpu.dma_semaphore, #tpu.memory_space<semaphore_mem>>) src(%dma_wait3A_142 : memref<10000x64xf32, #tpu.memory_space<hbm>>) dst(%arg10 : memref<128x64xf32, #tpu.memory_space<vmem>>)
      %dma_start3A_143 = arith.constant 6 : i32
      %dma_start3A_144 = arith.constant 0 : i32
      %dma_start3A_145 = tpu.memref_slice %arg7[%dma_start3A_143, %dma_start3A_144] : memref<8x128xi32, #tpu.memory_space<vmem>> -> memref<1x128xi32, #tpu.memory_space<vmem>>
      %dma_start3A_146 = tpu.memref_squeeze %dma_start3A_145 : memref<1x128xi32, #tpu.memory_space<vmem>> -> memref<128xi32, #tpu.memory_space<vmem>>
      %dma_start3A_147 = arith.constant 0 : i32
      %dma_start3A_148 = arith.constant 0 : i32
      %dma_start3A_149 = tpu.memref_slice %arg2[%dma_start3A_147, %dma_start3A_148] : memref<10000x64xf32, #tpu.memory_space<hbm>> -> memref<10000x64xf32, #tpu.memory_space<hbm>>
      tpu.enqueue_indirect_dma source(%dma_start3A_149 : memref<10000x64xf32, #tpu.memory_space<hbm>>) target(%arg9 : memref<128x64xf32, #tpu.memory_space<vmem>>) offsets(%dma_start3A_146 : memref<128xi32, #tpu.memory_space<vmem>>) semaphore(%arg13 : memref<!tpu.dma_semaphore, #tpu.memory_space<semaphore_mem>>)
      %run_scoped3A_150 = arith.constant 5 : i32
      "tpu.region"() ({
        %run_scoped3A_177 = tpu.sem_alloc : memref<!tpu.dma_semaphore, #tpu.memory_space<semaphore_mem>>
        %dma_start3A_178 = arith.constant 0 : i32
        %dma_start3A_179 = tpu.memref_slice %arg8[%run_scoped3A_150, %dma_start3A_178] : memref<8x128xi32, #tpu.memory_space<vmem>> -> memref<1x128xi32, #tpu.memory_space<vmem>>
        %dma_start3A_180 = tpu.memref_squeeze %dma_start3A_179 : memref<1x128xi32, #tpu.memory_space<vmem>> -> memref<128xi32, #tpu.memory_space<vmem>>
        %dma_start3A_181 = arith.constant 0 : i32
        %dma_start3A_182 = arith.constant 0 : i32
        %dma_start3A_183 = tpu.memref_slice %arg15[%dma_start3A_181, %dma_start3A_182] : memref<10240x16xf32, #tpu.memory_space<vmem_shared>> -> memref<10240x16xf32, #tpu.memory_space<vmem_shared>>
        tpu.enqueue_indirect_dma source(%arg11 : memref<128x16xf32, #tpu.memory_space<vmem>>) target(%dma_start3A_183 : memref<10240x16xf32, #tpu.memory_space<vmem_shared>>) offsets(%dma_start3A_180 : memref<128xi32, #tpu.memory_space<vmem>>) semaphore(%run_scoped3A_177 : memref<!tpu.dma_semaphore, #tpu.memory_space<semaphore_mem>>) {add = true}
        %dma_wait3A_184 = arith.constant 0 : i32
        %dma_wait3A_185 = tpu.memref_slice %arg8[%run_scoped3A_150, %dma_wait3A_184] : memref<8x128xi32, #tpu.memory_space<vmem>> -> memref<1x128xi32, #tpu.memory_space<vmem>>
        %dma_wait3A_186 = tpu.memref_squeeze %dma_wait3A_185 : memref<1x128xi32, #tpu.memory_space<vmem>> -> memref<128xi32, #tpu.memory_space<vmem>>
        %dma_wait3A_187 = arith.constant 0 : i32
        %dma_wait3A_188 = arith.constant 0 : i32
        %dma_wait3A_189 = tpu.memref_slice %arg15[%dma_wait3A_187, %dma_wait3A_188] : memref<10240x16xf32, #tpu.memory_space<vmem_shared>> -> memref<10240x16xf32, #tpu.memory_space<vmem_shared>>
        tpu.wait_indirect_dma semaphore(%run_scoped3A_177 : memref<!tpu.dma_semaphore, #tpu.memory_space<semaphore_mem>>) src(%arg11 : memref<128x16xf32, #tpu.memory_space<vmem>>) dst(%dma_wait3A_189 : memref<10240x16xf32, #tpu.memory_space<vmem_shared>>)
        tpu.yield
      }) : () -> ()
      %run_scoped3A_151 = arith.constant 5 : i32
      "tpu.region"() ({
        %run_scoped3A_177 = tpu.sem_alloc : memref<!tpu.dma_semaphore, #tpu.memory_space<semaphore_mem>>
        %dma_start3A_178 = arith.constant 0 : i32
        %dma_start3A_179 = tpu.memref_slice %arg8[%run_scoped3A_151, %dma_start3A_178] : memref<8x128xi32, #tpu.memory_space<vmem>> -> memref<1x128xi32, #tpu.memory_space<vmem>>
        %dma_start3A_180 = tpu.memref_squeeze %dma_start3A_179 : memref<1x128xi32, #tpu.memory_space<vmem>> -> memref<128xi32, #tpu.memory_space<vmem>>
        %dma_start3A_181 = arith.constant 0 : i32
        %dma_start3A_182 = arith.constant 0 : i32
        %dma_start3A_183 = tpu.memref_slice %arg12[%dma_start3A_181, %dma_start3A_182] : memref<10240x64xf32, #tpu.memory_space<vmem_shared>> -> memref<10240x64xf32, #tpu.memory_space<vmem_shared>>
        tpu.enqueue_indirect_dma source(%arg10 : memref<128x64xf32, #tpu.memory_space<vmem>>) target(%dma_start3A_183 : memref<10240x64xf32, #tpu.memory_space<vmem_shared>>) offsets(%dma_start3A_180 : memref<128xi32, #tpu.memory_space<vmem>>) semaphore(%run_scoped3A_177 : memref<!tpu.dma_semaphore, #tpu.memory_space<semaphore_mem>>) {add = true}
        %dma_wait3A_184 = arith.constant 0 : i32
        %dma_wait3A_185 = tpu.memref_slice %arg8[%run_scoped3A_151, %dma_wait3A_184] : memref<8x128xi32, #tpu.memory_space<vmem>> -> memref<1x128xi32, #tpu.memory_space<vmem>>
        %dma_wait3A_186 = tpu.memref_squeeze %dma_wait3A_185 : memref<1x128xi32, #tpu.memory_space<vmem>> -> memref<128xi32, #tpu.memory_space<vmem>>
        %dma_wait3A_187 = arith.constant 0 : i32
        %dma_wait3A_188 = arith.constant 0 : i32
        %dma_wait3A_189 = tpu.memref_slice %arg12[%dma_wait3A_187, %dma_wait3A_188] : memref<10240x64xf32, #tpu.memory_space<vmem_shared>> -> memref<10240x64xf32, #tpu.memory_space<vmem_shared>>
        tpu.wait_indirect_dma semaphore(%run_scoped3A_177 : memref<!tpu.dma_semaphore, #tpu.memory_space<semaphore_mem>>) src(%arg10 : memref<128x64xf32, #tpu.memory_space<vmem>>) dst(%dma_wait3A_189 : memref<10240x64xf32, #tpu.memory_space<vmem_shared>>)
        tpu.yield
      }) : () -> ()
      %dma_wait3A_152 = arith.constant 6 : i32
      %dma_wait3A_153 = arith.constant 0 : i32
      %dma_wait3A_154 = tpu.memref_slice %arg7[%dma_wait3A_152, %dma_wait3A_153] : memref<8x128xi32, #tpu.memory_space<vmem>> -> memref<1x128xi32, #tpu.memory_space<vmem>>
      %dma_wait3A_155 = tpu.memref_squeeze %dma_wait3A_154 : memref<1x128xi32, #tpu.memory_space<vmem>> -> memref<128xi32, #tpu.memory_space<vmem>>
      %dma_wait3A_156 = arith.constant 0 : i32
      %dma_wait3A_157 = arith.constant 0 : i32
      %dma_wait3A_158 = tpu.memref_slice %arg2[%dma_wait3A_156, %dma_wait3A_157] : memref<10000x64xf32, #tpu.memory_space<hbm>> -> memref<10000x64xf32, #tpu.memory_space<hbm>>
      tpu.wait_indirect_dma semaphore(%arg13 : memref<!tpu.dma_semaphore, #tpu.memory_space<semaphore_mem>>) src(%dma_wait3A_158 : memref<10000x64xf32, #tpu.memory_space<hbm>>) dst(%arg9 : memref<128x64xf32, #tpu.memory_space<vmem>>)
      %dma_start3A_159 = arith.constant 7 : i32
      %dma_start3A_160 = arith.constant 0 : i32
      %dma_start3A_161 = tpu.memref_slice %arg7[%dma_start3A_159, %dma_start3A_160] : memref<8x128xi32, #tpu.memory_space<vmem>> -> memref<1x128xi32, #tpu.memory_space<vmem>>
      %dma_start3A_162 = tpu.memref_squeeze %dma_start3A_161 : memref<1x128xi32, #tpu.memory_space<vmem>> -> memref<128xi32, #tpu.memory_space<vmem>>
      %dma_start3A_163 = arith.constant 0 : i32
      %dma_start3A_164 = arith.constant 0 : i32
      %dma_start3A_165 = tpu.memref_slice %arg2[%dma_start3A_163, %dma_start3A_164] : memref<10000x64xf32, #tpu.memory_space<hbm>> -> memref<10000x64xf32, #tpu.memory_space<hbm>>
      tpu.enqueue_indirect_dma source(%dma_start3A_165 : memref<10000x64xf32, #tpu.memory_space<hbm>>) target(%arg10 : memref<128x64xf32, #tpu.memory_space<vmem>>) offsets(%dma_start3A_162 : memref<128xi32, #tpu.memory_space<vmem>>) semaphore(%arg14 : memref<!tpu.dma_semaphore, #tpu.memory_space<semaphore_mem>>)
      %run_scoped3A_166 = arith.constant 6 : i32
      "tpu.region"() ({
        %run_scoped3A_177 = tpu.sem_alloc : memref<!tpu.dma_semaphore, #tpu.memory_space<semaphore_mem>>
        %dma_start3A_178 = arith.constant 0 : i32
        %dma_start3A_179 = tpu.memref_slice %arg8[%run_scoped3A_166, %dma_start3A_178] : memref<8x128xi32, #tpu.memory_space<vmem>> -> memref<1x128xi32, #tpu.memory_space<vmem>>
        %dma_start3A_180 = tpu.memref_squeeze %dma_start3A_179 : memref<1x128xi32, #tpu.memory_space<vmem>> -> memref<128xi32, #tpu.memory_space<vmem>>
        %dma_start3A_181 = arith.constant 0 : i32
        %dma_start3A_182 = arith.constant 0 : i32
        %dma_start3A_183 = tpu.memref_slice %arg15[%dma_start3A_181, %dma_start3A_182] : memref<10240x16xf32, #tpu.memory_space<vmem_shared>> -> memref<10240x16xf32, #tpu.memory_space<vmem_shared>>
        tpu.enqueue_indirect_dma source(%arg11 : memref<128x16xf32, #tpu.memory_space<vmem>>) target(%dma_start3A_183 : memref<10240x16xf32, #tpu.memory_space<vmem_shared>>) offsets(%dma_start3A_180 : memref<128xi32, #tpu.memory_space<vmem>>) semaphore(%run_scoped3A_177 : memref<!tpu.dma_semaphore, #tpu.memory_space<semaphore_mem>>) {add = true}
        %dma_wait3A_184 = arith.constant 0 : i32
        %dma_wait3A_185 = tpu.memref_slice %arg8[%run_scoped3A_166, %dma_wait3A_184] : memref<8x128xi32, #tpu.memory_space<vmem>> -> memref<1x128xi32, #tpu.memory_space<vmem>>
        %dma_wait3A_186 = tpu.memref_squeeze %dma_wait3A_185 : memref<1x128xi32, #tpu.memory_space<vmem>> -> memref<128xi32, #tpu.memory_space<vmem>>
        %dma_wait3A_187 = arith.constant 0 : i32
        %dma_wait3A_188 = arith.constant 0 : i32
        %dma_wait3A_189 = tpu.memref_slice %arg15[%dma_wait3A_187, %dma_wait3A_188] : memref<10240x16xf32, #tpu.memory_space<vmem_shared>> -> memref<10240x16xf32, #tpu.memory_space<vmem_shared>>
        tpu.wait_indirect_dma semaphore(%run_scoped3A_177 : memref<!tpu.dma_semaphore, #tpu.memory_space<semaphore_mem>>) src(%arg11 : memref<128x16xf32, #tpu.memory_space<vmem>>) dst(%dma_wait3A_189 : memref<10240x16xf32, #tpu.memory_space<vmem_shared>>)
        tpu.yield
      }) : () -> ()
      %run_scoped3A_167 = arith.constant 6 : i32
      "tpu.region"() ({
        %run_scoped3A_177 = tpu.sem_alloc : memref<!tpu.dma_semaphore, #tpu.memory_space<semaphore_mem>>
        %dma_start3A_178 = arith.constant 0 : i32
        %dma_start3A_179 = tpu.memref_slice %arg8[%run_scoped3A_167, %dma_start3A_178] : memref<8x128xi32, #tpu.memory_space<vmem>> -> memref<1x128xi32, #tpu.memory_space<vmem>>
        %dma_start3A_180 = tpu.memref_squeeze %dma_start3A_179 : memref<1x128xi32, #tpu.memory_space<vmem>> -> memref<128xi32, #tpu.memory_space<vmem>>
        %dma_start3A_181 = arith.constant 0 : i32
        %dma_start3A_182 = arith.constant 0 : i32
        %dma_start3A_183 = tpu.memref_slice %arg12[%dma_start3A_181, %dma_start3A_182] : memref<10240x64xf32, #tpu.memory_space<vmem_shared>> -> memref<10240x64xf32, #tpu.memory_space<vmem_shared>>
        tpu.enqueue_indirect_dma source(%arg9 : memref<128x64xf32, #tpu.memory_space<vmem>>) target(%dma_start3A_183 : memref<10240x64xf32, #tpu.memory_space<vmem_shared>>) offsets(%dma_start3A_180 : memref<128xi32, #tpu.memory_space<vmem>>) semaphore(%run_scoped3A_177 : memref<!tpu.dma_semaphore, #tpu.memory_space<semaphore_mem>>) {add = true}
        %dma_wait3A_184 = arith.constant 0 : i32
        %dma_wait3A_185 = tpu.memref_slice %arg8[%run_scoped3A_167, %dma_wait3A_184] : memref<8x128xi32, #tpu.memory_space<vmem>> -> memref<1x128xi32, #tpu.memory_space<vmem>>
        %dma_wait3A_186 = tpu.memref_squeeze %dma_wait3A_185 : memref<1x128xi32, #tpu.memory_space<vmem>> -> memref<128xi32, #tpu.memory_space<vmem>>
        %dma_wait3A_187 = arith.constant 0 : i32
        %dma_wait3A_188 = arith.constant 0 : i32
        %dma_wait3A_189 = tpu.memref_slice %arg12[%dma_wait3A_187, %dma_wait3A_188] : memref<10240x64xf32, #tpu.memory_space<vmem_shared>> -> memref<10240x64xf32, #tpu.memory_space<vmem_shared>>
        tpu.wait_indirect_dma semaphore(%run_scoped3A_177 : memref<!tpu.dma_semaphore, #tpu.memory_space<semaphore_mem>>) src(%arg9 : memref<128x64xf32, #tpu.memory_space<vmem>>) dst(%dma_wait3A_189 : memref<10240x64xf32, #tpu.memory_space<vmem_shared>>)
        tpu.yield
      }) : () -> ()
      %dma_wait3A_168 = arith.constant 7 : i32
      %dma_wait3A_169 = arith.constant 0 : i32
      %dma_wait3A_170 = tpu.memref_slice %arg7[%dma_wait3A_168, %dma_wait3A_169] : memref<8x128xi32, #tpu.memory_space<vmem>> -> memref<1x128xi32, #tpu.memory_space<vmem>>
      %dma_wait3A_171 = tpu.memref_squeeze %dma_wait3A_170 : memref<1x128xi32, #tpu.memory_space<vmem>> -> memref<128xi32, #tpu.memory_space<vmem>>
      %dma_wait3A_172 = arith.constant 0 : i32
      %dma_wait3A_173 = arith.constant 0 : i32
      %dma_wait3A_174 = tpu.memref_slice %arg2[%dma_wait3A_172, %dma_wait3A_173] : memref<10000x64xf32, #tpu.memory_space<hbm>> -> memref<10000x64xf32, #tpu.memory_space<hbm>>
      tpu.wait_indirect_dma semaphore(%arg14 : memref<!tpu.dma_semaphore, #tpu.memory_space<semaphore_mem>>) src(%dma_wait3A_174 : memref<10000x64xf32, #tpu.memory_space<hbm>>) dst(%arg10 : memref<128x64xf32, #tpu.memory_space<vmem>>)
      %run_scoped3A_175 = arith.constant 7 : i32
      "tpu.region"() ({
        %run_scoped3A_177 = tpu.sem_alloc : memref<!tpu.dma_semaphore, #tpu.memory_space<semaphore_mem>>
        %dma_start3A_178 = arith.constant 0 : i32
        %dma_start3A_179 = tpu.memref_slice %arg8[%run_scoped3A_175, %dma_start3A_178] : memref<8x128xi32, #tpu.memory_space<vmem>> -> memref<1x128xi32, #tpu.memory_space<vmem>>
        %dma_start3A_180 = tpu.memref_squeeze %dma_start3A_179 : memref<1x128xi32, #tpu.memory_space<vmem>> -> memref<128xi32, #tpu.memory_space<vmem>>
        %dma_start3A_181 = arith.constant 0 : i32
        %dma_start3A_182 = arith.constant 0 : i32
        %dma_start3A_183 = tpu.memref_slice %arg15[%dma_start3A_181, %dma_start3A_182] : memref<10240x16xf32, #tpu.memory_space<vmem_shared>> -> memref<10240x16xf32, #tpu.memory_space<vmem_shared>>
        tpu.enqueue_indirect_dma source(%arg11 : memref<128x16xf32, #tpu.memory_space<vmem>>) target(%dma_start3A_183 : memref<10240x16xf32, #tpu.memory_space<vmem_shared>>) offsets(%dma_start3A_180 : memref<128xi32, #tpu.memory_space<vmem>>) semaphore(%run_scoped3A_177 : memref<!tpu.dma_semaphore, #tpu.memory_space<semaphore_mem>>) {add = true}
        %dma_wait3A_184 = arith.constant 0 : i32
        %dma_wait3A_185 = tpu.memref_slice %arg8[%run_scoped3A_175, %dma_wait3A_184] : memref<8x128xi32, #tpu.memory_space<vmem>> -> memref<1x128xi32, #tpu.memory_space<vmem>>
        %dma_wait3A_186 = tpu.memref_squeeze %dma_wait3A_185 : memref<1x128xi32, #tpu.memory_space<vmem>> -> memref<128xi32, #tpu.memory_space<vmem>>
        %dma_wait3A_187 = arith.constant 0 : i32
        %dma_wait3A_188 = arith.constant 0 : i32
        %dma_wait3A_189 = tpu.memref_slice %arg15[%dma_wait3A_187, %dma_wait3A_188] : memref<10240x16xf32, #tpu.memory_space<vmem_shared>> -> memref<10240x16xf32, #tpu.memory_space<vmem_shared>>
        tpu.wait_indirect_dma semaphore(%run_scoped3A_177 : memref<!tpu.dma_semaphore, #tpu.memory_space<semaphore_mem>>) src(%arg11 : memref<128x16xf32, #tpu.memory_space<vmem>>) dst(%dma_wait3A_189 : memref<10240x16xf32, #tpu.memory_space<vmem_shared>>)
        tpu.yield
      }) : () -> ()
      %run_scoped3A_176 = arith.constant 7 : i32
      "tpu.region"() ({
        %run_scoped3A_177 = tpu.sem_alloc : memref<!tpu.dma_semaphore, #tpu.memory_space<semaphore_mem>>
        %dma_start3A_178 = arith.constant 0 : i32
        %dma_start3A_179 = tpu.memref_slice %arg8[%run_scoped3A_176, %dma_start3A_178] : memref<8x128xi32, #tpu.memory_space<vmem>> -> memref<1x128xi32, #tpu.memory_space<vmem>>
        %dma_start3A_180 = tpu.memref_squeeze %dma_start3A_179 : memref<1x128xi32, #tpu.memory_space<vmem>> -> memref<128xi32, #tpu.memory_space<vmem>>
        %dma_start3A_181 = arith.constant 0 : i32
        %dma_start3A_182 = arith.constant 0 : i32
        %dma_start3A_183 = tpu.memref_slice %arg12[%dma_start3A_181, %dma_start3A_182] : memref<10240x64xf32, #tpu.memory_space<vmem_shared>> -> memref<10240x64xf32, #tpu.memory_space<vmem_shared>>
        tpu.enqueue_indirect_dma source(%arg10 : memref<128x64xf32, #tpu.memory_space<vmem>>) target(%dma_start3A_183 : memref<10240x64xf32, #tpu.memory_space<vmem_shared>>) offsets(%dma_start3A_180 : memref<128xi32, #tpu.memory_space<vmem>>) semaphore(%run_scoped3A_177 : memref<!tpu.dma_semaphore, #tpu.memory_space<semaphore_mem>>) {add = true}
        %dma_wait3A_184 = arith.constant 0 : i32
        %dma_wait3A_185 = tpu.memref_slice %arg8[%run_scoped3A_176, %dma_wait3A_184] : memref<8x128xi32, #tpu.memory_space<vmem>> -> memref<1x128xi32, #tpu.memory_space<vmem>>
        %dma_wait3A_186 = tpu.memref_squeeze %dma_wait3A_185 : memref<1x128xi32, #tpu.memory_space<vmem>> -> memref<128xi32, #tpu.memory_space<vmem>>
        %dma_wait3A_187 = arith.constant 0 : i32
        %dma_wait3A_188 = arith.constant 0 : i32
        %dma_wait3A_189 = tpu.memref_slice %arg12[%dma_wait3A_187, %dma_wait3A_188] : memref<10240x64xf32, #tpu.memory_space<vmem_shared>> -> memref<10240x64xf32, #tpu.memory_space<vmem_shared>>
        tpu.wait_indirect_dma semaphore(%run_scoped3A_177 : memref<!tpu.dma_semaphore, #tpu.memory_space<semaphore_mem>>) src(%arg10 : memref<128x64xf32, #tpu.memory_space<vmem>>) dst(%dma_wait3A_189 : memref<10240x64xf32, #tpu.memory_space<vmem_shared>>)
        tpu.yield
      }) : () -> ()
    }
    %barrier3A_39 = arith.constant 0 : index
    tpu.barrier barrier_id(%barrier3A_39)
    %mul3A_40 = arith.constant 640 : i32
    %mul3A_41 = arith.muli %arg1, %mul3A_40 : i32
    %mul3A_42 = arith.constant 640 : i32
    %mul3A_43 = arith.muli %arg1, %mul3A_42 : i32
    "tpu.region"() ({
      %run_scoped3A = tpu.sem_alloc : memref<!tpu.dma_semaphore, #tpu.memory_space<semaphore_mem>>
      %dma_start3A = arith.constant 0 : i32
      %dma_start3A_48 = tpu.memref_slice %arg5[%arg0, %mul3A_43, %dma_start3A] : memref<2x10240x64xf32, #tpu.memory_space<hbm>> -> memref<1x640x64xf32, #tpu.memory_space<hbm>>
      %dma_start3A_49 = tpu.memref_squeeze %dma_start3A_48 : memref<1x640x64xf32, #tpu.memory_space<hbm>> -> memref<640x64xf32, #tpu.memory_space<hbm>>
      %dma_start3A_50 = arith.constant 0 : i32
      %dma_start3A_51 = tpu.memref_slice %arg12[%mul3A_41, %dma_start3A_50] : memref<10240x64xf32, #tpu.memory_space<vmem_shared>> -> memref<640x64xf32, #tpu.memory_space<vmem_shared>>
      tpu.enqueue_dma source(%dma_start3A_51 : memref<640x64xf32, #tpu.memory_space<vmem_shared>>) target(%dma_start3A_49 : memref<640x64xf32, #tpu.memory_space<hbm>>) target_semaphore(%run_scoped3A : memref<!tpu.dma_semaphore, #tpu.memory_space<semaphore_mem>>)
      %dma_wait3A = arith.constant 0 : i32
      %dma_wait3A_52 = tpu.memref_slice %arg5[%arg0, %mul3A_43, %dma_wait3A] : memref<2x10240x64xf32, #tpu.memory_space<hbm>> -> memref<1x640x64xf32, #tpu.memory_space<hbm>>
      %dma_wait3A_53 = tpu.memref_squeeze %dma_wait3A_52 : memref<1x640x64xf32, #tpu.memory_space<hbm>> -> memref<640x64xf32, #tpu.memory_space<hbm>>
      %dma_wait3A_54 = arith.constant 0 : i32
      %dma_wait3A_55 = tpu.memref_slice %arg12[%mul3A_41, %dma_wait3A_54] : memref<10240x64xf32, #tpu.memory_space<vmem_shared>> -> memref<640x64xf32, #tpu.memory_space<vmem_shared>>
      tpu.wait_dma2 semaphore(%run_scoped3A : memref<!tpu.dma_semaphore, #tpu.memory_space<semaphore_mem>>) src(%dma_wait3A_55 : memref<640x64xf32, #tpu.memory_space<vmem_shared>>) dst(%dma_wait3A_53 : memref<640x64xf32, #tpu.memory_space<hbm>>)
      tpu.yield
    }) : () -> ()
    %mul3A_44 = arith.constant 640 : i32
    %mul3A_45 = arith.muli %arg1, %mul3A_44 : i32
    %mul3A_46 = arith.constant 640 : i32
    %mul3A_47 = arith.muli %arg1, %mul3A_46 : i32
    "tpu.region"() ({
      %run_scoped3A = tpu.sem_alloc : memref<!tpu.dma_semaphore, #tpu.memory_space<semaphore_mem>>
      %dma_start3A = arith.constant 0 : i32
      %dma_start3A_48 = tpu.memref_slice %arg6[%arg0, %mul3A_47, %dma_start3A] : memref<2x10240x16xf32, #tpu.memory_space<hbm>> -> memref<1x640x16xf32, #tpu.memory_space<hbm>>
      %dma_start3A_49 = tpu.memref_squeeze %dma_start3A_48 : memref<1x640x16xf32, #tpu.memory_space<hbm>> -> memref<640x16xf32, #tpu.memory_space<hbm>>
      %dma_start3A_50 = arith.constant 0 : i32
      %dma_start3A_51 = tpu.memref_slice %arg15[%mul3A_45, %dma_start3A_50] : memref<10240x16xf32, #tpu.memory_space<vmem_shared>> -> memref<640x16xf32, #tpu.memory_space<vmem_shared>>
      tpu.enqueue_dma source(%dma_start3A_51 : memref<640x16xf32, #tpu.memory_space<vmem_shared>>) target(%dma_start3A_49 : memref<640x16xf32, #tpu.memory_space<hbm>>) target_semaphore(%run_scoped3A : memref<!tpu.dma_semaphore, #tpu.memory_space<semaphore_mem>>)
      %dma_wait3A = arith.constant 0 : i32
      %dma_wait3A_52 = tpu.memref_slice %arg6[%arg0, %mul3A_47, %dma_wait3A] : memref<2x10240x16xf32, #tpu.memory_space<hbm>> -> memref<1x640x16xf32, #tpu.memory_space<hbm>>
      %dma_wait3A_53 = tpu.memref_squeeze %dma_wait3A_52 : memref<1x640x16xf32, #tpu.memory_space<hbm>> -> memref<640x16xf32, #tpu.memory_space<hbm>>
      %dma_wait3A_54 = arith.constant 0 : i32
      %dma_wait3A_55 = tpu.memref_slice %arg15[%mul3A_45, %dma_wait3A_54] : memref<10240x16xf32, #tpu.memory_space<vmem_shared>> -> memref<640x16xf32, #tpu.memory_space<vmem_shared>>
      tpu.wait_dma2 semaphore(%run_scoped3A : memref<!tpu.dma_semaphore, #tpu.memory_space<semaphore_mem>>) src(%dma_wait3A_55 : memref<640x16xf32, #tpu.memory_space<vmem_shared>>) dst(%dma_wait3A_53 : memref<640x16xf32, #tpu.memory_space<hbm>>)
      tpu.yield
    }) : () -> ()
    return
  }
}

#map = affine_map<(d0, d1) -> (0, 0)>
#map1 = affine_map<(d0, d1) -> (0, 0, 0)>
module attributes {stable_mosaic.version = 14 : i64} {
  func.func @k(%arg0: i32, %arg1: i32, %arg2: memref<10000x16xf32, #tpu.memory_space<hbm>>, %arg3: memref<2560x128xi32, #tpu.memory_space<hbm>>, %arg4: memref<2560x128xi32, #tpu.memory_space<hbm>>, %arg5: memref<2x10240x16xf32, #tpu.memory_space<hbm>>, %arg6: memref<8x128xi32, #tpu.memory_space<vmem>>, %arg7: memref<8x128xi32, #tpu.memory_space<vmem>>, %arg8: memref<128x16xf32, #tpu.memory_space<vmem>>, %arg9: memref<128x16xf32, #tpu.memory_space<vmem>>, %arg10: memref<128x16xf32, #tpu.memory_space<vmem>>, %arg11: memref<10240x16xf32, #tpu.memory_space<vmem_shared>>, %arg12: memref<!tpu.dma_semaphore, #tpu.memory_space<semaphore_mem>>, %arg13: memref<!tpu.dma_semaphore, #tpu.memory_space<semaphore_mem>>) attributes {dimension_semantics = [#tpu.dimension_semantics<core_parallel>, #tpu.dimension_semantics<subcore_parallel>], iteration_bounds = array<i64: 2, 16>, scalar_prefetch = 0 : i64, scratch_operands = 8 : i64, tpu.core_type = #tpu.core_type<sc_vector_subcore>, window_params = [{transform_indices = #map}, {transform_indices = #map}, {transform_indices = #map}, {transform_indices = #map1}]} {
    %eq3A = arith.constant 0 : i32
    %eq3A_0 = arith.cmpi eq, %arg0, %eq3A : i32
    %jit3A = arith.constant 104 : i32
    %jit3A_1 = arith.constant 56 : i32
    %select_n3A = arith.select %eq3A_0, %jit3A, %jit3A_1 : i32
    %eq3A_2 = arith.constant 0 : i32
    %eq3A_3 = arith.cmpi eq, %arg0, %eq3A_2 : i32
    %mul3A = arith.constant 104 : i32
    %mul3A_4 = arith.muli %arg1, %mul3A : i32
    %mul3A_5 = arith.constant 56 : i32
    %mul3A_6 = arith.muli %arg1, %mul3A_5 : i32
    %add3A = arith.constant 1664 : i32
    %add3A_7 = arith.addi %add3A, %mul3A_6 : i32
    %select_n3A_8 = arith.select %eq3A_3, %mul3A_4, %add3A_7 : i32
    %scan3A = arith.constant 0 : i32
    %scan3A_9 = arith.constant 128 : i32
    %scan3A_10 = arith.addi %scan3A, %scan3A_9 : i32
    %scan3A_11 = arith.constant 1 : i32
    scf.for %scan3A_39 = %scan3A to %scan3A_10 step %scan3A_11  : i32 {
      %mul3A_40 = arith.constant 1 : i32
      %mul3A_41 = arith.muli %scan3A_39, %mul3A_40 : i32
      %add3A_42 = arith.constant 0 : i32
      %add3A_43 = arith.addi %add3A_42, %mul3A_41 : i32
      %broadcast_in_dim3A = arith.constant 0.000000e+00 : f32
      %broadcast_in_dim3A_44 = vector.broadcast %broadcast_in_dim3A : f32 to vector<16xf32>
      %swap3A = arith.index_cast %add3A_43 : i32 to index
      %swap3A_45 = arith.constant 0 : index
      %swap3A_46 = tpu.vector_load %arg10[%swap3A, %swap3A_45] {strides = array<i32>} : memref<128x16xf32, #tpu.memory_space<vmem>>, vector<1x16xf32>,
      %swap3A_47 = vector.shape_cast %swap3A_46 : vector<1x16xf32> to vector<16xf32>
      %swap3A_48 = vector.shape_cast %broadcast_in_dim3A_44 : vector<16xf32> to vector<1x16xf32>
      tpu.vector_store %arg10[%swap3A, %swap3A_45], %swap3A_48 {strides = array<i32>} : memref<128x16xf32, #tpu.memory_space<vmem>>, vector<1x16xf32>,
      %scan3A_49 = arith.constant 0 : i32
      %mul3A_50 = arith.constant 16 : i32
      %mul3A_51 = arith.muli %scan3A_49, %mul3A_50 : i32
      %add3A_52 = arith.constant 0 : i32
      %add3A_53 = arith.addi %add3A_52, %mul3A_51 : i32
      %broadcast_in_dim3A_54 = arith.constant 0.000000e+00 : f32
      %broadcast_in_dim3A_55 = vector.broadcast %broadcast_in_dim3A_54 : f32 to vector<16xf32>
      %swap3A_56 = arith.index_cast %add3A_43 : i32 to index
      %swap3A_57 = arith.index_cast %add3A_53 : i32 to index
      %swap3A_58 = tpu.vector_load %arg8[%swap3A_56, %swap3A_57] {strides = array<i32>} : memref<128x16xf32, #tpu.memory_space<vmem>>, vector<1x16xf32>,
      %swap3A_59 = vector.shape_cast %swap3A_58 : vector<1x16xf32> to vector<16xf32>
      %swap3A_60 = vector.shape_cast %broadcast_in_dim3A_55 : vector<16xf32> to vector<1x16xf32>
      tpu.vector_store %arg8[%swap3A_56, %swap3A_57], %swap3A_60 {strides = array<i32>} : memref<128x16xf32, #tpu.memory_space<vmem>>, vector<1x16xf32>,
      %scan3A_61 = arith.constant 1 : i32
    }
    %scan3A_12 = arith.constant 128 : i32
    %scan3A_13 = arith.constant 0 : i32
    %scan3A_14 = arith.constant 5 : i32
    %scan3A_15 = arith.addi %scan3A_13, %scan3A_14 : i32
    %scan3A_16 = arith.constant 1 : i32
    scf.for %scan3A_39 = %scan3A_13 to %scan3A_15 step %scan3A_16  : i32 {
      %mul3A_40 = arith.constant 128 : i32
      %mul3A_41 = arith.muli %scan3A_39, %mul3A_40 : i32
      %add3A_42 = arith.constant 0 : i32
      %add3A_43 = arith.addi %add3A_42, %mul3A_41 : i32
      %mul3A_44 = arith.constant 640 : i32
      %mul3A_45 = arith.muli %arg1, %mul3A_44 : i32
      %add3A_46 = arith.addi %mul3A_45, %add3A_43 : i32
      "tpu.region"() ({
        %run_scoped3A = tpu.sem_alloc : memref<!tpu.dma_semaphore, #tpu.memory_space<semaphore_mem>>
        %dma_start3A = arith.constant 0 : i32
        %dma_start3A_47 = tpu.memref_slice %arg11[%add3A_46, %dma_start3A] : memref<10240x16xf32, #tpu.memory_space<vmem_shared>> -> memref<128x16xf32, #tpu.memory_space<vmem_shared>>
        %dma_start3A_48 = arith.constant 0 : i32
        %dma_start3A_49 = tpu.memref_slice %arg11[%add3A_46, %dma_start3A_48] : memref<10240x16xf32, #tpu.memory_space<vmem_shared>> -> memref<128x16xf32, #tpu.memory_space<vmem_shared>>
        tpu.enqueue_dma source(%arg8 : memref<128x16xf32, #tpu.memory_space<vmem>>) target(%dma_start3A_49 : memref<128x16xf32, #tpu.memory_space<vmem_shared>>) target_semaphore(%run_scoped3A : memref<!tpu.dma_semaphore, #tpu.memory_space<semaphore_mem>>)
        %dma_wait3A = arith.constant 0 : i32
        %dma_wait3A_50 = tpu.memref_slice %arg11[%add3A_46, %dma_wait3A] : memref<10240x16xf32, #tpu.memory_space<vmem_shared>> -> memref<128x16xf32, #tpu.memory_space<vmem_shared>>
        %dma_wait3A_51 = arith.constant 0 : i32
        %dma_wait3A_52 = tpu.memref_slice %arg11[%add3A_46, %dma_wait3A_51] : memref<10240x16xf32, #tpu.memory_space<vmem_shared>> -> memref<128x16xf32, #tpu.memory_space<vmem_shared>>
        tpu.wait_dma2 semaphore(%run_scoped3A : memref<!tpu.dma_semaphore, #tpu.memory_space<semaphore_mem>>) src(%arg8 : memref<128x16xf32, #tpu.memory_space<vmem>>) dst(%dma_wait3A_52 : memref<128x16xf32, #tpu.memory_space<vmem_shared>>)
        tpu.yield
      }) : () -> ()
    }
    %scan3A_17 = arith.constant 5 : i32
    %barrier3A = arith.constant 0 : index
    tpu.barrier barrier_id(%barrier3A)
    %sub3A = arith.constant 0 : i32
    %sub3A_18 = arith.subi %select_n3A, %sub3A : i32
    %sub3A_19 = arith.constant 8 : i32
    %sub3A_20 = arith.constant 1 : i32
    %sub3A_21 = arith.subi %sub3A_19, %sub3A_20 : i32
    %add3A_22 = arith.addi %sub3A_18, %sub3A_21 : i32
    %div3A = arith.constant 8 : i32
    %div3A_23 = arith.divsi %add3A_22, %div3A : i32
    %while3A = arith.constant 8 : i32
    %while3A_24 = arith.constant 0 : i32
    %while3A_25 = arith.constant 0 : i32
    %while3A_26 = arith.subi %div3A_23, %while3A_25 : i32
    %while3A_27 = arith.addi %while3A_25, %while3A_26 : i32
    %while3A_28 = arith.constant 1 : i32
    %while3A_29 = arith.divsi %while3A_26, %while3A_28 : i32
    %while3A_30 = arith.muli %while3A_29, %while3A_28 : i32
    %while3A_31 = arith.addi %while3A_25, %while3A_30 : i32
    %while3A_32 = arith.constant 1 : i32
    scf.for %while3A_39 = %while3A_25 to %while3A_31 step %while3A_32  : i32 {
      %mul3A_40 = arith.muli %while3A_39, %while3A : i32
      %add3A_41 = arith.addi %while3A_24, %mul3A_40 : i32
      %add3A_42 = arith.addi %select_n3A_8, %add3A_41 : i32
      "tpu.region"() ({
        %run_scoped3A_160 = tpu.sem_alloc : memref<!tpu.dma_semaphore, #tpu.memory_space<semaphore_mem>>
        %dma_start3A_161 = arith.constant 0 : i32
        %dma_start3A_162 = tpu.memref_slice %arg3[%add3A_42, %dma_start3A_161] : memref<2560x128xi32, #tpu.memory_space<hbm>> -> memref<8x128xi32, #tpu.memory_space<hbm>>
        %dma_start3A_163 = arith.constant 0 : i32
        %dma_start3A_164 = tpu.memref_slice %arg3[%add3A_42, %dma_start3A_163] : memref<2560x128xi32, #tpu.memory_space<hbm>> -> memref<8x128xi32, #tpu.memory_space<hbm>>
        tpu.enqueue_dma source(%dma_start3A_164 : memref<8x128xi32, #tpu.memory_space<hbm>>) target(%arg6 : memref<8x128xi32, #tpu.memory_space<vmem>>) target_semaphore(%run_scoped3A_160 : memref<!tpu.dma_semaphore, #tpu.memory_space<semaphore_mem>>)
        %dma_wait3A_165 = arith.constant 0 : i32
        %dma_wait3A_166 = tpu.memref_slice %arg3[%add3A_42, %dma_wait3A_165] : memref<2560x128xi32, #tpu.memory_space<hbm>> -> memref<8x128xi32, #tpu.memory_space<hbm>>
        %dma_wait3A_167 = arith.constant 0 : i32
        %dma_wait3A_168 = tpu.memref_slice %arg3[%add3A_42, %dma_wait3A_167] : memref<2560x128xi32, #tpu.memory_space<hbm>> -> memref<8x128xi32, #tpu.memory_space<hbm>>
        tpu.wait_dma2 semaphore(%run_scoped3A_160 : memref<!tpu.dma_semaphore, #tpu.memory_space<semaphore_mem>>) src(%dma_wait3A_168 : memref<8x128xi32, #tpu.memory_space<hbm>>) dst(%arg6 : memref<8x128xi32, #tpu.memory_space<vmem>>)
        tpu.yield
      }) : () -> ()
      "tpu.region"() ({
        %run_scoped3A_160 = tpu.sem_alloc : memref<!tpu.dma_semaphore, #tpu.memory_space<semaphore_mem>>
        %dma_start3A_161 = arith.constant 0 : i32
        %dma_start3A_162 = tpu.memref_slice %arg4[%add3A_42, %dma_start3A_161] : memref<2560x128xi32, #tpu.memory_space<hbm>> -> memref<8x128xi32, #tpu.memory_space<hbm>>
        %dma_start3A_163 = arith.constant 0 : i32
        %dma_start3A_164 = tpu.memref_slice %arg4[%add3A_42, %dma_start3A_163] : memref<2560x128xi32, #tpu.memory_space<hbm>> -> memref<8x128xi32, #tpu.memory_space<hbm>>
        tpu.enqueue_dma source(%dma_start3A_164 : memref<8x128xi32, #tpu.memory_space<hbm>>) target(%arg7 : memref<8x128xi32, #tpu.memory_space<vmem>>) target_semaphore(%run_scoped3A_160 : memref<!tpu.dma_semaphore, #tpu.memory_space<semaphore_mem>>)
        %dma_wait3A_165 = arith.constant 0 : i32
        %dma_wait3A_166 = tpu.memref_slice %arg4[%add3A_42, %dma_wait3A_165] : memref<2560x128xi32, #tpu.memory_space<hbm>> -> memref<8x128xi32, #tpu.memory_space<hbm>>
        %dma_wait3A_167 = arith.constant 0 : i32
        %dma_wait3A_168 = tpu.memref_slice %arg4[%add3A_42, %dma_wait3A_167] : memref<2560x128xi32, #tpu.memory_space<hbm>> -> memref<8x128xi32, #tpu.memory_space<hbm>>
        tpu.wait_dma2 semaphore(%run_scoped3A_160 : memref<!tpu.dma_semaphore, #tpu.memory_space<semaphore_mem>>) src(%dma_wait3A_168 : memref<8x128xi32, #tpu.memory_space<hbm>>) dst(%arg7 : memref<8x128xi32, #tpu.memory_space<vmem>>)
        tpu.yield
      }) : () -> ()
      %dma_start3A = arith.constant 0 : i32
      %dma_start3A_43 = arith.constant 0 : i32
      %dma_start3A_44 = tpu.memref_slice %arg6[%dma_start3A, %dma_start3A_43] : memref<8x128xi32, #tpu.memory_space<vmem>> -> memref<1x128xi32, #tpu.memory_space<vmem>>
      %dma_start3A_45 = tpu.memref_squeeze %dma_start3A_44 : memref<1x128xi32, #tpu.memory_space<vmem>> -> memref<128xi32, #tpu.memory_space<vmem>>
      %dma_start3A_46 = arith.constant 0 : i32
      %dma_start3A_47 = arith.constant 0 : i32
      %dma_start3A_48 = tpu.memref_slice %arg2[%dma_start3A_46, %dma_start3A_47] : memref<10000x16xf32, #tpu.memory_space<hbm>> -> memref<10000x16xf32, #tpu.memory_space<hbm>>
      tpu.enqueue_indirect_dma source(%dma_start3A_48 : memref<10000x16xf32, #tpu.memory_space<hbm>>) target(%arg8 : memref<128x16xf32, #tpu.memory_space<vmem>>) offsets(%dma_start3A_45 : memref<128xi32, #tpu.memory_space<vmem>>) semaphore(%arg12 : memref<!tpu.dma_semaphore, #tpu.memory_space<semaphore_mem>>)
      %dma_wait3A = arith.constant 0 : i32
      %dma_wait3A_49 = arith.constant 0 : i32
      %dma_wait3A_50 = tpu.memref_slice %arg6[%dma_wait3A, %dma_wait3A_49] : memref<8x128xi32, #tpu.memory_space<vmem>> -> memref<1x128xi32, #tpu.memory_space<vmem>>
      %dma_wait3A_51 = tpu.memref_squeeze %dma_wait3A_50 : memref<1x128xi32, #tpu.memory_space<vmem>> -> memref<128xi32, #tpu.memory_space<vmem>>
      %dma_wait3A_52 = arith.constant 0 : i32
      %dma_wait3A_53 = arith.constant 0 : i32
      %dma_wait3A_54 = tpu.memref_slice %arg2[%dma_wait3A_52, %dma_wait3A_53] : memref<10000x16xf32, #tpu.memory_space<hbm>> -> memref<10000x16xf32, #tpu.memory_space<hbm>>
      tpu.wait_indirect_dma semaphore(%arg12 : memref<!tpu.dma_semaphore, #tpu.memory_space<semaphore_mem>>) src(%dma_wait3A_54 : memref<10000x16xf32, #tpu.memory_space<hbm>>) dst(%arg8 : memref<128x16xf32, #tpu.memory_space<vmem>>)
      %dma_start3A_55 = arith.constant 1 : i32
      %dma_start3A_56 = arith.constant 0 : i32
      %dma_start3A_57 = tpu.memref_slice %arg6[%dma_start3A_55, %dma_start3A_56] : memref<8x128xi32, #tpu.memory_space<vmem>> -> memref<1x128xi32, #tpu.memory_space<vmem>>
      %dma_start3A_58 = tpu.memref_squeeze %dma_start3A_57 : memref<1x128xi32, #tpu.memory_space<vmem>> -> memref<128xi32, #tpu.memory_space<vmem>>
      %dma_start3A_59 = arith.constant 0 : i32
      %dma_start3A_60 = arith.constant 0 : i32
      %dma_start3A_61 = tpu.memref_slice %arg2[%dma_start3A_59, %dma_start3A_60] : memref<10000x16xf32, #tpu.memory_space<hbm>> -> memref<10000x16xf32, #tpu.memory_space<hbm>>
      tpu.enqueue_indirect_dma source(%dma_start3A_61 : memref<10000x16xf32, #tpu.memory_space<hbm>>) target(%arg9 : memref<128x16xf32, #tpu.memory_space<vmem>>) offsets(%dma_start3A_58 : memref<128xi32, #tpu.memory_space<vmem>>) semaphore(%arg13 : memref<!tpu.dma_semaphore, #tpu.memory_space<semaphore_mem>>)
      %run_scoped3A = arith.constant 0 : i32
      "tpu.region"() ({
        %run_scoped3A_160 = tpu.sem_alloc : memref<!tpu.dma_semaphore, #tpu.memory_space<semaphore_mem>>
        %dma_start3A_161 = arith.constant 0 : i32
        %dma_start3A_162 = tpu.memref_slice %arg7[%run_scoped3A, %dma_start3A_161] : memref<8x128xi32, #tpu.memory_space<vmem>> -> memref<1x128xi32, #tpu.memory_space<vmem>>
        %dma_start3A_163 = tpu.memref_squeeze %dma_start3A_162 : memref<1x128xi32, #tpu.memory_space<vmem>> -> memref<128xi32, #tpu.memory_space<vmem>>
        %dma_start3A_164 = arith.constant 0 : i32
        %dma_start3A_165 = arith.constant 0 : i32
        %dma_start3A_166 = tpu.memref_slice %arg11[%dma_start3A_164, %dma_start3A_165] : memref<10240x16xf32, #tpu.memory_space<vmem_shared>> -> memref<10240x16xf32, #tpu.memory_space<vmem_shared>>
        tpu.enqueue_indirect_dma source(%arg8 : memref<128x16xf32, #tpu.memory_space<vmem>>) target(%dma_start3A_166 : memref<10240x16xf32, #tpu.memory_space<vmem_shared>>) offsets(%dma_start3A_163 : memref<128xi32, #tpu.memory_space<vmem>>) semaphore(%run_scoped3A_160 : memref<!tpu.dma_semaphore, #tpu.memory_space<semaphore_mem>>) {add = true}
        %dma_wait3A_167 = arith.constant 0 : i32
        %dma_wait3A_168 = tpu.memref_slice %arg7[%run_scoped3A, %dma_wait3A_167] : memref<8x128xi32, #tpu.memory_space<vmem>> -> memref<1x128xi32, #tpu.memory_space<vmem>>
        %dma_wait3A_169 = tpu.memref_squeeze %dma_wait3A_168 : memref<1x128xi32, #tpu.memory_space<vmem>> -> memref<128xi32, #tpu.memory_space<vmem>>
        %dma_wait3A_170 = arith.constant 0 : i32
        %dma_wait3A_171 = arith.constant 0 : i32
        %dma_wait3A_172 = tpu.memref_slice %arg11[%dma_wait3A_170, %dma_wait3A_171] : memref<10240x16xf32, #tpu.memory_space<vmem_shared>> -> memref<10240x16xf32, #tpu.memory_space<vmem_shared>>
        tpu.wait_indirect_dma semaphore(%run_scoped3A_160 : memref<!tpu.dma_semaphore, #tpu.memory_space<semaphore_mem>>) src(%arg8 : memref<128x16xf32, #tpu.memory_space<vmem>>) dst(%dma_wait3A_172 : memref<10240x16xf32, #tpu.memory_space<vmem_shared>>)
        tpu.yield
      }) : () -> ()
      %dma_wait3A_62 = arith.constant 1 : i32
      %dma_wait3A_63 = arith.constant 0 : i32
      %dma_wait3A_64 = tpu.memref_slice %arg6[%dma_wait3A_62, %dma_wait3A_63] : memref<8x128xi32, #tpu.memory_space<vmem>> -> memref<1x128xi32, #tpu.memory_space<vmem>>
      %dma_wait3A_65 = tpu.memref_squeeze %dma_wait3A_64 : memref<1x128xi32, #tpu.memory_space<vmem>> -> memref<128xi32, #tpu.memory_space<vmem>>
      %dma_wait3A_66 = arith.constant 0 : i32
      %dma_wait3A_67 = arith.constant 0 : i32
      %dma_wait3A_68 = tpu.memref_slice %arg2[%dma_wait3A_66, %dma_wait3A_67] : memref<10000x16xf32, #tpu.memory_space<hbm>> -> memref<10000x16xf32, #tpu.memory_space<hbm>>
      tpu.wait_indirect_dma semaphore(%arg13 : memref<!tpu.dma_semaphore, #tpu.memory_space<semaphore_mem>>) src(%dma_wait3A_68 : memref<10000x16xf32, #tpu.memory_space<hbm>>) dst(%arg9 : memref<128x16xf32, #tpu.memory_space<vmem>>)
      %dma_start3A_69 = arith.constant 2 : i32
      %dma_start3A_70 = arith.constant 0 : i32
      %dma_start3A_71 = tpu.memref_slice %arg6[%dma_start3A_69, %dma_start3A_70] : memref<8x128xi32, #tpu.memory_space<vmem>> -> memref<1x128xi32, #tpu.memory_space<vmem>>
      %dma_start3A_72 = tpu.memref_squeeze %dma_start3A_71 : memref<1x128xi32, #tpu.memory_space<vmem>> -> memref<128xi32, #tpu.memory_space<vmem>>
      %dma_start3A_73 = arith.constant 0 : i32
      %dma_start3A_74 = arith.constant 0 : i32
      %dma_start3A_75 = tpu.memref_slice %arg2[%dma_start3A_73, %dma_start3A_74] : memref<10000x16xf32, #tpu.memory_space<hbm>> -> memref<10000x16xf32, #tpu.memory_space<hbm>>
      tpu.enqueue_indirect_dma source(%dma_start3A_75 : memref<10000x16xf32, #tpu.memory_space<hbm>>) target(%arg8 : memref<128x16xf32, #tpu.memory_space<vmem>>) offsets(%dma_start3A_72 : memref<128xi32, #tpu.memory_space<vmem>>) semaphore(%arg12 : memref<!tpu.dma_semaphore, #tpu.memory_space<semaphore_mem>>)
      %run_scoped3A_76 = arith.constant 1 : i32
      "tpu.region"() ({
        %run_scoped3A_160 = tpu.sem_alloc : memref<!tpu.dma_semaphore, #tpu.memory_space<semaphore_mem>>
        %dma_start3A_161 = arith.constant 0 : i32
        %dma_start3A_162 = tpu.memref_slice %arg7[%run_scoped3A_76, %dma_start3A_161] : memref<8x128xi32, #tpu.memory_space<vmem>> -> memref<1x128xi32, #tpu.memory_space<vmem>>
        %dma_start3A_163 = tpu.memref_squeeze %dma_start3A_162 : memref<1x128xi32, #tpu.memory_space<vmem>> -> memref<128xi32, #tpu.memory_space<vmem>>
        %dma_start3A_164 = arith.constant 0 : i32
        %dma_start3A_165 = arith.constant 0 : i32
        %dma_start3A_166 = tpu.memref_slice %arg11[%dma_start3A_164, %dma_start3A_165] : memref<10240x16xf32, #tpu.memory_space<vmem_shared>> -> memref<10240x16xf32, #tpu.memory_space<vmem_shared>>
        tpu.enqueue_indirect_dma source(%arg9 : memref<128x16xf32, #tpu.memory_space<vmem>>) target(%dma_start3A_166 : memref<10240x16xf32, #tpu.memory_space<vmem_shared>>) offsets(%dma_start3A_163 : memref<128xi32, #tpu.memory_space<vmem>>) semaphore(%run_scoped3A_160 : memref<!tpu.dma_semaphore, #tpu.memory_space<semaphore_mem>>) {add = true}
        %dma_wait3A_167 = arith.constant 0 : i32
        %dma_wait3A_168 = tpu.memref_slice %arg7[%run_scoped3A_76, %dma_wait3A_167] : memref<8x128xi32, #tpu.memory_space<vmem>> -> memref<1x128xi32, #tpu.memory_space<vmem>>
        %dma_wait3A_169 = tpu.memref_squeeze %dma_wait3A_168 : memref<1x128xi32, #tpu.memory_space<vmem>> -> memref<128xi32, #tpu.memory_space<vmem>>
        %dma_wait3A_170 = arith.constant 0 : i32
        %dma_wait3A_171 = arith.constant 0 : i32
        %dma_wait3A_172 = tpu.memref_slice %arg11[%dma_wait3A_170, %dma_wait3A_171] : memref<10240x16xf32, #tpu.memory_space<vmem_shared>> -> memref<10240x16xf32, #tpu.memory_space<vmem_shared>>
        tpu.wait_indirect_dma semaphore(%run_scoped3A_160 : memref<!tpu.dma_semaphore, #tpu.memory_space<semaphore_mem>>) src(%arg9 : memref<128x16xf32, #tpu.memory_space<vmem>>) dst(%dma_wait3A_172 : memref<10240x16xf32, #tpu.memory_space<vmem_shared>>)
        tpu.yield
      }) : () -> ()
      %dma_wait3A_77 = arith.constant 2 : i32
      %dma_wait3A_78 = arith.constant 0 : i32
      %dma_wait3A_79 = tpu.memref_slice %arg6[%dma_wait3A_77, %dma_wait3A_78] : memref<8x128xi32, #tpu.memory_space<vmem>> -> memref<1x128xi32, #tpu.memory_space<vmem>>
      %dma_wait3A_80 = tpu.memref_squeeze %dma_wait3A_79 : memref<1x128xi32, #tpu.memory_space<vmem>> -> memref<128xi32, #tpu.memory_space<vmem>>
      %dma_wait3A_81 = arith.constant 0 : i32
      %dma_wait3A_82 = arith.constant 0 : i32
      %dma_wait3A_83 = tpu.memref_slice %arg2[%dma_wait3A_81, %dma_wait3A_82] : memref<10000x16xf32, #tpu.memory_space<hbm>> -> memref<10000x16xf32, #tpu.memory_space<hbm>>
      tpu.wait_indirect_dma semaphore(%arg12 : memref<!tpu.dma_semaphore, #tpu.memory_space<semaphore_mem>>) src(%dma_wait3A_83 : memref<10000x16xf32, #tpu.memory_space<hbm>>) dst(%arg8 : memref<128x16xf32, #tpu.memory_space<vmem>>)
      %dma_start3A_84 = arith.constant 3 : i32
      %dma_start3A_85 = arith.constant 0 : i32
      %dma_start3A_86 = tpu.memref_slice %arg6[%dma_start3A_84, %dma_start3A_85] : memref<8x128xi32, #tpu.memory_space<vmem>> -> memref<1x128xi32, #tpu.memory_space<vmem>>
      %dma_start3A_87 = tpu.memref_squeeze %dma_start3A_86 : memref<1x128xi32, #tpu.memory_space<vmem>> -> memref<128xi32, #tpu.memory_space<vmem>>
      %dma_start3A_88 = arith.constant 0 : i32
      %dma_start3A_89 = arith.constant 0 : i32
      %dma_start3A_90 = tpu.memref_slice %arg2[%dma_start3A_88, %dma_start3A_89] : memref<10000x16xf32, #tpu.memory_space<hbm>> -> memref<10000x16xf32, #tpu.memory_space<hbm>>
      tpu.enqueue_indirect_dma source(%dma_start3A_90 : memref<10000x16xf32, #tpu.memory_space<hbm>>) target(%arg9 : memref<128x16xf32, #tpu.memory_space<vmem>>) offsets(%dma_start3A_87 : memref<128xi32, #tpu.memory_space<vmem>>) semaphore(%arg13 : memref<!tpu.dma_semaphore, #tpu.memory_space<semaphore_mem>>)
      %run_scoped3A_91 = arith.constant 2 : i32
      "tpu.region"() ({
        %run_scoped3A_160 = tpu.sem_alloc : memref<!tpu.dma_semaphore, #tpu.memory_space<semaphore_mem>>
        %dma_start3A_161 = arith.constant 0 : i32
        %dma_start3A_162 = tpu.memref_slice %arg7[%run_scoped3A_91, %dma_start3A_161] : memref<8x128xi32, #tpu.memory_space<vmem>> -> memref<1x128xi32, #tpu.memory_space<vmem>>
        %dma_start3A_163 = tpu.memref_squeeze %dma_start3A_162 : memref<1x128xi32, #tpu.memory_space<vmem>> -> memref<128xi32, #tpu.memory_space<vmem>>
        %dma_start3A_164 = arith.constant 0 : i32
        %dma_start3A_165 = arith.constant 0 : i32
        %dma_start3A_166 = tpu.memref_slice %arg11[%dma_start3A_164, %dma_start3A_165] : memref<10240x16xf32, #tpu.memory_space<vmem_shared>> -> memref<10240x16xf32, #tpu.memory_space<vmem_shared>>
        tpu.enqueue_indirect_dma source(%arg8 : memref<128x16xf32, #tpu.memory_space<vmem>>) target(%dma_start3A_166 : memref<10240x16xf32, #tpu.memory_space<vmem_shared>>) offsets(%dma_start3A_163 : memref<128xi32, #tpu.memory_space<vmem>>) semaphore(%run_scoped3A_160 : memref<!tpu.dma_semaphore, #tpu.memory_space<semaphore_mem>>) {add = true}
        %dma_wait3A_167 = arith.constant 0 : i32
        %dma_wait3A_168 = tpu.memref_slice %arg7[%run_scoped3A_91, %dma_wait3A_167] : memref<8x128xi32, #tpu.memory_space<vmem>> -> memref<1x128xi32, #tpu.memory_space<vmem>>
        %dma_wait3A_169 = tpu.memref_squeeze %dma_wait3A_168 : memref<1x128xi32, #tpu.memory_space<vmem>> -> memref<128xi32, #tpu.memory_space<vmem>>
        %dma_wait3A_170 = arith.constant 0 : i32
        %dma_wait3A_171 = arith.constant 0 : i32
        %dma_wait3A_172 = tpu.memref_slice %arg11[%dma_wait3A_170, %dma_wait3A_171] : memref<10240x16xf32, #tpu.memory_space<vmem_shared>> -> memref<10240x16xf32, #tpu.memory_space<vmem_shared>>
        tpu.wait_indirect_dma semaphore(%run_scoped3A_160 : memref<!tpu.dma_semaphore, #tpu.memory_space<semaphore_mem>>) src(%arg8 : memref<128x16xf32, #tpu.memory_space<vmem>>) dst(%dma_wait3A_172 : memref<10240x16xf32, #tpu.memory_space<vmem_shared>>)
        tpu.yield
      }) : () -> ()
      %dma_wait3A_92 = arith.constant 3 : i32
      %dma_wait3A_93 = arith.constant 0 : i32
      %dma_wait3A_94 = tpu.memref_slice %arg6[%dma_wait3A_92, %dma_wait3A_93] : memref<8x128xi32, #tpu.memory_space<vmem>> -> memref<1x128xi32, #tpu.memory_space<vmem>>
      %dma_wait3A_95 = tpu.memref_squeeze %dma_wait3A_94 : memref<1x128xi32, #tpu.memory_space<vmem>> -> memref<128xi32, #tpu.memory_space<vmem>>
      %dma_wait3A_96 = arith.constant 0 : i32
      %dma_wait3A_97 = arith.constant 0 : i32
      %dma_wait3A_98 = tpu.memref_slice %arg2[%dma_wait3A_96, %dma_wait3A_97] : memref<10000x16xf32, #tpu.memory_space<hbm>> -> memref<10000x16xf32, #tpu.memory_space<hbm>>
      tpu.wait_indirect_dma semaphore(%arg13 : memref<!tpu.dma_semaphore, #tpu.memory_space<semaphore_mem>>) src(%dma_wait3A_98 : memref<10000x16xf32, #tpu.memory_space<hbm>>) dst(%arg9 : memref<128x16xf32, #tpu.memory_space<vmem>>)
      %dma_start3A_99 = arith.constant 4 : i32
      %dma_start3A_100 = arith.constant 0 : i32
      %dma_start3A_101 = tpu.memref_slice %arg6[%dma_start3A_99, %dma_start3A_100] : memref<8x128xi32, #tpu.memory_space<vmem>> -> memref<1x128xi32, #tpu.memory_space<vmem>>
      %dma_start3A_102 = tpu.memref_squeeze %dma_start3A_101 : memref<1x128xi32, #tpu.memory_space<vmem>> -> memref<128xi32, #tpu.memory_space<vmem>>
      %dma_start3A_103 = arith.constant 0 : i32
      %dma_start3A_104 = arith.constant 0 : i32
      %dma_start3A_105 = tpu.memref_slice %arg2[%dma_start3A_103, %dma_start3A_104] : memref<10000x16xf32, #tpu.memory_space<hbm>> -> memref<10000x16xf32, #tpu.memory_space<hbm>>
      tpu.enqueue_indirect_dma source(%dma_start3A_105 : memref<10000x16xf32, #tpu.memory_space<hbm>>) target(%arg8 : memref<128x16xf32, #tpu.memory_space<vmem>>) offsets(%dma_start3A_102 : memref<128xi32, #tpu.memory_space<vmem>>) semaphore(%arg12 : memref<!tpu.dma_semaphore, #tpu.memory_space<semaphore_mem>>)
      %run_scoped3A_106 = arith.constant 3 : i32
      "tpu.region"() ({
        %run_scoped3A_160 = tpu.sem_alloc : memref<!tpu.dma_semaphore, #tpu.memory_space<semaphore_mem>>
        %dma_start3A_161 = arith.constant 0 : i32
        %dma_start3A_162 = tpu.memref_slice %arg7[%run_scoped3A_106, %dma_start3A_161] : memref<8x128xi32, #tpu.memory_space<vmem>> -> memref<1x128xi32, #tpu.memory_space<vmem>>
        %dma_start3A_163 = tpu.memref_squeeze %dma_start3A_162 : memref<1x128xi32, #tpu.memory_space<vmem>> -> memref<128xi32, #tpu.memory_space<vmem>>
        %dma_start3A_164 = arith.constant 0 : i32
        %dma_start3A_165 = arith.constant 0 : i32
        %dma_start3A_166 = tpu.memref_slice %arg11[%dma_start3A_164, %dma_start3A_165] : memref<10240x16xf32, #tpu.memory_space<vmem_shared>> -> memref<10240x16xf32, #tpu.memory_space<vmem_shared>>
        tpu.enqueue_indirect_dma source(%arg9 : memref<128x16xf32, #tpu.memory_space<vmem>>) target(%dma_start3A_166 : memref<10240x16xf32, #tpu.memory_space<vmem_shared>>) offsets(%dma_start3A_163 : memref<128xi32, #tpu.memory_space<vmem>>) semaphore(%run_scoped3A_160 : memref<!tpu.dma_semaphore, #tpu.memory_space<semaphore_mem>>) {add = true}
        %dma_wait3A_167 = arith.constant 0 : i32
        %dma_wait3A_168 = tpu.memref_slice %arg7[%run_scoped3A_106, %dma_wait3A_167] : memref<8x128xi32, #tpu.memory_space<vmem>> -> memref<1x128xi32, #tpu.memory_space<vmem>>
        %dma_wait3A_169 = tpu.memref_squeeze %dma_wait3A_168 : memref<1x128xi32, #tpu.memory_space<vmem>> -> memref<128xi32, #tpu.memory_space<vmem>>
        %dma_wait3A_170 = arith.constant 0 : i32
        %dma_wait3A_171 = arith.constant 0 : i32
        %dma_wait3A_172 = tpu.memref_slice %arg11[%dma_wait3A_170, %dma_wait3A_171] : memref<10240x16xf32, #tpu.memory_space<vmem_shared>> -> memref<10240x16xf32, #tpu.memory_space<vmem_shared>>
        tpu.wait_indirect_dma semaphore(%run_scoped3A_160 : memref<!tpu.dma_semaphore, #tpu.memory_space<semaphore_mem>>) src(%arg9 : memref<128x16xf32, #tpu.memory_space<vmem>>) dst(%dma_wait3A_172 : memref<10240x16xf32, #tpu.memory_space<vmem_shared>>)
        tpu.yield
      }) : () -> ()
      %dma_wait3A_107 = arith.constant 4 : i32
      %dma_wait3A_108 = arith.constant 0 : i32
      %dma_wait3A_109 = tpu.memref_slice %arg6[%dma_wait3A_107, %dma_wait3A_108] : memref<8x128xi32, #tpu.memory_space<vmem>> -> memref<1x128xi32, #tpu.memory_space<vmem>>
      %dma_wait3A_110 = tpu.memref_squeeze %dma_wait3A_109 : memref<1x128xi32, #tpu.memory_space<vmem>> -> memref<128xi32, #tpu.memory_space<vmem>>
      %dma_wait3A_111 = arith.constant 0 : i32
      %dma_wait3A_112 = arith.constant 0 : i32
      %dma_wait3A_113 = tpu.memref_slice %arg2[%dma_wait3A_111, %dma_wait3A_112] : memref<10000x16xf32, #tpu.memory_space<hbm>> -> memref<10000x16xf32, #tpu.memory_space<hbm>>
      tpu.wait_indirect_dma semaphore(%arg12 : memref<!tpu.dma_semaphore, #tpu.memory_space<semaphore_mem>>) src(%dma_wait3A_113 : memref<10000x16xf32, #tpu.memory_space<hbm>>) dst(%arg8 : memref<128x16xf32, #tpu.memory_space<vmem>>)
      %dma_start3A_114 = arith.constant 5 : i32
      %dma_start3A_115 = arith.constant 0 : i32
      %dma_start3A_116 = tpu.memref_slice %arg6[%dma_start3A_114, %dma_start3A_115] : memref<8x128xi32, #tpu.memory_space<vmem>> -> memref<1x128xi32, #tpu.memory_space<vmem>>
      %dma_start3A_117 = tpu.memref_squeeze %dma_start3A_116 : memref<1x128xi32, #tpu.memory_space<vmem>> -> memref<128xi32, #tpu.memory_space<vmem>>
      %dma_start3A_118 = arith.constant 0 : i32
      %dma_start3A_119 = arith.constant 0 : i32
      %dma_start3A_120 = tpu.memref_slice %arg2[%dma_start3A_118, %dma_start3A_119] : memref<10000x16xf32, #tpu.memory_space<hbm>> -> memref<10000x16xf32, #tpu.memory_space<hbm>>
      tpu.enqueue_indirect_dma source(%dma_start3A_120 : memref<10000x16xf32, #tpu.memory_space<hbm>>) target(%arg9 : memref<128x16xf32, #tpu.memory_space<vmem>>) offsets(%dma_start3A_117 : memref<128xi32, #tpu.memory_space<vmem>>) semaphore(%arg13 : memref<!tpu.dma_semaphore, #tpu.memory_space<semaphore_mem>>)
      %run_scoped3A_121 = arith.constant 4 : i32
      "tpu.region"() ({
        %run_scoped3A_160 = tpu.sem_alloc : memref<!tpu.dma_semaphore, #tpu.memory_space<semaphore_mem>>
        %dma_start3A_161 = arith.constant 0 : i32
        %dma_start3A_162 = tpu.memref_slice %arg7[%run_scoped3A_121, %dma_start3A_161] : memref<8x128xi32, #tpu.memory_space<vmem>> -> memref<1x128xi32, #tpu.memory_space<vmem>>
        %dma_start3A_163 = tpu.memref_squeeze %dma_start3A_162 : memref<1x128xi32, #tpu.memory_space<vmem>> -> memref<128xi32, #tpu.memory_space<vmem>>
        %dma_start3A_164 = arith.constant 0 : i32
        %dma_start3A_165 = arith.constant 0 : i32
        %dma_start3A_166 = tpu.memref_slice %arg11[%dma_start3A_164, %dma_start3A_165] : memref<10240x16xf32, #tpu.memory_space<vmem_shared>> -> memref<10240x16xf32, #tpu.memory_space<vmem_shared>>
        tpu.enqueue_indirect_dma source(%arg8 : memref<128x16xf32, #tpu.memory_space<vmem>>) target(%dma_start3A_166 : memref<10240x16xf32, #tpu.memory_space<vmem_shared>>) offsets(%dma_start3A_163 : memref<128xi32, #tpu.memory_space<vmem>>) semaphore(%run_scoped3A_160 : memref<!tpu.dma_semaphore, #tpu.memory_space<semaphore_mem>>) {add = true}
        %dma_wait3A_167 = arith.constant 0 : i32
        %dma_wait3A_168 = tpu.memref_slice %arg7[%run_scoped3A_121, %dma_wait3A_167] : memref<8x128xi32, #tpu.memory_space<vmem>> -> memref<1x128xi32, #tpu.memory_space<vmem>>
        %dma_wait3A_169 = tpu.memref_squeeze %dma_wait3A_168 : memref<1x128xi32, #tpu.memory_space<vmem>> -> memref<128xi32, #tpu.memory_space<vmem>>
        %dma_wait3A_170 = arith.constant 0 : i32
        %dma_wait3A_171 = arith.constant 0 : i32
        %dma_wait3A_172 = tpu.memref_slice %arg11[%dma_wait3A_170, %dma_wait3A_171] : memref<10240x16xf32, #tpu.memory_space<vmem_shared>> -> memref<10240x16xf32, #tpu.memory_space<vmem_shared>>
        tpu.wait_indirect_dma semaphore(%run_scoped3A_160 : memref<!tpu.dma_semaphore, #tpu.memory_space<semaphore_mem>>) src(%arg8 : memref<128x16xf32, #tpu.memory_space<vmem>>) dst(%dma_wait3A_172 : memref<10240x16xf32, #tpu.memory_space<vmem_shared>>)
        tpu.yield
      }) : () -> ()
      %dma_wait3A_122 = arith.constant 5 : i32
      %dma_wait3A_123 = arith.constant 0 : i32
      %dma_wait3A_124 = tpu.memref_slice %arg6[%dma_wait3A_122, %dma_wait3A_123] : memref<8x128xi32, #tpu.memory_space<vmem>> -> memref<1x128xi32, #tpu.memory_space<vmem>>
      %dma_wait3A_125 = tpu.memref_squeeze %dma_wait3A_124 : memref<1x128xi32, #tpu.memory_space<vmem>> -> memref<128xi32, #tpu.memory_space<vmem>>
      %dma_wait3A_126 = arith.constant 0 : i32
      %dma_wait3A_127 = arith.constant 0 : i32
      %dma_wait3A_128 = tpu.memref_slice %arg2[%dma_wait3A_126, %dma_wait3A_127] : memref<10000x16xf32, #tpu.memory_space<hbm>> -> memref<10000x16xf32, #tpu.memory_space<hbm>>
      tpu.wait_indirect_dma semaphore(%arg13 : memref<!tpu.dma_semaphore, #tpu.memory_space<semaphore_mem>>) src(%dma_wait3A_128 : memref<10000x16xf32, #tpu.memory_space<hbm>>) dst(%arg9 : memref<128x16xf32, #tpu.memory_space<vmem>>)
      %dma_start3A_129 = arith.constant 6 : i32
      %dma_start3A_130 = arith.constant 0 : i32
      %dma_start3A_131 = tpu.memref_slice %arg6[%dma_start3A_129, %dma_start3A_130] : memref<8x128xi32, #tpu.memory_space<vmem>> -> memref<1x128xi32, #tpu.memory_space<vmem>>
      %dma_start3A_132 = tpu.memref_squeeze %dma_start3A_131 : memref<1x128xi32, #tpu.memory_space<vmem>> -> memref<128xi32, #tpu.memory_space<vmem>>
      %dma_start3A_133 = arith.constant 0 : i32
      %dma_start3A_134 = arith.constant 0 : i32
      %dma_start3A_135 = tpu.memref_slice %arg2[%dma_start3A_133, %dma_start3A_134] : memref<10000x16xf32, #tpu.memory_space<hbm>> -> memref<10000x16xf32, #tpu.memory_space<hbm>>
      tpu.enqueue_indirect_dma source(%dma_start3A_135 : memref<10000x16xf32, #tpu.memory_space<hbm>>) target(%arg8 : memref<128x16xf32, #tpu.memory_space<vmem>>) offsets(%dma_start3A_132 : memref<128xi32, #tpu.memory_space<vmem>>) semaphore(%arg12 : memref<!tpu.dma_semaphore, #tpu.memory_space<semaphore_mem>>)
      %run_scoped3A_136 = arith.constant 5 : i32
      "tpu.region"() ({
        %run_scoped3A_160 = tpu.sem_alloc : memref<!tpu.dma_semaphore, #tpu.memory_space<semaphore_mem>>
        %dma_start3A_161 = arith.constant 0 : i32
        %dma_start3A_162 = tpu.memref_slice %arg7[%run_scoped3A_136, %dma_start3A_161] : memref<8x128xi32, #tpu.memory_space<vmem>> -> memref<1x128xi32, #tpu.memory_space<vmem>>
        %dma_start3A_163 = tpu.memref_squeeze %dma_start3A_162 : memref<1x128xi32, #tpu.memory_space<vmem>> -> memref<128xi32, #tpu.memory_space<vmem>>
        %dma_start3A_164 = arith.constant 0 : i32
        %dma_start3A_165 = arith.constant 0 : i32
        %dma_start3A_166 = tpu.memref_slice %arg11[%dma_start3A_164, %dma_start3A_165] : memref<10240x16xf32, #tpu.memory_space<vmem_shared>> -> memref<10240x16xf32, #tpu.memory_space<vmem_shared>>
        tpu.enqueue_indirect_dma source(%arg9 : memref<128x16xf32, #tpu.memory_space<vmem>>) target(%dma_start3A_166 : memref<10240x16xf32, #tpu.memory_space<vmem_shared>>) offsets(%dma_start3A_163 : memref<128xi32, #tpu.memory_space<vmem>>) semaphore(%run_scoped3A_160 : memref<!tpu.dma_semaphore, #tpu.memory_space<semaphore_mem>>) {add = true}
        %dma_wait3A_167 = arith.constant 0 : i32
        %dma_wait3A_168 = tpu.memref_slice %arg7[%run_scoped3A_136, %dma_wait3A_167] : memref<8x128xi32, #tpu.memory_space<vmem>> -> memref<1x128xi32, #tpu.memory_space<vmem>>
        %dma_wait3A_169 = tpu.memref_squeeze %dma_wait3A_168 : memref<1x128xi32, #tpu.memory_space<vmem>> -> memref<128xi32, #tpu.memory_space<vmem>>
        %dma_wait3A_170 = arith.constant 0 : i32
        %dma_wait3A_171 = arith.constant 0 : i32
        %dma_wait3A_172 = tpu.memref_slice %arg11[%dma_wait3A_170, %dma_wait3A_171] : memref<10240x16xf32, #tpu.memory_space<vmem_shared>> -> memref<10240x16xf32, #tpu.memory_space<vmem_shared>>
        tpu.wait_indirect_dma semaphore(%run_scoped3A_160 : memref<!tpu.dma_semaphore, #tpu.memory_space<semaphore_mem>>) src(%arg9 : memref<128x16xf32, #tpu.memory_space<vmem>>) dst(%dma_wait3A_172 : memref<10240x16xf32, #tpu.memory_space<vmem_shared>>)
        tpu.yield
      }) : () -> ()
      %dma_wait3A_137 = arith.constant 6 : i32
      %dma_wait3A_138 = arith.constant 0 : i32
      %dma_wait3A_139 = tpu.memref_slice %arg6[%dma_wait3A_137, %dma_wait3A_138] : memref<8x128xi32, #tpu.memory_space<vmem>> -> memref<1x128xi32, #tpu.memory_space<vmem>>
      %dma_wait3A_140 = tpu.memref_squeeze %dma_wait3A_139 : memref<1x128xi32, #tpu.memory_space<vmem>> -> memref<128xi32, #tpu.memory_space<vmem>>
      %dma_wait3A_141 = arith.constant 0 : i32
      %dma_wait3A_142 = arith.constant 0 : i32
      %dma_wait3A_143 = tpu.memref_slice %arg2[%dma_wait3A_141, %dma_wait3A_142] : memref<10000x16xf32, #tpu.memory_space<hbm>> -> memref<10000x16xf32, #tpu.memory_space<hbm>>
      tpu.wait_indirect_dma semaphore(%arg12 : memref<!tpu.dma_semaphore, #tpu.memory_space<semaphore_mem>>) src(%dma_wait3A_143 : memref<10000x16xf32, #tpu.memory_space<hbm>>) dst(%arg8 : memref<128x16xf32, #tpu.memory_space<vmem>>)
      %dma_start3A_144 = arith.constant 7 : i32
      %dma_start3A_145 = arith.constant 0 : i32
      %dma_start3A_146 = tpu.memref_slice %arg6[%dma_start3A_144, %dma_start3A_145] : memref<8x128xi32, #tpu.memory_space<vmem>> -> memref<1x128xi32, #tpu.memory_space<vmem>>
      %dma_start3A_147 = tpu.memref_squeeze %dma_start3A_146 : memref<1x128xi32, #tpu.memory_space<vmem>> -> memref<128xi32, #tpu.memory_space<vmem>>
      %dma_start3A_148 = arith.constant 0 : i32
      %dma_start3A_149 = arith.constant 0 : i32
      %dma_start3A_150 = tpu.memref_slice %arg2[%dma_start3A_148, %dma_start3A_149] : memref<10000x16xf32, #tpu.memory_space<hbm>> -> memref<10000x16xf32, #tpu.memory_space<hbm>>
      tpu.enqueue_indirect_dma source(%dma_start3A_150 : memref<10000x16xf32, #tpu.memory_space<hbm>>) target(%arg9 : memref<128x16xf32, #tpu.memory_space<vmem>>) offsets(%dma_start3A_147 : memref<128xi32, #tpu.memory_space<vmem>>) semaphore(%arg13 : memref<!tpu.dma_semaphore, #tpu.memory_space<semaphore_mem>>)
      %run_scoped3A_151 = arith.constant 6 : i32
      "tpu.region"() ({
        %run_scoped3A_160 = tpu.sem_alloc : memref<!tpu.dma_semaphore, #tpu.memory_space<semaphore_mem>>
        %dma_start3A_161 = arith.constant 0 : i32
        %dma_start3A_162 = tpu.memref_slice %arg7[%run_scoped3A_151, %dma_start3A_161] : memref<8x128xi32, #tpu.memory_space<vmem>> -> memref<1x128xi32, #tpu.memory_space<vmem>>
        %dma_start3A_163 = tpu.memref_squeeze %dma_start3A_162 : memref<1x128xi32, #tpu.memory_space<vmem>> -> memref<128xi32, #tpu.memory_space<vmem>>
        %dma_start3A_164 = arith.constant 0 : i32
        %dma_start3A_165 = arith.constant 0 : i32
        %dma_start3A_166 = tpu.memref_slice %arg11[%dma_start3A_164, %dma_start3A_165] : memref<10240x16xf32, #tpu.memory_space<vmem_shared>> -> memref<10240x16xf32, #tpu.memory_space<vmem_shared>>
        tpu.enqueue_indirect_dma source(%arg8 : memref<128x16xf32, #tpu.memory_space<vmem>>) target(%dma_start3A_166 : memref<10240x16xf32, #tpu.memory_space<vmem_shared>>) offsets(%dma_start3A_163 : memref<128xi32, #tpu.memory_space<vmem>>) semaphore(%run_scoped3A_160 : memref<!tpu.dma_semaphore, #tpu.memory_space<semaphore_mem>>) {add = true}
        %dma_wait3A_167 = arith.constant 0 : i32
        %dma_wait3A_168 = tpu.memref_slice %arg7[%run_scoped3A_151, %dma_wait3A_167] : memref<8x128xi32, #tpu.memory_space<vmem>> -> memref<1x128xi32, #tpu.memory_space<vmem>>
        %dma_wait3A_169 = tpu.memref_squeeze %dma_wait3A_168 : memref<1x128xi32, #tpu.memory_space<vmem>> -> memref<128xi32, #tpu.memory_space<vmem>>
        %dma_wait3A_170 = arith.constant 0 : i32
        %dma_wait3A_171 = arith.constant 0 : i32
        %dma_wait3A_172 = tpu.memref_slice %arg11[%dma_wait3A_170, %dma_wait3A_171] : memref<10240x16xf32, #tpu.memory_space<vmem_shared>> -> memref<10240x16xf32, #tpu.memory_space<vmem_shared>>
        tpu.wait_indirect_dma semaphore(%run_scoped3A_160 : memref<!tpu.dma_semaphore, #tpu.memory_space<semaphore_mem>>) src(%arg8 : memref<128x16xf32, #tpu.memory_space<vmem>>) dst(%dma_wait3A_172 : memref<10240x16xf32, #tpu.memory_space<vmem_shared>>)
        tpu.yield
      }) : () -> ()
      %dma_wait3A_152 = arith.constant 7 : i32
      %dma_wait3A_153 = arith.constant 0 : i32
      %dma_wait3A_154 = tpu.memref_slice %arg6[%dma_wait3A_152, %dma_wait3A_153] : memref<8x128xi32, #tpu.memory_space<vmem>> -> memref<1x128xi32, #tpu.memory_space<vmem>>
      %dma_wait3A_155 = tpu.memref_squeeze %dma_wait3A_154 : memref<1x128xi32, #tpu.memory_space<vmem>> -> memref<128xi32, #tpu.memory_space<vmem>>
      %dma_wait3A_156 = arith.constant 0 : i32
      %dma_wait3A_157 = arith.constant 0 : i32
      %dma_wait3A_158 = tpu.memref_slice %arg2[%dma_wait3A_156, %dma_wait3A_157] : memref<10000x16xf32, #tpu.memory_space<hbm>> -> memref<10000x16xf32, #tpu.memory_space<hbm>>
      tpu.wait_indirect_dma semaphore(%arg13 : memref<!tpu.dma_semaphore, #tpu.memory_space<semaphore_mem>>) src(%dma_wait3A_158 : memref<10000x16xf32, #tpu.memory_space<hbm>>) dst(%arg9 : memref<128x16xf32, #tpu.memory_space<vmem>>)
      %run_scoped3A_159 = arith.constant 7 : i32
      "tpu.region"() ({
        %run_scoped3A_160 = tpu.sem_alloc : memref<!tpu.dma_semaphore, #tpu.memory_space<semaphore_mem>>
        %dma_start3A_161 = arith.constant 0 : i32
        %dma_start3A_162 = tpu.memref_slice %arg7[%run_scoped3A_159, %dma_start3A_161] : memref<8x128xi32, #tpu.memory_space<vmem>> -> memref<1x128xi32, #tpu.memory_space<vmem>>
        %dma_start3A_163 = tpu.memref_squeeze %dma_start3A_162 : memref<1x128xi32, #tpu.memory_space<vmem>> -> memref<128xi32, #tpu.memory_space<vmem>>
        %dma_start3A_164 = arith.constant 0 : i32
        %dma_start3A_165 = arith.constant 0 : i32
        %dma_start3A_166 = tpu.memref_slice %arg11[%dma_start3A_164, %dma_start3A_165] : memref<10240x16xf32, #tpu.memory_space<vmem_shared>> -> memref<10240x16xf32, #tpu.memory_space<vmem_shared>>
        tpu.enqueue_indirect_dma source(%arg9 : memref<128x16xf32, #tpu.memory_space<vmem>>) target(%dma_start3A_166 : memref<10240x16xf32, #tpu.memory_space<vmem_shared>>) offsets(%dma_start3A_163 : memref<128xi32, #tpu.memory_space<vmem>>) semaphore(%run_scoped3A_160 : memref<!tpu.dma_semaphore, #tpu.memory_space<semaphore_mem>>) {add = true}
        %dma_wait3A_167 = arith.constant 0 : i32
        %dma_wait3A_168 = tpu.memref_slice %arg7[%run_scoped3A_159, %dma_wait3A_167] : memref<8x128xi32, #tpu.memory_space<vmem>> -> memref<1x128xi32, #tpu.memory_space<vmem>>
        %dma_wait3A_169 = tpu.memref_squeeze %dma_wait3A_168 : memref<1x128xi32, #tpu.memory_space<vmem>> -> memref<128xi32, #tpu.memory_space<vmem>>
        %dma_wait3A_170 = arith.constant 0 : i32
        %dma_wait3A_171 = arith.constant 0 : i32
        %dma_wait3A_172 = tpu.memref_slice %arg11[%dma_wait3A_170, %dma_wait3A_171] : memref<10240x16xf32, #tpu.memory_space<vmem_shared>> -> memref<10240x16xf32, #tpu.memory_space<vmem_shared>>
        tpu.wait_indirect_dma semaphore(%run_scoped3A_160 : memref<!tpu.dma_semaphore, #tpu.memory_space<semaphore_mem>>) src(%arg9 : memref<128x16xf32, #tpu.memory_space<vmem>>) dst(%dma_wait3A_172 : memref<10240x16xf32, #tpu.memory_space<vmem_shared>>)
        tpu.yield
      }) : () -> ()
    }
    %while3A_33 = arith.constant 1 : i32
    scf.for %while3A_39 = %while3A_31 to %while3A_27 step %while3A_33  : i32 {
      %mul3A_40 = arith.muli %while3A_39, %while3A : i32
      %add3A_41 = arith.addi %while3A_24, %mul3A_40 : i32
      %add3A_42 = arith.addi %select_n3A_8, %add3A_41 : i32
      "tpu.region"() ({
        %run_scoped3A_160 = tpu.sem_alloc : memref<!tpu.dma_semaphore, #tpu.memory_space<semaphore_mem>>
        %dma_start3A_161 = arith.constant 0 : i32
        %dma_start3A_162 = tpu.memref_slice %arg3[%add3A_42, %dma_start3A_161] : memref<2560x128xi32, #tpu.memory_space<hbm>> -> memref<8x128xi32, #tpu.memory_space<hbm>>
        %dma_start3A_163 = arith.constant 0 : i32
        %dma_start3A_164 = tpu.memref_slice %arg3[%add3A_42, %dma_start3A_163] : memref<2560x128xi32, #tpu.memory_space<hbm>> -> memref<8x128xi32, #tpu.memory_space<hbm>>
        tpu.enqueue_dma source(%dma_start3A_164 : memref<8x128xi32, #tpu.memory_space<hbm>>) target(%arg6 : memref<8x128xi32, #tpu.memory_space<vmem>>) target_semaphore(%run_scoped3A_160 : memref<!tpu.dma_semaphore, #tpu.memory_space<semaphore_mem>>)
        %dma_wait3A_165 = arith.constant 0 : i32
        %dma_wait3A_166 = tpu.memref_slice %arg3[%add3A_42, %dma_wait3A_165] : memref<2560x128xi32, #tpu.memory_space<hbm>> -> memref<8x128xi32, #tpu.memory_space<hbm>>
        %dma_wait3A_167 = arith.constant 0 : i32
        %dma_wait3A_168 = tpu.memref_slice %arg3[%add3A_42, %dma_wait3A_167] : memref<2560x128xi32, #tpu.memory_space<hbm>> -> memref<8x128xi32, #tpu.memory_space<hbm>>
        tpu.wait_dma2 semaphore(%run_scoped3A_160 : memref<!tpu.dma_semaphore, #tpu.memory_space<semaphore_mem>>) src(%dma_wait3A_168 : memref<8x128xi32, #tpu.memory_space<hbm>>) dst(%arg6 : memref<8x128xi32, #tpu.memory_space<vmem>>)
        tpu.yield
      }) : () -> ()
      "tpu.region"() ({
        %run_scoped3A_160 = tpu.sem_alloc : memref<!tpu.dma_semaphore, #tpu.memory_space<semaphore_mem>>
        %dma_start3A_161 = arith.constant 0 : i32
        %dma_start3A_162 = tpu.memref_slice %arg4[%add3A_42, %dma_start3A_161] : memref<2560x128xi32, #tpu.memory_space<hbm>> -> memref<8x128xi32, #tpu.memory_space<hbm>>
        %dma_start3A_163 = arith.constant 0 : i32
        %dma_start3A_164 = tpu.memref_slice %arg4[%add3A_42, %dma_start3A_163] : memref<2560x128xi32, #tpu.memory_space<hbm>> -> memref<8x128xi32, #tpu.memory_space<hbm>>
        tpu.enqueue_dma source(%dma_start3A_164 : memref<8x128xi32, #tpu.memory_space<hbm>>) target(%arg7 : memref<8x128xi32, #tpu.memory_space<vmem>>) target_semaphore(%run_scoped3A_160 : memref<!tpu.dma_semaphore, #tpu.memory_space<semaphore_mem>>)
        %dma_wait3A_165 = arith.constant 0 : i32
        %dma_wait3A_166 = tpu.memref_slice %arg4[%add3A_42, %dma_wait3A_165] : memref<2560x128xi32, #tpu.memory_space<hbm>> -> memref<8x128xi32, #tpu.memory_space<hbm>>
        %dma_wait3A_167 = arith.constant 0 : i32
        %dma_wait3A_168 = tpu.memref_slice %arg4[%add3A_42, %dma_wait3A_167] : memref<2560x128xi32, #tpu.memory_space<hbm>> -> memref<8x128xi32, #tpu.memory_space<hbm>>
        tpu.wait_dma2 semaphore(%run_scoped3A_160 : memref<!tpu.dma_semaphore, #tpu.memory_space<semaphore_mem>>) src(%dma_wait3A_168 : memref<8x128xi32, #tpu.memory_space<hbm>>) dst(%arg7 : memref<8x128xi32, #tpu.memory_space<vmem>>)
        tpu.yield
      }) : () -> ()
      %dma_start3A = arith.constant 0 : i32
      %dma_start3A_43 = arith.constant 0 : i32
      %dma_start3A_44 = tpu.memref_slice %arg6[%dma_start3A, %dma_start3A_43] : memref<8x128xi32, #tpu.memory_space<vmem>> -> memref<1x128xi32, #tpu.memory_space<vmem>>
      %dma_start3A_45 = tpu.memref_squeeze %dma_start3A_44 : memref<1x128xi32, #tpu.memory_space<vmem>> -> memref<128xi32, #tpu.memory_space<vmem>>
      %dma_start3A_46 = arith.constant 0 : i32
      %dma_start3A_47 = arith.constant 0 : i32
      %dma_start3A_48 = tpu.memref_slice %arg2[%dma_start3A_46, %dma_start3A_47] : memref<10000x16xf32, #tpu.memory_space<hbm>> -> memref<10000x16xf32, #tpu.memory_space<hbm>>
      tpu.enqueue_indirect_dma source(%dma_start3A_48 : memref<10000x16xf32, #tpu.memory_space<hbm>>) target(%arg8 : memref<128x16xf32, #tpu.memory_space<vmem>>) offsets(%dma_start3A_45 : memref<128xi32, #tpu.memory_space<vmem>>) semaphore(%arg12 : memref<!tpu.dma_semaphore, #tpu.memory_space<semaphore_mem>>)
      %dma_wait3A = arith.constant 0 : i32
      %dma_wait3A_49 = arith.constant 0 : i32
      %dma_wait3A_50 = tpu.memref_slice %arg6[%dma_wait3A, %dma_wait3A_49] : memref<8x128xi32, #tpu.memory_space<vmem>> -> memref<1x128xi32, #tpu.memory_space<vmem>>
      %dma_wait3A_51 = tpu.memref_squeeze %dma_wait3A_50 : memref<1x128xi32, #tpu.memory_space<vmem>> -> memref<128xi32, #tpu.memory_space<vmem>>
      %dma_wait3A_52 = arith.constant 0 : i32
      %dma_wait3A_53 = arith.constant 0 : i32
      %dma_wait3A_54 = tpu.memref_slice %arg2[%dma_wait3A_52, %dma_wait3A_53] : memref<10000x16xf32, #tpu.memory_space<hbm>> -> memref<10000x16xf32, #tpu.memory_space<hbm>>
      tpu.wait_indirect_dma semaphore(%arg12 : memref<!tpu.dma_semaphore, #tpu.memory_space<semaphore_mem>>) src(%dma_wait3A_54 : memref<10000x16xf32, #tpu.memory_space<hbm>>) dst(%arg8 : memref<128x16xf32, #tpu.memory_space<vmem>>)
      %dma_start3A_55 = arith.constant 1 : i32
      %dma_start3A_56 = arith.constant 0 : i32
      %dma_start3A_57 = tpu.memref_slice %arg6[%dma_start3A_55, %dma_start3A_56] : memref<8x128xi32, #tpu.memory_space<vmem>> -> memref<1x128xi32, #tpu.memory_space<vmem>>
      %dma_start3A_58 = tpu.memref_squeeze %dma_start3A_57 : memref<1x128xi32, #tpu.memory_space<vmem>> -> memref<128xi32, #tpu.memory_space<vmem>>
      %dma_start3A_59 = arith.constant 0 : i32
      %dma_start3A_60 = arith.constant 0 : i32
      %dma_start3A_61 = tpu.memref_slice %arg2[%dma_start3A_59, %dma_start3A_60] : memref<10000x16xf32, #tpu.memory_space<hbm>> -> memref<10000x16xf32, #tpu.memory_space<hbm>>
      tpu.enqueue_indirect_dma source(%dma_start3A_61 : memref<10000x16xf32, #tpu.memory_space<hbm>>) target(%arg9 : memref<128x16xf32, #tpu.memory_space<vmem>>) offsets(%dma_start3A_58 : memref<128xi32, #tpu.memory_space<vmem>>) semaphore(%arg13 : memref<!tpu.dma_semaphore, #tpu.memory_space<semaphore_mem>>)
      %run_scoped3A = arith.constant 0 : i32
      "tpu.region"() ({
        %run_scoped3A_160 = tpu.sem_alloc : memref<!tpu.dma_semaphore, #tpu.memory_space<semaphore_mem>>
        %dma_start3A_161 = arith.constant 0 : i32
        %dma_start3A_162 = tpu.memref_slice %arg7[%run_scoped3A, %dma_start3A_161] : memref<8x128xi32, #tpu.memory_space<vmem>> -> memref<1x128xi32, #tpu.memory_space<vmem>>
        %dma_start3A_163 = tpu.memref_squeeze %dma_start3A_162 : memref<1x128xi32, #tpu.memory_space<vmem>> -> memref<128xi32, #tpu.memory_space<vmem>>
        %dma_start3A_164 = arith.constant 0 : i32
        %dma_start3A_165 = arith.constant 0 : i32
        %dma_start3A_166 = tpu.memref_slice %arg11[%dma_start3A_164, %dma_start3A_165] : memref<10240x16xf32, #tpu.memory_space<vmem_shared>> -> memref<10240x16xf32, #tpu.memory_space<vmem_shared>>
        tpu.enqueue_indirect_dma source(%arg8 : memref<128x16xf32, #tpu.memory_space<vmem>>) target(%dma_start3A_166 : memref<10240x16xf32, #tpu.memory_space<vmem_shared>>) offsets(%dma_start3A_163 : memref<128xi32, #tpu.memory_space<vmem>>) semaphore(%run_scoped3A_160 : memref<!tpu.dma_semaphore, #tpu.memory_space<semaphore_mem>>) {add = true}
        %dma_wait3A_167 = arith.constant 0 : i32
        %dma_wait3A_168 = tpu.memref_slice %arg7[%run_scoped3A, %dma_wait3A_167] : memref<8x128xi32, #tpu.memory_space<vmem>> -> memref<1x128xi32, #tpu.memory_space<vmem>>
        %dma_wait3A_169 = tpu.memref_squeeze %dma_wait3A_168 : memref<1x128xi32, #tpu.memory_space<vmem>> -> memref<128xi32, #tpu.memory_space<vmem>>
        %dma_wait3A_170 = arith.constant 0 : i32
        %dma_wait3A_171 = arith.constant 0 : i32
        %dma_wait3A_172 = tpu.memref_slice %arg11[%dma_wait3A_170, %dma_wait3A_171] : memref<10240x16xf32, #tpu.memory_space<vmem_shared>> -> memref<10240x16xf32, #tpu.memory_space<vmem_shared>>
        tpu.wait_indirect_dma semaphore(%run_scoped3A_160 : memref<!tpu.dma_semaphore, #tpu.memory_space<semaphore_mem>>) src(%arg8 : memref<128x16xf32, #tpu.memory_space<vmem>>) dst(%dma_wait3A_172 : memref<10240x16xf32, #tpu.memory_space<vmem_shared>>)
        tpu.yield
      }) : () -> ()
      %dma_wait3A_62 = arith.constant 1 : i32
      %dma_wait3A_63 = arith.constant 0 : i32
      %dma_wait3A_64 = tpu.memref_slice %arg6[%dma_wait3A_62, %dma_wait3A_63] : memref<8x128xi32, #tpu.memory_space<vmem>> -> memref<1x128xi32, #tpu.memory_space<vmem>>
      %dma_wait3A_65 = tpu.memref_squeeze %dma_wait3A_64 : memref<1x128xi32, #tpu.memory_space<vmem>> -> memref<128xi32, #tpu.memory_space<vmem>>
      %dma_wait3A_66 = arith.constant 0 : i32
      %dma_wait3A_67 = arith.constant 0 : i32
      %dma_wait3A_68 = tpu.memref_slice %arg2[%dma_wait3A_66, %dma_wait3A_67] : memref<10000x16xf32, #tpu.memory_space<hbm>> -> memref<10000x16xf32, #tpu.memory_space<hbm>>
      tpu.wait_indirect_dma semaphore(%arg13 : memref<!tpu.dma_semaphore, #tpu.memory_space<semaphore_mem>>) src(%dma_wait3A_68 : memref<10000x16xf32, #tpu.memory_space<hbm>>) dst(%arg9 : memref<128x16xf32, #tpu.memory_space<vmem>>)
      %dma_start3A_69 = arith.constant 2 : i32
      %dma_start3A_70 = arith.constant 0 : i32
      %dma_start3A_71 = tpu.memref_slice %arg6[%dma_start3A_69, %dma_start3A_70] : memref<8x128xi32, #tpu.memory_space<vmem>> -> memref<1x128xi32, #tpu.memory_space<vmem>>
      %dma_start3A_72 = tpu.memref_squeeze %dma_start3A_71 : memref<1x128xi32, #tpu.memory_space<vmem>> -> memref<128xi32, #tpu.memory_space<vmem>>
      %dma_start3A_73 = arith.constant 0 : i32
      %dma_start3A_74 = arith.constant 0 : i32
      %dma_start3A_75 = tpu.memref_slice %arg2[%dma_start3A_73, %dma_start3A_74] : memref<10000x16xf32, #tpu.memory_space<hbm>> -> memref<10000x16xf32, #tpu.memory_space<hbm>>
      tpu.enqueue_indirect_dma source(%dma_start3A_75 : memref<10000x16xf32, #tpu.memory_space<hbm>>) target(%arg8 : memref<128x16xf32, #tpu.memory_space<vmem>>) offsets(%dma_start3A_72 : memref<128xi32, #tpu.memory_space<vmem>>) semaphore(%arg12 : memref<!tpu.dma_semaphore, #tpu.memory_space<semaphore_mem>>)
      %run_scoped3A_76 = arith.constant 1 : i32
      "tpu.region"() ({
        %run_scoped3A_160 = tpu.sem_alloc : memref<!tpu.dma_semaphore, #tpu.memory_space<semaphore_mem>>
        %dma_start3A_161 = arith.constant 0 : i32
        %dma_start3A_162 = tpu.memref_slice %arg7[%run_scoped3A_76, %dma_start3A_161] : memref<8x128xi32, #tpu.memory_space<vmem>> -> memref<1x128xi32, #tpu.memory_space<vmem>>
        %dma_start3A_163 = tpu.memref_squeeze %dma_start3A_162 : memref<1x128xi32, #tpu.memory_space<vmem>> -> memref<128xi32, #tpu.memory_space<vmem>>
        %dma_start3A_164 = arith.constant 0 : i32
        %dma_start3A_165 = arith.constant 0 : i32
        %dma_start3A_166 = tpu.memref_slice %arg11[%dma_start3A_164, %dma_start3A_165] : memref<10240x16xf32, #tpu.memory_space<vmem_shared>> -> memref<10240x16xf32, #tpu.memory_space<vmem_shared>>
        tpu.enqueue_indirect_dma source(%arg9 : memref<128x16xf32, #tpu.memory_space<vmem>>) target(%dma_start3A_166 : memref<10240x16xf32, #tpu.memory_space<vmem_shared>>) offsets(%dma_start3A_163 : memref<128xi32, #tpu.memory_space<vmem>>) semaphore(%run_scoped3A_160 : memref<!tpu.dma_semaphore, #tpu.memory_space<semaphore_mem>>) {add = true}
        %dma_wait3A_167 = arith.constant 0 : i32
        %dma_wait3A_168 = tpu.memref_slice %arg7[%run_scoped3A_76, %dma_wait3A_167] : memref<8x128xi32, #tpu.memory_space<vmem>> -> memref<1x128xi32, #tpu.memory_space<vmem>>
        %dma_wait3A_169 = tpu.memref_squeeze %dma_wait3A_168 : memref<1x128xi32, #tpu.memory_space<vmem>> -> memref<128xi32, #tpu.memory_space<vmem>>
        %dma_wait3A_170 = arith.constant 0 : i32
        %dma_wait3A_171 = arith.constant 0 : i32
        %dma_wait3A_172 = tpu.memref_slice %arg11[%dma_wait3A_170, %dma_wait3A_171] : memref<10240x16xf32, #tpu.memory_space<vmem_shared>> -> memref<10240x16xf32, #tpu.memory_space<vmem_shared>>
        tpu.wait_indirect_dma semaphore(%run_scoped3A_160 : memref<!tpu.dma_semaphore, #tpu.memory_space<semaphore_mem>>) src(%arg9 : memref<128x16xf32, #tpu.memory_space<vmem>>) dst(%dma_wait3A_172 : memref<10240x16xf32, #tpu.memory_space<vmem_shared>>)
        tpu.yield
      }) : () -> ()
      %dma_wait3A_77 = arith.constant 2 : i32
      %dma_wait3A_78 = arith.constant 0 : i32
      %dma_wait3A_79 = tpu.memref_slice %arg6[%dma_wait3A_77, %dma_wait3A_78] : memref<8x128xi32, #tpu.memory_space<vmem>> -> memref<1x128xi32, #tpu.memory_space<vmem>>
      %dma_wait3A_80 = tpu.memref_squeeze %dma_wait3A_79 : memref<1x128xi32, #tpu.memory_space<vmem>> -> memref<128xi32, #tpu.memory_space<vmem>>
      %dma_wait3A_81 = arith.constant 0 : i32
      %dma_wait3A_82 = arith.constant 0 : i32
      %dma_wait3A_83 = tpu.memref_slice %arg2[%dma_wait3A_81, %dma_wait3A_82] : memref<10000x16xf32, #tpu.memory_space<hbm>> -> memref<10000x16xf32, #tpu.memory_space<hbm>>
      tpu.wait_indirect_dma semaphore(%arg12 : memref<!tpu.dma_semaphore, #tpu.memory_space<semaphore_mem>>) src(%dma_wait3A_83 : memref<10000x16xf32, #tpu.memory_space<hbm>>) dst(%arg8 : memref<128x16xf32, #tpu.memory_space<vmem>>)
      %dma_start3A_84 = arith.constant 3 : i32
      %dma_start3A_85 = arith.constant 0 : i32
      %dma_start3A_86 = tpu.memref_slice %arg6[%dma_start3A_84, %dma_start3A_85] : memref<8x128xi32, #tpu.memory_space<vmem>> -> memref<1x128xi32, #tpu.memory_space<vmem>>
      %dma_start3A_87 = tpu.memref_squeeze %dma_start3A_86 : memref<1x128xi32, #tpu.memory_space<vmem>> -> memref<128xi32, #tpu.memory_space<vmem>>
      %dma_start3A_88 = arith.constant 0 : i32
      %dma_start3A_89 = arith.constant 0 : i32
      %dma_start3A_90 = tpu.memref_slice %arg2[%dma_start3A_88, %dma_start3A_89] : memref<10000x16xf32, #tpu.memory_space<hbm>> -> memref<10000x16xf32, #tpu.memory_space<hbm>>
      tpu.enqueue_indirect_dma source(%dma_start3A_90 : memref<10000x16xf32, #tpu.memory_space<hbm>>) target(%arg9 : memref<128x16xf32, #tpu.memory_space<vmem>>) offsets(%dma_start3A_87 : memref<128xi32, #tpu.memory_space<vmem>>) semaphore(%arg13 : memref<!tpu.dma_semaphore, #tpu.memory_space<semaphore_mem>>)
      %run_scoped3A_91 = arith.constant 2 : i32
      "tpu.region"() ({
        %run_scoped3A_160 = tpu.sem_alloc : memref<!tpu.dma_semaphore, #tpu.memory_space<semaphore_mem>>
        %dma_start3A_161 = arith.constant 0 : i32
        %dma_start3A_162 = tpu.memref_slice %arg7[%run_scoped3A_91, %dma_start3A_161] : memref<8x128xi32, #tpu.memory_space<vmem>> -> memref<1x128xi32, #tpu.memory_space<vmem>>
        %dma_start3A_163 = tpu.memref_squeeze %dma_start3A_162 : memref<1x128xi32, #tpu.memory_space<vmem>> -> memref<128xi32, #tpu.memory_space<vmem>>
        %dma_start3A_164 = arith.constant 0 : i32
        %dma_start3A_165 = arith.constant 0 : i32
        %dma_start3A_166 = tpu.memref_slice %arg11[%dma_start3A_164, %dma_start3A_165] : memref<10240x16xf32, #tpu.memory_space<vmem_shared>> -> memref<10240x16xf32, #tpu.memory_space<vmem_shared>>
        tpu.enqueue_indirect_dma source(%arg8 : memref<128x16xf32, #tpu.memory_space<vmem>>) target(%dma_start3A_166 : memref<10240x16xf32, #tpu.memory_space<vmem_shared>>) offsets(%dma_start3A_163 : memref<128xi32, #tpu.memory_space<vmem>>) semaphore(%run_scoped3A_160 : memref<!tpu.dma_semaphore, #tpu.memory_space<semaphore_mem>>) {add = true}
        %dma_wait3A_167 = arith.constant 0 : i32
        %dma_wait3A_168 = tpu.memref_slice %arg7[%run_scoped3A_91, %dma_wait3A_167] : memref<8x128xi32, #tpu.memory_space<vmem>> -> memref<1x128xi32, #tpu.memory_space<vmem>>
        %dma_wait3A_169 = tpu.memref_squeeze %dma_wait3A_168 : memref<1x128xi32, #tpu.memory_space<vmem>> -> memref<128xi32, #tpu.memory_space<vmem>>
        %dma_wait3A_170 = arith.constant 0 : i32
        %dma_wait3A_171 = arith.constant 0 : i32
        %dma_wait3A_172 = tpu.memref_slice %arg11[%dma_wait3A_170, %dma_wait3A_171] : memref<10240x16xf32, #tpu.memory_space<vmem_shared>> -> memref<10240x16xf32, #tpu.memory_space<vmem_shared>>
        tpu.wait_indirect_dma semaphore(%run_scoped3A_160 : memref<!tpu.dma_semaphore, #tpu.memory_space<semaphore_mem>>) src(%arg8 : memref<128x16xf32, #tpu.memory_space<vmem>>) dst(%dma_wait3A_172 : memref<10240x16xf32, #tpu.memory_space<vmem_shared>>)
        tpu.yield
      }) : () -> ()
      %dma_wait3A_92 = arith.constant 3 : i32
      %dma_wait3A_93 = arith.constant 0 : i32
      %dma_wait3A_94 = tpu.memref_slice %arg6[%dma_wait3A_92, %dma_wait3A_93] : memref<8x128xi32, #tpu.memory_space<vmem>> -> memref<1x128xi32, #tpu.memory_space<vmem>>
      %dma_wait3A_95 = tpu.memref_squeeze %dma_wait3A_94 : memref<1x128xi32, #tpu.memory_space<vmem>> -> memref<128xi32, #tpu.memory_space<vmem>>
      %dma_wait3A_96 = arith.constant 0 : i32
      %dma_wait3A_97 = arith.constant 0 : i32
      %dma_wait3A_98 = tpu.memref_slice %arg2[%dma_wait3A_96, %dma_wait3A_97] : memref<10000x16xf32, #tpu.memory_space<hbm>> -> memref<10000x16xf32, #tpu.memory_space<hbm>>
      tpu.wait_indirect_dma semaphore(%arg13 : memref<!tpu.dma_semaphore, #tpu.memory_space<semaphore_mem>>) src(%dma_wait3A_98 : memref<10000x16xf32, #tpu.memory_space<hbm>>) dst(%arg9 : memref<128x16xf32, #tpu.memory_space<vmem>>)
      %dma_start3A_99 = arith.constant 4 : i32
      %dma_start3A_100 = arith.constant 0 : i32
      %dma_start3A_101 = tpu.memref_slice %arg6[%dma_start3A_99, %dma_start3A_100] : memref<8x128xi32, #tpu.memory_space<vmem>> -> memref<1x128xi32, #tpu.memory_space<vmem>>
      %dma_start3A_102 = tpu.memref_squeeze %dma_start3A_101 : memref<1x128xi32, #tpu.memory_space<vmem>> -> memref<128xi32, #tpu.memory_space<vmem>>
      %dma_start3A_103 = arith.constant 0 : i32
      %dma_start3A_104 = arith.constant 0 : i32
      %dma_start3A_105 = tpu.memref_slice %arg2[%dma_start3A_103, %dma_start3A_104] : memref<10000x16xf32, #tpu.memory_space<hbm>> -> memref<10000x16xf32, #tpu.memory_space<hbm>>
      tpu.enqueue_indirect_dma source(%dma_start3A_105 : memref<10000x16xf32, #tpu.memory_space<hbm>>) target(%arg8 : memref<128x16xf32, #tpu.memory_space<vmem>>) offsets(%dma_start3A_102 : memref<128xi32, #tpu.memory_space<vmem>>) semaphore(%arg12 : memref<!tpu.dma_semaphore, #tpu.memory_space<semaphore_mem>>)
      %run_scoped3A_106 = arith.constant 3 : i32
      "tpu.region"() ({
        %run_scoped3A_160 = tpu.sem_alloc : memref<!tpu.dma_semaphore, #tpu.memory_space<semaphore_mem>>
        %dma_start3A_161 = arith.constant 0 : i32
        %dma_start3A_162 = tpu.memref_slice %arg7[%run_scoped3A_106, %dma_start3A_161] : memref<8x128xi32, #tpu.memory_space<vmem>> -> memref<1x128xi32, #tpu.memory_space<vmem>>
        %dma_start3A_163 = tpu.memref_squeeze %dma_start3A_162 : memref<1x128xi32, #tpu.memory_space<vmem>> -> memref<128xi32, #tpu.memory_space<vmem>>
        %dma_start3A_164 = arith.constant 0 : i32
        %dma_start3A_165 = arith.constant 0 : i32
        %dma_start3A_166 = tpu.memref_slice %arg11[%dma_start3A_164, %dma_start3A_165] : memref<10240x16xf32, #tpu.memory_space<vmem_shared>> -> memref<10240x16xf32, #tpu.memory_space<vmem_shared>>
        tpu.enqueue_indirect_dma source(%arg9 : memref<128x16xf32, #tpu.memory_space<vmem>>) target(%dma_start3A_166 : memref<10240x16xf32, #tpu.memory_space<vmem_shared>>) offsets(%dma_start3A_163 : memref<128xi32, #tpu.memory_space<vmem>>) semaphore(%run_scoped3A_160 : memref<!tpu.dma_semaphore, #tpu.memory_space<semaphore_mem>>) {add = true}
        %dma_wait3A_167 = arith.constant 0 : i32
        %dma_wait3A_168 = tpu.memref_slice %arg7[%run_scoped3A_106, %dma_wait3A_167] : memref<8x128xi32, #tpu.memory_space<vmem>> -> memref<1x128xi32, #tpu.memory_space<vmem>>
        %dma_wait3A_169 = tpu.memref_squeeze %dma_wait3A_168 : memref<1x128xi32, #tpu.memory_space<vmem>> -> memref<128xi32, #tpu.memory_space<vmem>>
        %dma_wait3A_170 = arith.constant 0 : i32
        %dma_wait3A_171 = arith.constant 0 : i32
        %dma_wait3A_172 = tpu.memref_slice %arg11[%dma_wait3A_170, %dma_wait3A_171] : memref<10240x16xf32, #tpu.memory_space<vmem_shared>> -> memref<10240x16xf32, #tpu.memory_space<vmem_shared>>
        tpu.wait_indirect_dma semaphore(%run_scoped3A_160 : memref<!tpu.dma_semaphore, #tpu.memory_space<semaphore_mem>>) src(%arg9 : memref<128x16xf32, #tpu.memory_space<vmem>>) dst(%dma_wait3A_172 : memref<10240x16xf32, #tpu.memory_space<vmem_shared>>)
        tpu.yield
      }) : () -> ()
      %dma_wait3A_107 = arith.constant 4 : i32
      %dma_wait3A_108 = arith.constant 0 : i32
      %dma_wait3A_109 = tpu.memref_slice %arg6[%dma_wait3A_107, %dma_wait3A_108] : memref<8x128xi32, #tpu.memory_space<vmem>> -> memref<1x128xi32, #tpu.memory_space<vmem>>
      %dma_wait3A_110 = tpu.memref_squeeze %dma_wait3A_109 : memref<1x128xi32, #tpu.memory_space<vmem>> -> memref<128xi32, #tpu.memory_space<vmem>>
      %dma_wait3A_111 = arith.constant 0 : i32
      %dma_wait3A_112 = arith.constant 0 : i32
      %dma_wait3A_113 = tpu.memref_slice %arg2[%dma_wait3A_111, %dma_wait3A_112] : memref<10000x16xf32, #tpu.memory_space<hbm>> -> memref<10000x16xf32, #tpu.memory_space<hbm>>
      tpu.wait_indirect_dma semaphore(%arg12 : memref<!tpu.dma_semaphore, #tpu.memory_space<semaphore_mem>>) src(%dma_wait3A_113 : memref<10000x16xf32, #tpu.memory_space<hbm>>) dst(%arg8 : memref<128x16xf32, #tpu.memory_space<vmem>>)
      %dma_start3A_114 = arith.constant 5 : i32
      %dma_start3A_115 = arith.constant 0 : i32
      %dma_start3A_116 = tpu.memref_slice %arg6[%dma_start3A_114, %dma_start3A_115] : memref<8x128xi32, #tpu.memory_space<vmem>> -> memref<1x128xi32, #tpu.memory_space<vmem>>
      %dma_start3A_117 = tpu.memref_squeeze %dma_start3A_116 : memref<1x128xi32, #tpu.memory_space<vmem>> -> memref<128xi32, #tpu.memory_space<vmem>>
      %dma_start3A_118 = arith.constant 0 : i32
      %dma_start3A_119 = arith.constant 0 : i32
      %dma_start3A_120 = tpu.memref_slice %arg2[%dma_start3A_118, %dma_start3A_119] : memref<10000x16xf32, #tpu.memory_space<hbm>> -> memref<10000x16xf32, #tpu.memory_space<hbm>>
      tpu.enqueue_indirect_dma source(%dma_start3A_120 : memref<10000x16xf32, #tpu.memory_space<hbm>>) target(%arg9 : memref<128x16xf32, #tpu.memory_space<vmem>>) offsets(%dma_start3A_117 : memref<128xi32, #tpu.memory_space<vmem>>) semaphore(%arg13 : memref<!tpu.dma_semaphore, #tpu.memory_space<semaphore_mem>>)
      %run_scoped3A_121 = arith.constant 4 : i32
      "tpu.region"() ({
        %run_scoped3A_160 = tpu.sem_alloc : memref<!tpu.dma_semaphore, #tpu.memory_space<semaphore_mem>>
        %dma_start3A_161 = arith.constant 0 : i32
        %dma_start3A_162 = tpu.memref_slice %arg7[%run_scoped3A_121, %dma_start3A_161] : memref<8x128xi32, #tpu.memory_space<vmem>> -> memref<1x128xi32, #tpu.memory_space<vmem>>
        %dma_start3A_163 = tpu.memref_squeeze %dma_start3A_162 : memref<1x128xi32, #tpu.memory_space<vmem>> -> memref<128xi32, #tpu.memory_space<vmem>>
        %dma_start3A_164 = arith.constant 0 : i32
        %dma_start3A_165 = arith.constant 0 : i32
        %dma_start3A_166 = tpu.memref_slice %arg11[%dma_start3A_164, %dma_start3A_165] : memref<10240x16xf32, #tpu.memory_space<vmem_shared>> -> memref<10240x16xf32, #tpu.memory_space<vmem_shared>>
        tpu.enqueue_indirect_dma source(%arg8 : memref<128x16xf32, #tpu.memory_space<vmem>>) target(%dma_start3A_166 : memref<10240x16xf32, #tpu.memory_space<vmem_shared>>) offsets(%dma_start3A_163 : memref<128xi32, #tpu.memory_space<vmem>>) semaphore(%run_scoped3A_160 : memref<!tpu.dma_semaphore, #tpu.memory_space<semaphore_mem>>) {add = true}
        %dma_wait3A_167 = arith.constant 0 : i32
        %dma_wait3A_168 = tpu.memref_slice %arg7[%run_scoped3A_121, %dma_wait3A_167] : memref<8x128xi32, #tpu.memory_space<vmem>> -> memref<1x128xi32, #tpu.memory_space<vmem>>
        %dma_wait3A_169 = tpu.memref_squeeze %dma_wait3A_168 : memref<1x128xi32, #tpu.memory_space<vmem>> -> memref<128xi32, #tpu.memory_space<vmem>>
        %dma_wait3A_170 = arith.constant 0 : i32
        %dma_wait3A_171 = arith.constant 0 : i32
        %dma_wait3A_172 = tpu.memref_slice %arg11[%dma_wait3A_170, %dma_wait3A_171] : memref<10240x16xf32, #tpu.memory_space<vmem_shared>> -> memref<10240x16xf32, #tpu.memory_space<vmem_shared>>
        tpu.wait_indirect_dma semaphore(%run_scoped3A_160 : memref<!tpu.dma_semaphore, #tpu.memory_space<semaphore_mem>>) src(%arg8 : memref<128x16xf32, #tpu.memory_space<vmem>>) dst(%dma_wait3A_172 : memref<10240x16xf32, #tpu.memory_space<vmem_shared>>)
        tpu.yield
      }) : () -> ()
      %dma_wait3A_122 = arith.constant 5 : i32
      %dma_wait3A_123 = arith.constant 0 : i32
      %dma_wait3A_124 = tpu.memref_slice %arg6[%dma_wait3A_122, %dma_wait3A_123] : memref<8x128xi32, #tpu.memory_space<vmem>> -> memref<1x128xi32, #tpu.memory_space<vmem>>
      %dma_wait3A_125 = tpu.memref_squeeze %dma_wait3A_124 : memref<1x128xi32, #tpu.memory_space<vmem>> -> memref<128xi32, #tpu.memory_space<vmem>>
      %dma_wait3A_126 = arith.constant 0 : i32
      %dma_wait3A_127 = arith.constant 0 : i32
      %dma_wait3A_128 = tpu.memref_slice %arg2[%dma_wait3A_126, %dma_wait3A_127] : memref<10000x16xf32, #tpu.memory_space<hbm>> -> memref<10000x16xf32, #tpu.memory_space<hbm>>
      tpu.wait_indirect_dma semaphore(%arg13 : memref<!tpu.dma_semaphore, #tpu.memory_space<semaphore_mem>>) src(%dma_wait3A_128 : memref<10000x16xf32, #tpu.memory_space<hbm>>) dst(%arg9 : memref<128x16xf32, #tpu.memory_space<vmem>>)
      %dma_start3A_129 = arith.constant 6 : i32
      %dma_start3A_130 = arith.constant 0 : i32
      %dma_start3A_131 = tpu.memref_slice %arg6[%dma_start3A_129, %dma_start3A_130] : memref<8x128xi32, #tpu.memory_space<vmem>> -> memref<1x128xi32, #tpu.memory_space<vmem>>
      %dma_start3A_132 = tpu.memref_squeeze %dma_start3A_131 : memref<1x128xi32, #tpu.memory_space<vmem>> -> memref<128xi32, #tpu.memory_space<vmem>>
      %dma_start3A_133 = arith.constant 0 : i32
      %dma_start3A_134 = arith.constant 0 : i32
      %dma_start3A_135 = tpu.memref_slice %arg2[%dma_start3A_133, %dma_start3A_134] : memref<10000x16xf32, #tpu.memory_space<hbm>> -> memref<10000x16xf32, #tpu.memory_space<hbm>>
      tpu.enqueue_indirect_dma source(%dma_start3A_135 : memref<10000x16xf32, #tpu.memory_space<hbm>>) target(%arg8 : memref<128x16xf32, #tpu.memory_space<vmem>>) offsets(%dma_start3A_132 : memref<128xi32, #tpu.memory_space<vmem>>) semaphore(%arg12 : memref<!tpu.dma_semaphore, #tpu.memory_space<semaphore_mem>>)
      %run_scoped3A_136 = arith.constant 5 : i32
      "tpu.region"() ({
        %run_scoped3A_160 = tpu.sem_alloc : memref<!tpu.dma_semaphore, #tpu.memory_space<semaphore_mem>>
        %dma_start3A_161 = arith.constant 0 : i32
        %dma_start3A_162 = tpu.memref_slice %arg7[%run_scoped3A_136, %dma_start3A_161] : memref<8x128xi32, #tpu.memory_space<vmem>> -> memref<1x128xi32, #tpu.memory_space<vmem>>
        %dma_start3A_163 = tpu.memref_squeeze %dma_start3A_162 : memref<1x128xi32, #tpu.memory_space<vmem>> -> memref<128xi32, #tpu.memory_space<vmem>>
        %dma_start3A_164 = arith.constant 0 : i32
        %dma_start3A_165 = arith.constant 0 : i32
        %dma_start3A_166 = tpu.memref_slice %arg11[%dma_start3A_164, %dma_start3A_165] : memref<10240x16xf32, #tpu.memory_space<vmem_shared>> -> memref<10240x16xf32, #tpu.memory_space<vmem_shared>>
        tpu.enqueue_indirect_dma source(%arg9 : memref<128x16xf32, #tpu.memory_space<vmem>>) target(%dma_start3A_166 : memref<10240x16xf32, #tpu.memory_space<vmem_shared>>) offsets(%dma_start3A_163 : memref<128xi32, #tpu.memory_space<vmem>>) semaphore(%run_scoped3A_160 : memref<!tpu.dma_semaphore, #tpu.memory_space<semaphore_mem>>) {add = true}
        %dma_wait3A_167 = arith.constant 0 : i32
        %dma_wait3A_168 = tpu.memref_slice %arg7[%run_scoped3A_136, %dma_wait3A_167] : memref<8x128xi32, #tpu.memory_space<vmem>> -> memref<1x128xi32, #tpu.memory_space<vmem>>
        %dma_wait3A_169 = tpu.memref_squeeze %dma_wait3A_168 : memref<1x128xi32, #tpu.memory_space<vmem>> -> memref<128xi32, #tpu.memory_space<vmem>>
        %dma_wait3A_170 = arith.constant 0 : i32
        %dma_wait3A_171 = arith.constant 0 : i32
        %dma_wait3A_172 = tpu.memref_slice %arg11[%dma_wait3A_170, %dma_wait3A_171] : memref<10240x16xf32, #tpu.memory_space<vmem_shared>> -> memref<10240x16xf32, #tpu.memory_space<vmem_shared>>
        tpu.wait_indirect_dma semaphore(%run_scoped3A_160 : memref<!tpu.dma_semaphore, #tpu.memory_space<semaphore_mem>>) src(%arg9 : memref<128x16xf32, #tpu.memory_space<vmem>>) dst(%dma_wait3A_172 : memref<10240x16xf32, #tpu.memory_space<vmem_shared>>)
        tpu.yield
      }) : () -> ()
      %dma_wait3A_137 = arith.constant 6 : i32
      %dma_wait3A_138 = arith.constant 0 : i32
      %dma_wait3A_139 = tpu.memref_slice %arg6[%dma_wait3A_137, %dma_wait3A_138] : memref<8x128xi32, #tpu.memory_space<vmem>> -> memref<1x128xi32, #tpu.memory_space<vmem>>
      %dma_wait3A_140 = tpu.memref_squeeze %dma_wait3A_139 : memref<1x128xi32, #tpu.memory_space<vmem>> -> memref<128xi32, #tpu.memory_space<vmem>>
      %dma_wait3A_141 = arith.constant 0 : i32
      %dma_wait3A_142 = arith.constant 0 : i32
      %dma_wait3A_143 = tpu.memref_slice %arg2[%dma_wait3A_141, %dma_wait3A_142] : memref<10000x16xf32, #tpu.memory_space<hbm>> -> memref<10000x16xf32, #tpu.memory_space<hbm>>
      tpu.wait_indirect_dma semaphore(%arg12 : memref<!tpu.dma_semaphore, #tpu.memory_space<semaphore_mem>>) src(%dma_wait3A_143 : memref<10000x16xf32, #tpu.memory_space<hbm>>) dst(%arg8 : memref<128x16xf32, #tpu.memory_space<vmem>>)
      %dma_start3A_144 = arith.constant 7 : i32
      %dma_start3A_145 = arith.constant 0 : i32
      %dma_start3A_146 = tpu.memref_slice %arg6[%dma_start3A_144, %dma_start3A_145] : memref<8x128xi32, #tpu.memory_space<vmem>> -> memref<1x128xi32, #tpu.memory_space<vmem>>
      %dma_start3A_147 = tpu.memref_squeeze %dma_start3A_146 : memref<1x128xi32, #tpu.memory_space<vmem>> -> memref<128xi32, #tpu.memory_space<vmem>>
      %dma_start3A_148 = arith.constant 0 : i32
      %dma_start3A_149 = arith.constant 0 : i32
      %dma_start3A_150 = tpu.memref_slice %arg2[%dma_start3A_148, %dma_start3A_149] : memref<10000x16xf32, #tpu.memory_space<hbm>> -> memref<10000x16xf32, #tpu.memory_space<hbm>>
      tpu.enqueue_indirect_dma source(%dma_start3A_150 : memref<10000x16xf32, #tpu.memory_space<hbm>>) target(%arg9 : memref<128x16xf32, #tpu.memory_space<vmem>>) offsets(%dma_start3A_147 : memref<128xi32, #tpu.memory_space<vmem>>) semaphore(%arg13 : memref<!tpu.dma_semaphore, #tpu.memory_space<semaphore_mem>>)
      %run_scoped3A_151 = arith.constant 6 : i32
      "tpu.region"() ({
        %run_scoped3A_160 = tpu.sem_alloc : memref<!tpu.dma_semaphore, #tpu.memory_space<semaphore_mem>>
        %dma_start3A_161 = arith.constant 0 : i32
        %dma_start3A_162 = tpu.memref_slice %arg7[%run_scoped3A_151, %dma_start3A_161] : memref<8x128xi32, #tpu.memory_space<vmem>> -> memref<1x128xi32, #tpu.memory_space<vmem>>
        %dma_start3A_163 = tpu.memref_squeeze %dma_start3A_162 : memref<1x128xi32, #tpu.memory_space<vmem>> -> memref<128xi32, #tpu.memory_space<vmem>>
        %dma_start3A_164 = arith.constant 0 : i32
        %dma_start3A_165 = arith.constant 0 : i32
        %dma_start3A_166 = tpu.memref_slice %arg11[%dma_start3A_164, %dma_start3A_165] : memref<10240x16xf32, #tpu.memory_space<vmem_shared>> -> memref<10240x16xf32, #tpu.memory_space<vmem_shared>>
        tpu.enqueue_indirect_dma source(%arg8 : memref<128x16xf32, #tpu.memory_space<vmem>>) target(%dma_start3A_166 : memref<10240x16xf32, #tpu.memory_space<vmem_shared>>) offsets(%dma_start3A_163 : memref<128xi32, #tpu.memory_space<vmem>>) semaphore(%run_scoped3A_160 : memref<!tpu.dma_semaphore, #tpu.memory_space<semaphore_mem>>) {add = true}
        %dma_wait3A_167 = arith.constant 0 : i32
        %dma_wait3A_168 = tpu.memref_slice %arg7[%run_scoped3A_151, %dma_wait3A_167] : memref<8x128xi32, #tpu.memory_space<vmem>> -> memref<1x128xi32, #tpu.memory_space<vmem>>
        %dma_wait3A_169 = tpu.memref_squeeze %dma_wait3A_168 : memref<1x128xi32, #tpu.memory_space<vmem>> -> memref<128xi32, #tpu.memory_space<vmem>>
        %dma_wait3A_170 = arith.constant 0 : i32
        %dma_wait3A_171 = arith.constant 0 : i32
        %dma_wait3A_172 = tpu.memref_slice %arg11[%dma_wait3A_170, %dma_wait3A_171] : memref<10240x16xf32, #tpu.memory_space<vmem_shared>> -> memref<10240x16xf32, #tpu.memory_space<vmem_shared>>
        tpu.wait_indirect_dma semaphore(%run_scoped3A_160 : memref<!tpu.dma_semaphore, #tpu.memory_space<semaphore_mem>>) src(%arg8 : memref<128x16xf32, #tpu.memory_space<vmem>>) dst(%dma_wait3A_172 : memref<10240x16xf32, #tpu.memory_space<vmem_shared>>)
        tpu.yield
      }) : () -> ()
      %dma_wait3A_152 = arith.constant 7 : i32
      %dma_wait3A_153 = arith.constant 0 : i32
      %dma_wait3A_154 = tpu.memref_slice %arg6[%dma_wait3A_152, %dma_wait3A_153] : memref<8x128xi32, #tpu.memory_space<vmem>> -> memref<1x128xi32, #tpu.memory_space<vmem>>
      %dma_wait3A_155 = tpu.memref_squeeze %dma_wait3A_154 : memref<1x128xi32, #tpu.memory_space<vmem>> -> memref<128xi32, #tpu.memory_space<vmem>>
      %dma_wait3A_156 = arith.constant 0 : i32
      %dma_wait3A_157 = arith.constant 0 : i32
      %dma_wait3A_158 = tpu.memref_slice %arg2[%dma_wait3A_156, %dma_wait3A_157] : memref<10000x16xf32, #tpu.memory_space<hbm>> -> memref<10000x16xf32, #tpu.memory_space<hbm>>
      tpu.wait_indirect_dma semaphore(%arg13 : memref<!tpu.dma_semaphore, #tpu.memory_space<semaphore_mem>>) src(%dma_wait3A_158 : memref<10000x16xf32, #tpu.memory_space<hbm>>) dst(%arg9 : memref<128x16xf32, #tpu.memory_space<vmem>>)
      %run_scoped3A_159 = arith.constant 7 : i32
      "tpu.region"() ({
        %run_scoped3A_160 = tpu.sem_alloc : memref<!tpu.dma_semaphore, #tpu.memory_space<semaphore_mem>>
        %dma_start3A_161 = arith.constant 0 : i32
        %dma_start3A_162 = tpu.memref_slice %arg7[%run_scoped3A_159, %dma_start3A_161] : memref<8x128xi32, #tpu.memory_space<vmem>> -> memref<1x128xi32, #tpu.memory_space<vmem>>
        %dma_start3A_163 = tpu.memref_squeeze %dma_start3A_162 : memref<1x128xi32, #tpu.memory_space<vmem>> -> memref<128xi32, #tpu.memory_space<vmem>>
        %dma_start3A_164 = arith.constant 0 : i32
        %dma_start3A_165 = arith.constant 0 : i32
        %dma_start3A_166 = tpu.memref_slice %arg11[%dma_start3A_164, %dma_start3A_165] : memref<10240x16xf32, #tpu.memory_space<vmem_shared>> -> memref<10240x16xf32, #tpu.memory_space<vmem_shared>>
        tpu.enqueue_indirect_dma source(%arg9 : memref<128x16xf32, #tpu.memory_space<vmem>>) target(%dma_start3A_166 : memref<10240x16xf32, #tpu.memory_space<vmem_shared>>) offsets(%dma_start3A_163 : memref<128xi32, #tpu.memory_space<vmem>>) semaphore(%run_scoped3A_160 : memref<!tpu.dma_semaphore, #tpu.memory_space<semaphore_mem>>) {add = true}
        %dma_wait3A_167 = arith.constant 0 : i32
        %dma_wait3A_168 = tpu.memref_slice %arg7[%run_scoped3A_159, %dma_wait3A_167] : memref<8x128xi32, #tpu.memory_space<vmem>> -> memref<1x128xi32, #tpu.memory_space<vmem>>
        %dma_wait3A_169 = tpu.memref_squeeze %dma_wait3A_168 : memref<1x128xi32, #tpu.memory_space<vmem>> -> memref<128xi32, #tpu.memory_space<vmem>>
        %dma_wait3A_170 = arith.constant 0 : i32
        %dma_wait3A_171 = arith.constant 0 : i32
        %dma_wait3A_172 = tpu.memref_slice %arg11[%dma_wait3A_170, %dma_wait3A_171] : memref<10240x16xf32, #tpu.memory_space<vmem_shared>> -> memref<10240x16xf32, #tpu.memory_space<vmem_shared>>
        tpu.wait_indirect_dma semaphore(%run_scoped3A_160 : memref<!tpu.dma_semaphore, #tpu.memory_space<semaphore_mem>>) src(%arg9 : memref<128x16xf32, #tpu.memory_space<vmem>>) dst(%dma_wait3A_172 : memref<10240x16xf32, #tpu.memory_space<vmem_shared>>)
        tpu.yield
      }) : () -> ()
    }
    %barrier3A_34 = arith.constant 0 : index
    tpu.barrier barrier_id(%barrier3A_34)
    %mul3A_35 = arith.constant 640 : i32
    %mul3A_36 = arith.muli %arg1, %mul3A_35 : i32
    %mul3A_37 = arith.constant 640 : i32
    %mul3A_38 = arith.muli %arg1, %mul3A_37 : i32
    "tpu.region"() ({
      %run_scoped3A = tpu.sem_alloc : memref<!tpu.dma_semaphore, #tpu.memory_space<semaphore_mem>>
      %dma_start3A = arith.constant 0 : i32
      %dma_start3A_39 = tpu.memref_slice %arg5[%arg0, %mul3A_38, %dma_start3A] : memref<2x10240x16xf32, #tpu.memory_space<hbm>> -> memref<1x640x16xf32, #tpu.memory_space<hbm>>
      %dma_start3A_40 = tpu.memref_squeeze %dma_start3A_39 : memref<1x640x16xf32, #tpu.memory_space<hbm>> -> memref<640x16xf32, #tpu.memory_space<hbm>>
      %dma_start3A_41 = arith.constant 0 : i32
      %dma_start3A_42 = tpu.memref_slice %arg11[%mul3A_36, %dma_start3A_41] : memref<10240x16xf32, #tpu.memory_space<vmem_shared>> -> memref<640x16xf32, #tpu.memory_space<vmem_shared>>
      tpu.enqueue_dma source(%dma_start3A_42 : memref<640x16xf32, #tpu.memory_space<vmem_shared>>) target(%dma_start3A_40 : memref<640x16xf32, #tpu.memory_space<hbm>>) target_semaphore(%run_scoped3A : memref<!tpu.dma_semaphore, #tpu.memory_space<semaphore_mem>>)
      %dma_wait3A = arith.constant 0 : i32
      %dma_wait3A_43 = tpu.memref_slice %arg5[%arg0, %mul3A_38, %dma_wait3A] : memref<2x10240x16xf32, #tpu.memory_space<hbm>> -> memref<1x640x16xf32, #tpu.memory_space<hbm>>
      %dma_wait3A_44 = tpu.memref_squeeze %dma_wait3A_43 : memref<1x640x16xf32, #tpu.memory_space<hbm>> -> memref<640x16xf32, #tpu.memory_space<hbm>>
      %dma_wait3A_45 = arith.constant 0 : i32
      %dma_wait3A_46 = tpu.memref_slice %arg11[%mul3A_36, %dma_wait3A_45] : memref<10240x16xf32, #tpu.memory_space<vmem_shared>> -> memref<640x16xf32, #tpu.memory_space<vmem_shared>>
      tpu.wait_dma2 semaphore(%run_scoped3A : memref<!tpu.dma_semaphore, #tpu.memory_space<semaphore_mem>>) src(%dma_wait3A_46 : memref<640x16xf32, #tpu.memory_space<vmem_shared>>) dst(%dma_wait3A_44 : memref<640x16xf32, #tpu.memory_space<hbm>>)
      tpu.yield
    }) : () -> ()
    return
  }
}

module attributes {stable_mosaic.version = 14 : i64} {
  func.func @body(%arg0: i32, %arg1: memref<1000x128xf32, #tpu.memory_space<vmem>>, %arg2: memref<128x128xf32, #tpu.memory_space<vmem>>, %arg3: memref<1000x64xf32, #tpu.memory_space<vmem>>, %arg4: memref<1000x64xf32, #tpu.memory_space<vmem>>) attributes {dimension_semantics = [#tpu.dimension_semantics<arbitrary>], iteration_bounds = array<i64: 10>, scalar_prefetch = 0 : i64, scratch_operands = 0 : i64, tpu.core_type = #tpu.core_type<tc>, window_params = [{transform_indices = @transform_0, window_bounds = array<i64: 1000, 128>}, {pipeline_mode = #tpu.pipeline_mode<synchronous>, transform_indices = @transform_1, window_bounds = array<i64: 128, 128>}, {transform_indices = @transform_2, window_bounds = array<i64: 1000, 64>}, {transform_indices = @transform_3, window_bounds = array<i64: 1000, 64>}]} {
    %get3A = arith.constant 0 : index
    %get3A_0 = arith.constant 0 : index
    %get3A_1 = vector.load %arg1[%get3A, %get3A_0] : memref<1000x128xf32, #tpu.memory_space<vmem>>, vector<1000x128xf32>
    %get3A_2 = arith.constant 0 : index
    %get3A_3 = arith.constant 0 : index
    %get3A_4 = vector.load %arg2[%get3A_2, %get3A_3] : memref<128x128xf32, #tpu.memory_space<vmem>>, vector<128x128xf32>
    %dot_general3A = arith.constant dense<0.000000e+00> : vector<1000x128xf32>
    %dot_general3A_5 = tpu.matmul %get3A_1, %get3A_4, %dot_general3A {dimension_numbers = #tpu.dot_dimension_numbers<[1], [1], [0], [0], [0, 0, 1, 0], [], []>, transpose_lhs_hint = false} : vector<1000x128xf32>, vector<128x128xf32>, vector<1000x128xf32> -> vector<1000x128xf32>
    %slice3A = vector.extract_strided_slice %dot_general3A_5 {offsets = [0, 0], sizes = [1000, 64], strides = [1, 1]} : vector<1000x128xf32> to vector<1000x64xf32>
    %swap3A = arith.constant 0 : index
    %swap3A_6 = arith.constant 0 : index
    %swap3A_7 = vector.load %arg3[%swap3A, %swap3A_6] : memref<1000x64xf32, #tpu.memory_space<vmem>>, vector<1000x64xf32>
    tpu.vector_store %arg3[%swap3A, %swap3A_6], %slice3A {strides = array<i32>} : memref<1000x64xf32, #tpu.memory_space<vmem>>, vector<1000x64xf32>,
    %slice3A_8 = vector.extract_strided_slice %dot_general3A_5 {offsets = [0, 64], sizes = [1000, 64], strides = [1, 1]} : vector<1000x128xf32> to vector<1000x64xf32>
    %swap3A_9 = arith.constant 0 : index
    %swap3A_10 = arith.constant 0 : index
    %swap3A_11 = vector.load %arg4[%swap3A_9, %swap3A_10] : memref<1000x64xf32, #tpu.memory_space<vmem>>, vector<1000x64xf32>
    tpu.vector_store %arg4[%swap3A_9, %swap3A_10], %slice3A_8 {strides = array<i32>} : memref<1000x64xf32, #tpu.memory_space<vmem>>, vector<1000x64xf32>,
    return
  }
  func.func @transform_0(%arg0: i32) -> (i32, i32) {
    %c0_i32 = arith.constant 0 : i32
    %c0_i32_0 = arith.constant 0 : i32
    return %arg0, %c0_i32 : i32, i32
  }
  func.func @transform_1(%arg0: i32) -> (i32, i32) {
    %c0_i32 = arith.constant 0 : i32
    %c0_i32_0 = arith.constant 0 : i32
    %c0_i32_1 = arith.constant 0 : i32
    return %c0_i32, %c0_i32_0 : i32, i32
  }
  func.func @transform_2(%arg0: i32) -> (i32, i32) {
    %c0_i32 = arith.constant 0 : i32
    %c0_i32_0 = arith.constant 0 : i32
    return %arg0, %c0_i32 : i32, i32
  }
  func.func @transform_3(%arg0: i32) -> (i32, i32) {
    %c0_i32 = arith.constant 0 : i32
    %c0_i32_0 = arith.constant 0 : i32
    return %arg0, %c0_i32 : i32, i32
  }
}

module attributes {stable_mosaic.version = 14 : i64} {
  func.func @body(%arg0: i32, %arg1: memref<2x1000x64xf32, #tpu.memory_space<vmem>>, %arg2: memref<2x1000x16xf32, #tpu.memory_space<vmem>>, %arg3: memref<1000x64xf32, #tpu.memory_space<vmem>>, %arg4: memref<1x64xf32, #tpu.memory_space<vmem>>, %arg5: memref<32x64xf32, #tpu.memory_space<vmem>>, %arg6: memref<1000x16xf32, #tpu.memory_space<vmem>>, %arg7: memref<1000x2xf32, #tpu.memory_space<vmem>>) attributes {dimension_semantics = [#tpu.dimension_semantics<arbitrary>], iteration_bounds = array<i64: 10>, scalar_prefetch = 0 : i64, scratch_operands = 0 : i64, tpu.core_type = #tpu.core_type<tc>, window_params = [{transform_indices = @transform_0, window_bounds = array<i64: 2, 1000, 64>}, {transform_indices = @transform_1, window_bounds = array<i64: 2, 1000, 16>}, {transform_indices = @transform_2, window_bounds = array<i64: 1000, 64>}, {pipeline_mode = #tpu.pipeline_mode<synchronous>, transform_indices = @transform_3, window_bounds = array<i64: 1, 64>}, {pipeline_mode = #tpu.pipeline_mode<synchronous>, transform_indices = @transform_4, window_bounds = array<i64: 32, 64>}, {transform_indices = @transform_5, window_bounds = array<i64: 1000, 16>}, {transform_indices = @transform_6, window_bounds = array<i64: 1000, 2>}]} {
    %get3A = arith.constant 0 : index
    %get3A_0 = arith.constant 0 : index
    %get3A_1 = arith.constant 0 : index
    %get3A_2 = vector.load %arg1[%get3A, %get3A_0, %get3A_1] : memref<2x1000x64xf32, #tpu.memory_space<vmem>>, vector<2x1000x64xf32>
    %get3A_3 = arith.constant 0 : index
    %get3A_4 = arith.constant 0 : index
    %get3A_5 = arith.constant 0 : index
    %get3A_6 = vector.load %arg2[%get3A_3, %get3A_4, %get3A_5] : memref<2x1000x16xf32, #tpu.memory_space<vmem>>, vector<2x1000x16xf32>
    %slice3A = vector.extract_strided_slice %get3A_2 {offsets = [0, 0, 0], sizes = [1, 1000, 64], strides = [1, 1, 1]} : vector<2x1000x64xf32> to vector<1x1000x64xf32>
    %squeeze3A = vector.shape_cast %slice3A : vector<1x1000x64xf32> to vector<1000x64xf32>
    %slice3A_7 = vector.extract_strided_slice %get3A_2 {offsets = [1, 0, 0], sizes = [1, 1000, 64], strides = [1, 1, 1]} : vector<2x1000x64xf32> to vector<1x1000x64xf32>
    %squeeze3A_8 = vector.shape_cast %slice3A_7 : vector<1x1000x64xf32> to vector<1000x64xf32>
    %add3A = arith.addf %squeeze3A, %squeeze3A_8 : vector<1000x64xf32>
    %slice3A_9 = vector.extract_strided_slice %get3A_6 {offsets = [0, 0, 0], sizes = [1, 1000, 1], strides = [1, 1, 1]} : vector<2x1000x16xf32> to vector<1x1000x1xf32>
    %squeeze3A_10 = vector.shape_cast %slice3A_9 : vector<1x1000x1xf32> to vector<1000x1xf32>
    %slice3A_11 = vector.extract_strided_slice %get3A_6 {offsets = [1, 0, 0], sizes = [1, 1000, 1], strides = [1, 1, 1]} : vector<2x1000x16xf32> to vector<1x1000x1xf32>
    %squeeze3A_12 = vector.shape_cast %slice3A_11 : vector<1x1000x1xf32> to vector<1000x1xf32>
    %add3A_13 = arith.addf %squeeze3A_10, %squeeze3A_12 : vector<1000x1xf32>
    %max3A = arith.constant 1.000000e+00 : f32
    %max3A_14 = vector.broadcast %max3A : f32 to vector<1000x1xf32>
    %max3A_15 = arith.maximumf %add3A_13, %max3A_14 : vector<1000x1xf32>
    %div3A = vector.broadcast %max3A_15 : vector<1000x1xf32> to vector<1000x64xf32>
    %div3A_16 = arith.divf %add3A, %div3A : vector<1000x64xf32>
    %get3A_17 = arith.constant 0 : index
    %get3A_18 = arith.constant 0 : index
    %get3A_19 = vector.load %arg3[%get3A_17, %get3A_18] : memref<1000x64xf32, #tpu.memory_space<vmem>>, vector<1000x64xf32>
    %add3A_20 = arith.addf %div3A_16, %get3A_19 : vector<1000x64xf32>
    %get3A_21 = arith.constant 0 : index
    %get3A_22 = arith.constant 0 : index
    %get3A_23 = vector.load %arg4[%get3A_21, %get3A_22] : memref<1x64xf32, #tpu.memory_space<vmem>>, vector<1x64xf32>
    %add3A_24 = vector.broadcast %get3A_23 : vector<1x64xf32> to vector<1000x64xf32>
    %add3A_25 = arith.addf %add3A_20, %add3A_24 : vector<1000x64xf32>
    %max3A_26 = arith.constant 0.000000e+00 : f32
    %max3A_27 = vector.broadcast %max3A_26 : f32 to vector<1000x64xf32>
    %max3A_28 = arith.maximumf %add3A_25, %max3A_27 : vector<1000x64xf32>
    %get3A_29 = arith.constant 0 : index
    %get3A_30 = arith.constant 0 : index
    %get3A_31 = vector.load %arg5[%get3A_29, %get3A_30] : memref<32x64xf32, #tpu.memory_space<vmem>>, vector<32x64xf32>
    %dot_general3A = arith.constant dense<0.000000e+00> : vector<1000x32xf32>
    %dot_general3A_32 = tpu.matmul %max3A_28, %get3A_31, %dot_general3A {dimension_numbers = #tpu.dot_dimension_numbers<[1], [1], [0], [0], [0, 0, 1, 0], [], []>, transpose_lhs_hint = false} : vector<1000x64xf32>, vector<32x64xf32>, vector<1000x32xf32> -> vector<1000x32xf32>
    %slice3A_33 = vector.extract_strided_slice %dot_general3A_32 {offsets = [0, 0], sizes = [1000, 16], strides = [1, 1]} : vector<1000x32xf32> to vector<1000x16xf32>
    %swap3A = arith.constant 0 : index
    %swap3A_34 = arith.constant 0 : index
    %swap3A_35 = vector.load %arg6[%swap3A, %swap3A_34] : memref<1000x16xf32, #tpu.memory_space<vmem>>, vector<1000x16xf32>
    tpu.vector_store %arg6[%swap3A, %swap3A_34], %slice3A_33 {strides = array<i32>} : memref<1000x16xf32, #tpu.memory_space<vmem>>, vector<1000x16xf32>,
    %slice3A_36 = vector.extract_strided_slice %dot_general3A_32 {offsets = [0, 16], sizes = [1000, 2], strides = [1, 1]} : vector<1000x32xf32> to vector<1000x2xf32>
    %swap3A_37 = arith.constant 0 : index
    %swap3A_38 = arith.constant 0 : index
    %swap3A_39 = vector.load %arg7[%swap3A_37, %swap3A_38] : memref<1000x2xf32, #tpu.memory_space<vmem>>, vector<1000x2xf32>
    tpu.vector_store %arg7[%swap3A_37, %swap3A_38], %slice3A_36 {strides = array<i32>} : memref<1000x2xf32, #tpu.memory_space<vmem>>, vector<1000x2xf32>,
    return
  }
  func.func @transform_0(%arg0: i32) -> (i32, i32, i32) {
    %c0_i32 = arith.constant 0 : i32
    %c0_i32_0 = arith.constant 0 : i32
    %c0_i32_1 = arith.constant 0 : i32
    return %c0_i32, %arg0, %c0_i32_0 : i32, i32, i32
  }
  func.func @transform_1(%arg0: i32) -> (i32, i32, i32) {
    %c0_i32 = arith.constant 0 : i32
    %c0_i32_0 = arith.constant 0 : i32
    %c0_i32_1 = arith.constant 0 : i32
    return %c0_i32, %arg0, %c0_i32_0 : i32, i32, i32
  }
  func.func @transform_2(%arg0: i32) -> (i32, i32) {
    %c0_i32 = arith.constant 0 : i32
    %c0_i32_0 = arith.constant 0 : i32
    return %arg0, %c0_i32 : i32, i32
  }
  func.func @transform_3(%arg0: i32) -> (i32, i32) {
    %c0_i32 = arith.constant 0 : i32
    %c0_i32_0 = arith.constant 0 : i32
    %c0_i32_1 = arith.constant 0 : i32
    return %c0_i32, %c0_i32_0 : i32, i32
  }
  func.func @transform_4(%arg0: i32) -> (i32, i32) {
    %c0_i32 = arith.constant 0 : i32
    %c0_i32_0 = arith.constant 0 : i32
    %c0_i32_1 = arith.constant 0 : i32
    return %c0_i32, %c0_i32_0 : i32, i32
  }
  func.func @transform_5(%arg0: i32) -> (i32, i32) {
    %c0_i32 = arith.constant 0 : i32
    %c0_i32_0 = arith.constant 0 : i32
    return %arg0, %c0_i32 : i32, i32
  }
  func.func @transform_6(%arg0: i32) -> (i32, i32) {
    %c0_i32 = arith.constant 0 : i32
    %c0_i32_0 = arith.constant 0 : i32
    return %arg0, %c0_i32 : i32, i32
  }
}

module attributes {stable_mosaic.version = 14 : i64} {
  func.func @body(%arg0: i32, %arg1: memref<2x1000x16xf32, #tpu.memory_space<vmem>>, %arg2: memref<2x1000x16xf32, #tpu.memory_space<vmem>>, %arg3: memref<1000x2xf32, #tpu.memory_space<vmem>>, %arg4: memref<1x2xf32, #tpu.memory_space<vmem>>, %arg5: memref<1000x2xf32, #tpu.memory_space<vmem>>) attributes {dimension_semantics = [#tpu.dimension_semantics<arbitrary>], iteration_bounds = array<i64: 10>, scalar_prefetch = 0 : i64, scratch_operands = 0 : i64, tpu.core_type = #tpu.core_type<tc>, window_params = [{transform_indices = @transform_0, window_bounds = array<i64: 2, 1000, 16>}, {transform_indices = @transform_1, window_bounds = array<i64: 2, 1000, 16>}, {transform_indices = @transform_2, window_bounds = array<i64: 1000, 2>}, {pipeline_mode = #tpu.pipeline_mode<synchronous>, transform_indices = @transform_3, window_bounds = array<i64: 1, 2>}, {transform_indices = @transform_4, window_bounds = array<i64: 1000, 2>}]} {
    %get3A = arith.constant 0 : index
    %get3A_0 = arith.constant 0 : index
    %get3A_1 = arith.constant 0 : index
    %get3A_2 = vector.load %arg1[%get3A, %get3A_0, %get3A_1] : memref<2x1000x16xf32, #tpu.memory_space<vmem>>, vector<2x1000x16xf32>
    %get3A_3 = arith.constant 0 : index
    %get3A_4 = arith.constant 0 : index
    %get3A_5 = arith.constant 0 : index
    %get3A_6 = vector.load %arg2[%get3A_3, %get3A_4, %get3A_5] : memref<2x1000x16xf32, #tpu.memory_space<vmem>>, vector<2x1000x16xf32>
    %slice3A = vector.extract_strided_slice %get3A_2 {offsets = [0, 0, 0], sizes = [1, 1000, 16], strides = [1, 1, 1]} : vector<2x1000x16xf32> to vector<1x1000x16xf32>
    %squeeze3A = vector.shape_cast %slice3A : vector<1x1000x16xf32> to vector<1000x16xf32>
    %slice3A_7 = vector.extract_strided_slice %get3A_2 {offsets = [1, 0, 0], sizes = [1, 1000, 16], strides = [1, 1, 1]} : vector<2x1000x16xf32> to vector<1x1000x16xf32>
    %squeeze3A_8 = vector.shape_cast %slice3A_7 : vector<1x1000x16xf32> to vector<1000x16xf32>
    %add3A = arith.addf %squeeze3A, %squeeze3A_8 : vector<1000x16xf32>
    %slice3A_9 = vector.extract_strided_slice %get3A_6 {offsets = [0, 0, 0], sizes = [1, 1000, 1], strides = [1, 1, 1]} : vector<2x1000x16xf32> to vector<1x1000x1xf32>
    %squeeze3A_10 = vector.shape_cast %slice3A_9 : vector<1x1000x1xf32> to vector<1000x1xf32>
    %slice3A_11 = vector.extract_strided_slice %get3A_6 {offsets = [1, 0, 0], sizes = [1, 1000, 1], strides = [1, 1, 1]} : vector<2x1000x16xf32> to vector<1x1000x1xf32>
    %squeeze3A_12 = vector.shape_cast %slice3A_11 : vector<1x1000x1xf32> to vector<1000x1xf32>
    %add3A_13 = arith.addf %squeeze3A_10, %squeeze3A_12 : vector<1000x1xf32>
    %slice3A_14 = vector.extract_strided_slice %add3A {offsets = [0, 0], sizes = [1000, 2], strides = [1, 1]} : vector<1000x16xf32> to vector<1000x2xf32>
    %max3A = arith.constant 1.000000e+00 : f32
    %max3A_15 = vector.broadcast %max3A : f32 to vector<1000x1xf32>
    %max3A_16 = arith.maximumf %add3A_13, %max3A_15 : vector<1000x1xf32>
    %div3A = vector.broadcast %max3A_16 : vector<1000x1xf32> to vector<1000x2xf32>
    %div3A_17 = arith.divf %slice3A_14, %div3A : vector<1000x2xf32>
    %get3A_18 = arith.constant 0 : index
    %get3A_19 = arith.constant 0 : index
    %get3A_20 = vector.load %arg3[%get3A_18, %get3A_19] : memref<1000x2xf32, #tpu.memory_space<vmem>>, vector<1000x2xf32>
    %add3A_21 = arith.addf %div3A_17, %get3A_20 : vector<1000x2xf32>
    %get3A_22 = arith.constant 0 : index
    %get3A_23 = arith.constant 0 : index
    %get3A_24 = vector.load %arg4[%get3A_22, %get3A_23] : memref<1x2xf32, #tpu.memory_space<vmem>>, vector<1x2xf32>
    %add3A_25 = vector.broadcast %get3A_24 : vector<1x2xf32> to vector<1000x2xf32>
    %add3A_26 = arith.addf %add3A_21, %add3A_25 : vector<1000x2xf32>
    %reduce_max3A = arith.constant dense<0xFF800000> : vector<1000xf32>
    %reduce_max3A_27 = vector.multi_reduction <maximumf>, %add3A_26, %reduce_max3A [1] : vector<1000x2xf32> to vector<1000xf32>
    %broadcast_in_dim3A = vector.shape_cast %reduce_max3A_27 : vector<1000xf32> to vector<1000x1xf32>
    %sub3A = vector.broadcast %broadcast_in_dim3A : vector<1000x1xf32> to vector<1000x2xf32>
    %sub3A_28 = arith.subf %add3A_26, %sub3A : vector<1000x2xf32>
    %exp3A = math.exp %sub3A_28 : vector<1000x2xf32>
    %reduce_sum3A = arith.constant dense<0.000000e+00> : vector<1000xf32>
    %reduce_sum3A_29 = vector.multi_reduction <add>, %exp3A, %reduce_sum3A [1] : vector<1000x2xf32> to vector<1000xf32>
    %broadcast_in_dim3A_30 = vector.shape_cast %reduce_sum3A_29 : vector<1000xf32> to vector<1000x1xf32>
    %log3A = math.log %broadcast_in_dim3A_30 : vector<1000x1xf32>
    %sub3A_31 = vector.broadcast %broadcast_in_dim3A : vector<1000x1xf32> to vector<1000x2xf32>
    %sub3A_32 = arith.subf %add3A_26, %sub3A_31 : vector<1000x2xf32>
    %sub3A_33 = vector.broadcast %log3A : vector<1000x1xf32> to vector<1000x2xf32>
    %sub3A_34 = arith.subf %sub3A_32, %sub3A_33 : vector<1000x2xf32>
    %swap3A = arith.constant 0 : index
    %swap3A_35 = arith.constant 0 : index
    %swap3A_36 = vector.load %arg5[%swap3A, %swap3A_35] : memref<1000x2xf32, #tpu.memory_space<vmem>>, vector<1000x2xf32>
    tpu.vector_store %arg5[%swap3A, %swap3A_35], %sub3A_34 {strides = array<i32>} : memref<1000x2xf32, #tpu.memory_space<vmem>>, vector<1000x2xf32>,
    return
  }
  func.func @transform_0(%arg0: i32) -> (i32, i32, i32) {
    %c0_i32 = arith.constant 0 : i32
    %c0_i32_0 = arith.constant 0 : i32
    %c0_i32_1 = arith.constant 0 : i32
    return %c0_i32, %arg0, %c0_i32_0 : i32, i32, i32
  }
  func.func @transform_1(%arg0: i32) -> (i32, i32, i32) {
    %c0_i32 = arith.constant 0 : i32
    %c0_i32_0 = arith.constant 0 : i32
    %c0_i32_1 = arith.constant 0 : i32
    return %c0_i32, %arg0, %c0_i32_0 : i32, i32, i32
  }
  func.func @transform_2(%arg0: i32) -> (i32, i32) {
    %c0_i32 = arith.constant 0 : i32
    %c0_i32_0 = arith.constant 0 : i32
    return %arg0, %c0_i32 : i32, i32
  }
  func.func @transform_3(%arg0: i32) -> (i32, i32) {
    %c0_i32 = arith.constant 0 : i32
    %c0_i32_0 = arith.constant 0 : i32
    %c0_i32_1 = arith.constant 0 : i32
    return %c0_i32, %c0_i32_0 : i32, i32
  }
  func.func @transform_4(%arg0: i32) -> (i32, i32) {
    %c0_i32 = arith.constant 0 : i32
    %c0_i32_0 = arith.constant 0 : i32
    return %arg0, %c0_i32 : i32, i32
  }
}

</mosaic_0001>

<sc_bundles>
// kernel: kernel.10.cloned.1.call-start
scs
__scs_entry_jumppad:
0x0: {  	(pc) =	sbr.rel $0x88, $3  }
0x1: {  	(tag) =	ssettag $0x0;
	lr =	simm.s32 $0x1  }
0x2: {  	[smem:$0x3F99] =	sst lr;
	_ =	strace $0xD0000000  }
0x3: {  	_ = 	snop  }
0x4: {  	_ = 	snop  }
0x5: {  	_ = 	snop  }
0x6: {  	_ = 	snop  }
0x7: {  	_ = 	snop  }
__scs_overlays_trampoline_lowered:
0x8: {  	[smem:$0x3FA8] =	sst s0  }
0x9: {  	[smem:$0x3FA9] =	sst s1  }
0xa: {  	[smem:$0x3FAA] =	sst s2  }
0xb: {  	[smem:$0x3FAB] =	sst s3  }
0xc: {  	[smem:$0x3FAC] =	sst s4  }
0xd: {  	[smem:$0x3FAD] =	sst s5  }
0xe: {  	[smem:$0x3FAE] =	sst s6  }
0xf: {  	[smem:$0x3FAF] =	sst s7  }
0x10: {  	[smem:$0x3FB0] =	sst s8  }
0x11: {  	[smem:$0x3FB1] =	sst s9;
	s0 =	simm.s32 @!p0 $0x0  }
0x12: {  	s1 =	sld [smem:$0x3F97];
	s0 =	simm.s32 @p0 $0x1  }
0x13: {  	[smem:$0x3FB2] =	sst s0;
	s0 =	simm.s32 @!p1 $0x0  }
0x14: {  	s2 =	sld [smem:$0x3F96];
	s0 =	simm.s32 @p1 $0x1  }
0x15: {  	[smem:$0x3FB3] =	sst s0;
	s0 =	simm.s32 @!p2 $0x0  }
0x16: {  	s3 =	sld [smem:$0x3FDB];
	s0 =	simm.s32 @p2 $0x1  }
0x17: {  	s4 =	simm.s32 $0x1BF5;
	[smem:$0x3FB5] =	sst s0  }
0x18: {  	s0 =	sld [smem:$0x3F98];
	_ =	swait.ge [sflag:s4], $0x0  }
0x19: {  	s7 =	sld [smem:$0x3F99]  }
0x1a: {  	s8 =	sadd.s32 $0xFFFFE003, lr  }
0x1b: {  	s9 =	sadd.s32 $0xFFFFFEF7, lr;
	s5 =	simm.s32 $0xFFFFFFFF;
	p2 =	slt.u32 s8, $0xFFFFF086  }
0x1c: {  	p1 =	slt.u32 s9, $0xF7A;
	s5 =	simm.s32 @!p2 $0x0  }
0x1d: {  	s5 =	simm.s32 @p1 $0x1;
	p0 =	seq.s32 s7, s2  }
0x1e: {  	s7 =	smul.u32 @!p0 $0xF7A, s2;
	p2 =	seq.s32 @!p0 s5, $0x0  }
0x1f: {  	s9 =	smul.u32 $0xF7A, s1;
	s8 =	simm.s32 @!p0 $0x1BF5;
	p2 =	por !p2, p0  }
0x20: {  	[sflag:s8] =	ssyncset.s32 @!p0 $0xFFFFF086;
	s6 =	sadd.s32 @!p0 s3, s7;
	s7 =	simm.s32 @!p0 $0x108  }
0x21: {  	s3 =	sadd.s32 s3, s9;
	s6 =	sadd.s32 @!p0 $0x88, s6;
	s7 =	simm.s32 @p2 $0x1082  }
0x22: {  	[simem:s7], [sflag:s8] =	dma.local @!p0 [hbm:s6], $0xF7A  }
0x23: {  	s9 =	sor.u32 $0xD0000000, s2;
	s6 =	simm.s32 $0x108;
	_ =	swait.ge @!p0 [sflag:s8], $0x0  }
0x24: {  	s3 =	sadd.s32 $0x88, s3;
	s6 =	simm.s32 @!p1 $0x1082;
	[sflag:s4] =	ssyncset.s32 $0xFFFFF086  }
0x25: {  	[simem:s6], [sflag:s4] =	dma.local [hbm:s3], $0xF7A  }
0x26: {  	[smem:$0x3F99] =	sst s1;
	(tag) =	ssettag s2;
	_ =	strace s9  }
0x27: {  	s1 =	sld [smem:$0x3FA9]  }
0x28: {  	s2 =	sld [smem:$0x3FAA]  }
0x29: {  	s4 =	sld [smem:$0x3FAC]  }
0x2a: {  	p0 =	seq.s32 s5, $0x0;
	s5 =	sld [smem:$0x3FAD]  }
0x2b: {  	s6 =	sld [smem:$0x3FAE]  }
0x2c: {  	s7 =	sld [smem:$0x3FAF]  }
0x2d: {  	s3 =	simm.s32 $0x108;
	s8 =	sld [smem:$0x3FB0]  }
0x2e: {  	s3 =	simm.s32 @!p0 $0x1082;
	s9 =	sld [smem:$0x3FB1]  }
0x2f: {  	lr =	sadd.s32 s0, s3;
	s0 =	sld [smem:$0x3FA8]  }
0x30: {  	s3 =	sld [smem:$0x3FAB]  }
0x31: {  	[smem:$0x3FB4] =	sst s10  }
0x32: {  	s10 =	sld [smem:$0x3FB2];
	_ =	sdelay $0x3  }
0x33: {  	p0 =	seq.s32 s10, $0x1;
	s10 =	sld [smem:$0x3FB4];
	_ =	sdelay $0x3  }
0x34: {  	[smem:$0x3FB4] =	sst s10  }
0x35: {  	s10 =	sld [smem:$0x3FB3];
	_ =	sdelay $0x3  }
0x36: {  	p1 =	seq.s32 s10, $0x1;
	s10 =	sld [smem:$0x3FB4];
	_ =	sdelay $0x3  }
0x37: {  	[smem:$0x3FB4] =	sst s10  }
0x38: {  	s10 =	sld [smem:$0x3FB5]  }
0x39: {  	_ = 	snop;
	(pc) =	sbr.ind lr, $3  }
0x3a: {  	_ = 	snop  }
0x3b: {  	_ = 	snop  }
0x3c: {  	p2 =	seq.s32 s10, $0x1;
	s10 =	sld [smem:$0x3FB4]  }
0x3d: {  	_ =	shalt  }
0x3e: {  	_ =	shalt  }
0x3f: {  	_ =	shalt  }
0x40: {  	_ =	shalt  }
0x41: {  	_ =	shalt  }
0x42: {  	_ =	shalt  }
0x43: {  	_ =	shalt  }
0x44: {  	_ =	shalt  }
0x45: {  	_ =	shalt  }
0x46: {  	_ =	shalt  }
0x47: {  	_ =	shalt  }
0x48: {  	_ =	shalt  }
0x49: {  	_ =	shalt  }
0x4a: {  	_ =	shalt  }
0x4b: {  	_ =	shalt  }
0x4c: {  	_ =	shalt  }
0x4d: {  	_ =	shalt  }
0x4e: {  	_ =	shalt  }
0x4f: {  	_ =	shalt  }
0x50: {  	_ =	shalt  }
0x51: {  	_ =	shalt  }
0x52: {  	_ =	shalt  }
0x53: {  	_ =	shalt  }
0x54: {  	_ =	shalt  }
0x55: {  	_ =	shalt  }
0x56: {  	_ =	shalt  }
0x57: {  	_ =	shalt  }
0x58: {  	_ =	shalt  }
0x59: {  	_ =	shalt  }
0x5a: {  	_ =	shalt  }
0x5b: {  	_ =	shalt  }
0x5c: {  	_ =	shalt  }
0x5d: {  	_ =	shalt  }
0x5e: {  	_ =	shalt  }
0x5f: {  	_ =	shalt  }
0x60: {  	_ =	shalt  }
0x61: {  	_ =	shalt  }
0x62: {  	_ =	shalt  }
0x63: {  	_ =	shalt  }
0x64: {  	_ =	shalt  }
0x65: {  	_ =	shalt  }
0x66: {  	_ =	shalt  }
0x67: {  	_ =	shalt  }
0x68: {  	_ =	shalt  }
0x69: {  	_ =	shalt  }
0x6a: {  	_ =	shalt  }
0x6b: {  	_ =	shalt  }
0x6c: {  	_ =	shalt  }
0x6d: {  	_ =	shalt  }
0x6e: {  	_ =	shalt  }
0x6f: {  	_ =	shalt  }
0x70: {  	_ =	shalt  }
0x71: {  	_ =	shalt  }
0x72: {  	_ =	shalt  }
0x73: {  	_ =	shalt  }
0x74: {  	_ =	shalt  }
0x75: {  	_ =	shalt  }
0x76: {  	_ =	shalt  }
0x77: {  	_ =	shalt  }
0x78: {  	_ =	shalt  }
0x79: {  	_ =	shalt  }
0x7a: {  	_ =	shalt  }
0x7b: {  	_ =	shalt  }
0x7c: {  	_ =	shalt  }
0x7d: {  	_ =	shalt  }
0x7e: {  	_ =	shalt  }
0x7f: {  	_ =	shalt  }
0x80: {  	_ =	shalt  }
0x81: {  	_ =	shalt  }
0x82: {  	_ =	shalt  }
0x83: {  	_ =	shalt  }
0x84: {  	_ =	shalt  }
0x85: {  	_ =	shalt  }
0x86: {  	_ =	shalt  }
0x87: {  	_ =	shalt  }
.Lfunc_end0:
.L_simem_size_0:
called_computation.1_lowered:
.L_overlay_start_0:
0x88: {  	s2 =	sld [smem:$0x3FD9]  }
0x89: {  	s3 =	sld [smem:$0x3FFE];
	_ =	sdelay $0x1  }
0x8a: {  	s1 =	srdreg.scid  }
0x8b: {  	s0 =	sand.u32 $0x1, s1  }
0x8c: {  	s16 =	sshll.u32 s0, $0xA;
	s2 =	sadd.s32 s3, s2  }
0x8d: {  	s2 =	sadd.s32 s2, s16  }
0x8e: {  	[smem:$0x3FC0] =	sst s2  }
0x8f: {  	_ = 	snop  }
0x90: {  	(tm) =	ssettm $0x1  }
0x91: {  	s17 =	sld [smem:$0x3FFB];
	_ =	sdelay $0x3  }
0x92: {  	_ =	strace s17  }
0x93: {  	s2 =	sld [smem:$0x3FFC];
	_ =	sdelay $0x3  }
0x94: {  	_ =	strace s2  }
0x95: {  	s2 =	sld [smem:$0x3FFD];
	_ =	sdelay $0x3  }
0x96: {  	_ =	strace s2  }
0x97: {  	_ =	strace $0x8FFFFFFF  }
0x98: {  	s18 =	sld [smem:$0x3FDB];
	_ =	sdelay $0x1  }
0x99: {  	s19 =	simm.s32 $_scs_section_size  }
0x9a: {  	s4 =	simm.s32 $_size__tile_overlayer_lowered;
	s5 =	simm.s32 $_tile_overlayer_lowered  }
0x9b: {  	s22 =	simm.s32 $0x1BFF;
	s21 =	sshll.u32 s5, $0x1;
	s2 =	sadd.s32 s19, s18  }
0x9c: {  	s6 =	simm.s32 $0x0;
	s20 =	sshll.u32 s4, $0x1;
	s4 =	sadd.s32 s21, s2  }
0x9d: {  	[timem:s6], [sflag:s22] =	dma.local [hbm:s4], s20  }
0x9e: {  	_ =	swait.ge [sflag:s22], s20  }
0x9f: {  	s3 =	ssub.s32 $0x0, s20;
	[sflag:s22] =	ssyncset.done $0x0  }
0xa0: {  	[sflag:s22] =	ssyncadd.s32 s3;
	_ =	sdelay $0x1  }
0xa1: {  	s23 =	simm.s32 $0x1B8B  }
0xa2: {  	_ =	swait.ge [sflag:s23], $0x1  }
0xa3: {  	[sflag:s23] =	ssyncset.done $0x0  }
0xa4: {  	s25 =	simm.s32 $0x1B8E;
	s24 =	sld [smem:$0x3FFE];
	[sflag:s23] =	ssyncadd.s32 $0xFFFFFFFF  }
0xa5: {  	s26 =	simm.s32 $execute0_lowered;
	[smem:$0x3FD2] =	sst s25  }
0xa6: {  	s4 =	sshll.u32 s26, $0x1;
	_ =	strace $0x80000049;
	[dreg:$0x1] =	wrdreg $0xFFFFFFFF  }
0xa7: {  	s28 =	simm.s32 $_size_execute0_lowered;
	s2 =	sadd.s32 s2, s4;
	[dreg:$0x0] =	wrdreg $0x0  }
0xa8: {  	s4 =	sshll.u32 s28, $0x1;
	[dreg:$0x2] =	wrdreg s2  }
0xa9: {  	[dreg:$0x3] =	wrdreg s4  }
0xaa: {  	[dreg:$0x4] =	wrdreg $0xC0  }
0xab: {  	_ =	task [dreg:s6], $0x5FFFF  }
0xac: {  	[dreg:$0x1] =	wrdreg $0xFFFFFFFF  }
0xad: {  	[dreg:$0x0] =	wrdreg $0x60  }
0xae: {  	[dreg:$0x2] =	wrdreg s24  }
0xaf: {  	[dreg:$0x3] =	wrdreg $0x20000  }
0xb0: {  	[dreg:$0x4] =	wrdreg $0x9  }
0xb1: {  	_ =	task.clear_ibuf [dreg:s6], $0x5FFFF;
	_ =	strace $0x90000049  }
0xb2: {  	s29 =	simm.s32 $0x9;
	_ =	strace $0x8000004B  }
0xb3: {  	_ =	swait.ge [sflag:s29], $0x1  }
0xb4: {  	[sflag:s29] =	ssyncadd.s32 $0xFFFFFFFF  }
0xb5: {  	_ =	strace $0x9000004B  }
0xb6: {  	_ =	sfence  }
0xb7: {  	s30 =	sld [smem:$0x0];
	_ =	sdelay $0x2  }
0xb8: {  	s31 =	sshll.u32 s1, $0xD;
	s1 =	sshrl.u32 s1, $0x2  }
0xb9: {  	s3 =	sand.u32 $0x4000, s31;
	s1 =	sadd.s32 s1, s30  }
0xba: {  	s0 =	sor.u32 s3, s0;
	s1 =	sshll.u32 s1, $0x11  }
0xbb: {  	s0 =	sor.u32 s1, s0  }
0xbc: {  	s0 =	sadd.s32 $0x8F2B, s0  }
0xbd: {  	[sflag:s0] =	ssyncadd.remote.s32 $0x1  }
0xbe: {  	_ =	sfence.sel $0xFFFF  }
0xbf: {  	[dreg:$0x0] =	wrdreg $0xFFFFFFFF;
	(pc) =	sbr.abs _section_cstart, $3  }
0xc0: {  	[dreg:$0x1] =	wrdreg $0xFFFFFFFF  }
0xc1: {  	_ =	task.clear_ibuf [dreg:s6], $0x2FFFF;
	_ =	strace $0x9FFFFFFF  }
0xc2: {  	(tm) =	ssettm $0x7FFFFFFF  }
0xc3: {  	_ =	shalt  }
tec
execute0_lowered:
.L_overlay_start_1:
0x0: {  	(tag) =	ssettag $0x1  }
0x1: {  	s0 =	rddreg [dreg:$0x0]  }
0x2: {  	s2 =	rddreg [dreg:$0x1]  }
0x3: {  	s8 =	stileid.u32;
	s1 =	srdreg.scid  }
0x4: {  	s3 =	simm.s32 $0x0;
	s15 =	simm.s32 $0x800;
	s16 =	simm.s32 $0x3  }
0x5: {  	s17 =	simm.s32 $0x400;
	s18 =	simm.s32 $0x80;
	s19 =	simm.s32 $0x1  }
0x6: {  	s20 =	simm.s32 $0x1000;
	s21 =	simm.s32 $0x2;
	s4 =	smul.u32 $0x68, s8  }
0x7: {  	s22 =	simm.s32 $0x100;
	s28 =	simm.s32 $0x200;
	s5 =	smul.u32 $0x38, s8  }
0x8: {  	s29 =	simm.s32 $0x580;
	s30 =	simm.s32 $0x280;
	s7 =	smul.u32 $0x2800, s8  }
0x9: {  	s31 =	simm.s32 $0x600;
	s1 =	sand.u32 $0x1, s1;
	s8 =	smul.u32 $0xA000, s8  }
0xa: {  	s10 =	simm.s32 $0x0;
	[smem:$0x7FF] =	sst s3;
	s6 =	smul.u32 $0x28000, s1  }
0xb: {  	p0 =	seq.s32 s1, $0x0;
	_ =	strace $0x8000004A;
	s1 =	ssub.s32 $0x2, s1  }
0xc: {  	s5 =	sadd.s32 $0x680, s5;
	s12 =	sshrl.u32 s1, $0x1;
	s13 =	sshrl.u32 s8, $0x2  }
0xd: {  	s14 =	sadd.s32 s7, s2;
	s8 =	simm.s32 $0x700;
	s5 =	smov.u32 @p0 s4  }
0xe: {  	s4 =	sadd.s32 $0x1400, s0;
	s6 =	sadd.s32 s7, s6;
	s1 =	ssub.s32 s1, s12  }
0xf: {  	s7 =	simm.s32 $0x380;
	s5 =	sshll.u32 s5, $0x4;
	s6 =	sshrl.u32 s6, $0x3  }
0x10: {  	s1 =	smax.u32 s1, $0x1;
	s9 =	sadd.s32 s5, s0;
	s0 =	sadd.s32 s6, s0  }
0x11: {  	s6 =	sadd.s32 s13, s2;
	[dreg:$0x4] =	wrdreg s1;
	s0 =	sadd.s32 $0x6400, s0  }
0x12: {  	s5 =	simm.s32 $0xD;
	s23 =	sadd.s32 $0x800, s6;
	[dreg:$0x3] =	wrdreg s0  }
0x13: {  	s1 =	simm.s32 $0x680;
	s24 =	sadd.s32 $0x1000, s6;
	[dreg:$0x5] =	wrdreg s23  }
0x14: {  	s5 =	simm.s32 @!p0 $0x7;
	s25 =	sadd.s32 $0x1800, s6;
	[dreg:$0x6] =	wrdreg s24  }
0x15: {  	s26 =	sadd.s32 $0x2000, s6;
	s12 =	sadd.s32 $0x14E00, s9;
	[dreg:$0x7] =	wrdreg s25  }
0x16: {  	[dreg:$0x8] =	wrdreg s26;
	s25 =	sadd.s32 $0x1EE00, s9;
	s23 =	simm.s32 $0x480  }
0x17: {  	s24 =	simm.s32 $0x180;
	s0 =	sshrl.u32 s14, $0x3;
	s26 =	simm.s32 $0x500  }
0x18: {  	v0 =	vimm.f32 $0.0e+00;
	s9 =	simm.s32 $0x780;
	[dreg:$0x9] =	wrdreg s0;
	s0 =	simm.s32 $0x300  }
.LBB2_1:
0x19: {  	s11 =	simm.s32 $0x40;
	s13 =	simm.s32 $0x0  }
.LBB2_2:
0x1a: {  	p0 =	sne.s32 s11, $0x1FC0;
	[tilespmem:s13+$0x1800] =	vst v0;
	s14 =	smov.u32 s11;
	s11 =	sadd.s32 $0x40, s11  }
.Ltmp0:
0x1b: {  	[tilespmem:s13+$0x800] =	vst v0;
	(pc) =	sbr.rel @p0 .LBB2_2-.Ltmp0, $2  }
0x1c: {  	_ =	sdelay $0x2  }
0x1d: {  	s13 =	sshra.s32 s14, $0x2  }
0x1e: {  	[tilespmem:s13+$0x1800] =	vst v0  }
0x1f: {  	[tilespmem:s13+$0x800] =	vst v0  }
0x20: {  	[spmem:s6] =	stream.linear.scatter [tilespmem:s15], [sflag:$0x3], $0x800, $0x38;
	[tilespmem:$0x4800] =	vst v63  }
0x21: {  	_ =	swait.ge [sflag:s16], $0x800  }
0x22: {  	[sflag:s16] =	ssyncset.done $0x0  }
0x23: {  	s11 =	rddreg [dreg:$0x5];
	[sflag:s16] =	ssyncadd.s32 $0xFFFFF800  }
0x24: {  	[spmem:s11] =	stream.linear.scatter [tilespmem:s15], [sflag:$0x3], $0x800, $0x38;
	[tilespmem:$0x4800] =	vst v63  }
0x25: {  	_ =	swait.ge [sflag:s16], $0x800  }
0x26: {  	[sflag:s16] =	ssyncset.done $0x0  }
0x27: {  	s14 =	rddreg [dreg:$0x6];
	[sflag:s16] =	ssyncadd.s32 $0xFFFFF800  }
0x28: {  	[spmem:s14] =	stream.linear.scatter [tilespmem:s15], [sflag:$0x3], $0x800, $0x38;
	[tilespmem:$0x4800] =	vst v63  }
0x29: {  	_ =	swait.ge [sflag:s16], $0x800  }
0x2a: {  	[sflag:s16] =	ssyncset.done $0x0  }
0x2b: {  	s13 =	rddreg [dreg:$0x7];
	[sflag:s16] =	ssyncadd.s32 $0xFFFFF800  }
0x2c: {  	[spmem:s13] =	stream.linear.scatter [tilespmem:s15], [sflag:$0x3], $0x800, $0x38;
	[tilespmem:$0x4800] =	vst v63  }
0x2d: {  	_ =	swait.ge [sflag:s16], $0x800  }
0x2e: {  	[sflag:s16] =	ssyncset.done $0x0  }
0x2f: {  	s14 =	rddreg [dreg:$0x8];
	[sflag:s16] =	ssyncadd.s32 $0xFFFFF800  }
0x30: {  	[spmem:s14] =	stream.linear.scatter [tilespmem:s15], [sflag:$0x3], $0x800, $0x38;
	[tilespmem:$0x4800] =	vst v63  }
0x31: {  	_ =	swait.ge [sflag:s16], $0x800  }
0x32: {  	[sflag:s16] =	ssyncset.done $0x0  }
0x33: {  	[sflag:s16] =	ssyncadd.s32 $0xFFFFF800  }
0x34: {  	[bflag:$0x0] =	sbarrier.arrive $0xFFFF  }
0x35: {  	[tilespmem:s3], [sflag:$0x3] =	stream.linear.gather [hbm4b:s25+s3], $0x400, $0x38;
	[tilespmem:$0x4800] =	vst v63  }
0x36: {  	_ =	swait.ge [sflag:s16], $0x400  }
0x37: {  	[sflag:s16] =	ssyncset.done $0x0  }
0x38: {  	[sflag:s16] =	ssyncadd.s32 $0xFFFFFC00  }
0x39: {  	[tilespmem:s17], [sflag:$0x3] =	stream.linear.gather [hbm4b:s12+s3], $0x400, $0x38;
	[tilespmem:$0x4800] =	vst v63  }
0x3a: {  	_ =	swait.ge [sflag:s16], $0x400  }
0x3b: {  	[sflag:s16] =	ssyncset.done $0x0  }
0x3c: {  	[sflag:s16] =	ssyncadd.s32 $0xFFFFFC00  }
0x3d: {  	[tilespmem:s15], [sflag:$0x1] =	stream.indirect.gather [hbm4b:s4+s18], $0x10, s3, s18, $0xb8;
	[tilespmem:$0x4800] =	vst v63  }
0x3e: {  	_ =	swait.ge [sflag:s19], $0x800  }
0x3f: {  	[sflag:s19] =	ssyncset.done $0x0  }
0x40: {  	[sflag:s19] =	ssyncadd.s32 $0xFFFFF800  }
0x41: {  	[tilespmem:s20], [sflag:$0x2] =	stream.indirect.gather [hbm4b:s4+s18], $0x10, s18, s18, $0xb8;
	[tilespmem:$0x4800] =	vst v63  }
0x42: {  	_ = 	snop  }
0x43: {  	[spmem:s2] =	stream.indirect.scatter.add.f32 [tilespmem:s15], [sflag:$0x3], $0x10, s17, s18, $0xb8;
	[tilespmem:$0x4800] =	vst v63  }
0x44: {  	_ =	swait.ge [sflag:s16], $0x800  }
0x45: {  	[sflag:s16] =	ssyncset.done $0x0  }
0x46: {  	[sflag:s16] =	ssyncadd.s32 $0xFFFFF800  }
0x47: {  	_ =	swait.ge [sflag:s21], $0x800  }
0x48: {  	[sflag:s21] =	ssyncset.done $0x0  }
0x49: {  	[sflag:s21] =	ssyncadd.s32 $0xFFFFF800  }
0x4a: {  	[tilespmem:s15], [sflag:$0x1] =	stream.indirect.gather [hbm4b:s4+s18], $0x10, s22, s18, $0xb8;
	[tilespmem:$0x4800] =	vst v63  }
0x4b: {  	_ = 	snop  }
0x4c: {  	[spmem:s2] =	stream.indirect.scatter.add.f32 [tilespmem:s20], [sflag:$0x3], $0x10, s23, s18, $0xb8;
	[tilespmem:$0x4800] =	vst v63  }
0x4d: {  	_ =	swait.ge [sflag:s16], $0x800  }
0x4e: {  	[sflag:s16] =	ssyncset.done $0x0  }
0x4f: {  	[sflag:s16] =	ssyncadd.s32 $0xFFFFF800  }
0x50: {  	_ =	swait.ge [sflag:s19], $0x800  }
0x51: {  	[sflag:s19] =	ssyncset.done $0x0  }
0x52: {  	[sflag:s19] =	ssyncadd.s32 $0xFFFFF800  }
0x53: {  	[tilespmem:s20], [sflag:$0x2] =	stream.indirect.gather [hbm4b:s4+s18], $0x10, s24, s18, $0xb8;
	[tilespmem:$0x4800] =	vst v63  }
0x54: {  	_ = 	snop  }
0x55: {  	[spmem:s2] =	stream.indirect.scatter.add.f32 [tilespmem:s15], [sflag:$0x3], $0x10, s26, s18, $0xb8;
	[tilespmem:$0x4800] =	vst v63  }
0x56: {  	_ =	swait.ge [sflag:s16], $0x800  }
0x57: {  	[sflag:s16] =	ssyncset.done $0x0  }
0x58: {  	[sflag:s16] =	ssyncadd.s32 $0xFFFFF800  }
0x59: {  	_ =	swait.ge [sflag:s21], $0x800  }
0x5a: {  	[sflag:s21] =	ssyncset.done $0x0  }
0x5b: {  	[sflag:s21] =	ssyncadd.s32 $0xFFFFF800  }
0x5c: {  	[tilespmem:s15], [sflag:$0x1] =	stream.indirect.gather [hbm4b:s4+s18], $0x10, s28, s18, $0xb8;
	[tilespmem:$0x4800] =	vst v63  }
0x5d: {  	_ = 	snop  }
0x5e: {  	[spmem:s2] =	stream.indirect.scatter.add.f32 [tilespmem:s20], [sflag:$0x3], $0x10, s29, s18, $0xb8;
	[tilespmem:$0x4800] =	vst v63  }
0x5f: {  	_ =	swait.ge [sflag:s16], $0x800  }
0x60: {  	[sflag:s16] =	ssyncset.done $0x0  }
0x61: {  	[sflag:s16] =	ssyncadd.s32 $0xFFFFF800  }
0x62: {  	_ =	swait.ge [sflag:s19], $0x800  }
0x63: {  	[sflag:s19] =	ssyncset.done $0x0  }
0x64: {  	[sflag:s19] =	ssyncadd.s32 $0xFFFFF800  }
0x65: {  	[tilespmem:s20], [sflag:$0x2] =	stream.indirect.gather [hbm4b:s4+s18], $0x10, s30, s18, $0xb8;
	[tilespmem:$0x4800] =	vst v63  }
0x66: {  	_ = 	snop  }
0x67: {  	[spmem:s2] =	stream.indirect.scatter.add.f32 [tilespmem:s15], [sflag:$0x3], $0x10, s31, s18, $0xb8;
	[tilespmem:$0x4800] =	vst v63  }
0x68: {  	_ =	swait.ge [sflag:s16], $0x800  }
0x69: {  	[sflag:s16] =	ssyncset.done $0x0  }
0x6a: {  	[sflag:s16] =	ssyncadd.s32 $0xFFFFF800  }
0x6b: {  	_ =	swait.ge [sflag:s21], $0x800  }
0x6c: {  	[sflag:s21] =	ssyncset.done $0x0  }
0x6d: {  	[sflag:s21] =	ssyncadd.s32 $0xFFFFF800  }
0x6e: {  	[tilespmem:s15], [sflag:$0x1] =	stream.indirect.gather [hbm4b:s4+s18], $0x10, s0, s18, $0xb8;
	[tilespmem:$0x4800] =	vst v63  }
0x6f: {  	_ = 	snop  }
0x70: {  	[spmem:s2] =	stream.indirect.scatter.add.f32 [tilespmem:s20], [sflag:$0x3], $0x10, s1, s18, $0xb8;
	[tilespmem:$0x4800] =	vst v63  }
0x71: {  	_ =	swait.ge [sflag:s16], $0x800  }
0x72: {  	[sflag:s16] =	ssyncset.done $0x0  }
0x73: {  	[sflag:s16] =	ssyncadd.s32 $0xFFFFF800  }
0x74: {  	_ =	swait.ge [sflag:s19], $0x800  }
0x75: {  	[sflag:s19] =	ssyncset.done $0x0  }
0x76: {  	[sflag:s19] =	ssyncadd.s32 $0xFFFFF800  }
0x77: {  	[tilespmem:s20], [sflag:$0x2] =	stream.indirect.gather [hbm4b:s4+s18], $0x10, s7, s18, $0xb8;
	[tilespmem:$0x4800] =	vst v63  }
0x78: {  	_ = 	snop  }
0x79: {  	[spmem:s2] =	stream.indirect.scatter.add.f32 [tilespmem:s15], [sflag:$0x3], $0x10, s8, s18, $0xb8;
	[tilespmem:$0x4800] =	vst v63  }
0x7a: {  	_ =	swait.ge [sflag:s16], $0x800  }
0x7b: {  	[sflag:s16] =	ssyncset.done $0x0  }
0x7c: {  	[sflag:s16] =	ssyncadd.s32 $0xFFFFF800  }
0x7d: {  	p0 =	sne.s32 s5, $0x1;
	_ =	swait.ge [sflag:s21], $0x800  }
.Ltmp1:
0x7e: {  	[sflag:s21] =	ssyncset.done $0x0;
	(pc) =	sbr.rel @!p0 .LBB2_5-.Ltmp1, $4  }
0x7f: {  	[sflag:s21] =	ssyncadd.s32 $0xFFFFF800  }
0x80: {  	[spmem:s2] =	stream.indirect.scatter.add.f32 [tilespmem:s20], [sflag:$0x3], $0x10, s9, s18, $0xb8;
	[tilespmem:$0x4800] =	vst v63  }
0x81: {  	s11 =	sadd.s32 $0xFFFFFFFF, s5;
	_ =	swait.ge [sflag:s16], $0x800  }
0x82: {  	s13 =	smov.u32 s12;
	s14 =	smov.u32 s25;
	[sflag:s16] =	ssyncset.done $0x0  }
.LBB2_4:
0x83: {  	[sflag:s16] =	ssyncadd.s32 $0xFFFFF800;
	s13 =	sadd.s32 $0x80, s13;
	s14 =	sadd.s32 $0x80, s14  }
0x84: {  	[tilespmem:s3], [sflag:$0x3] =	stream.linear.gather [hbm4b:s14+s3], $0x400, $0x38;
	[tilespmem:$0x4800] =	vst v63  }
0x85: {  	p0 =	sne.s32 s11, $0x1;
	s11 =	sadd.s32 $0xFFFFFFFF, s11;
	_ =	swait.ge [sflag:s16], $0x400  }
0x86: {  	[sflag:s16] =	ssyncset.done $0x0  }
0x87: {  	[sflag:s16] =	ssyncadd.s32 $0xFFFFFC00  }
0x88: {  	[tilespmem:s17], [sflag:$0x3] =	stream.linear.gather [hbm4b:s13+s3], $0x400, $0x38;
	[tilespmem:$0x4800] =	vst v63  }
0x89: {  	_ =	swait.ge [sflag:s16], $0x400  }
0x8a: {  	[sflag:s16] =	ssyncset.done $0x0  }
0x8b: {  	[sflag:s16] =	ssyncadd.s32 $0xFFFFFC00  }
0x8c: {  	[tilespmem:s15], [sflag:$0x1] =	stream.indirect.gather [hbm4b:s4+s18], $0x10, s3, s18, $0xb8;
	[tilespmem:$0x4800] =	vst v63  }
0x8d: {  	_ =	swait.ge [sflag:s19], $0x800  }
0x8e: {  	[sflag:s19] =	ssyncset.done $0x0  }
0x8f: {  	[sflag:s19] =	ssyncadd.s32 $0xFFFFF800  }
0x90: {  	[tilespmem:s20], [sflag:$0x2] =	stream.indirect.gather [hbm4b:s4+s18], $0x10, s18, s18, $0xb8;
	[tilespmem:$0x4800] =	vst v63  }
0x91: {  	_ = 	snop  }
0x92: {  	[spmem:s2] =	stream.indirect.scatter.add.f32 [tilespmem:s15], [sflag:$0x3], $0x10, s17, s18, $0xb8;
	[tilespmem:$0x4800] =	vst v63  }
0x93: {  	_ =	swait.ge [sflag:s16], $0x800  }
0x94: {  	[sflag:s16] =	ssyncset.done $0x0  }
0x95: {  	[sflag:s16] =	ssyncadd.s32 $0xFFFFF800  }
0x96: {  	_ =	swait.ge [sflag:s21], $0x800  }
0x97: {  	[sflag:s21] =	ssyncset.done $0x0  }
0x98: {  	[sflag:s21] =	ssyncadd.s32 $0xFFFFF800  }
0x99: {  	[tilespmem:s15], [sflag:$0x1] =	stream.indirect.gather [hbm4b:s4+s18], $0x10, s22, s18, $0xb8;
	[tilespmem:$0x4800] =	vst v63  }
0x9a: {  	_ = 	snop  }
0x9b: {  	[spmem:s2] =	stream.indirect.scatter.add.f32 [tilespmem:s20], [sflag:$0x3], $0x10, s23, s18, $0xb8;
	[tilespmem:$0x4800] =	vst v63  }
0x9c: {  	_ =	swait.ge [sflag:s16], $0x800  }
0x9d: {  	[sflag:s16] =	ssyncset.done $0x0  }
0x9e: {  	[sflag:s16] =	ssyncadd.s32 $0xFFFFF800  }
0x9f: {  	_ =	swait.ge [sflag:s19], $0x800  }
0xa0: {  	[sflag:s19] =	ssyncset.done $0x0  }
0xa1: {  	[sflag:s19] =	ssyncadd.s32 $0xFFFFF800  }
0xa2: {  	[tilespmem:s20], [sflag:$0x2] =	stream.indirect.gather [hbm4b:s4+s18], $0x10, s24, s18, $0xb8;
	[tilespmem:$0x4800] =	vst v63  }
0xa3: {  	_ = 	snop  }
0xa4: {  	[spmem:s2] =	stream.indirect.scatter.add.f32 [tilespmem:s15], [sflag:$0x3], $0x10, s26, s18, $0xb8;
	[tilespmem:$0x4800] =	vst v63  }
0xa5: {  	_ =	swait.ge [sflag:s16], $0x800  }
0xa6: {  	[sflag:s16] =	ssyncset.done $0x0  }
0xa7: {  	[sflag:s16] =	ssyncadd.s32 $0xFFFFF800  }
0xa8: {  	_ =	swait.ge [sflag:s21], $0x800  }
0xa9: {  	[sflag:s21] =	ssyncset.done $0x0  }
0xaa: {  	[sflag:s21] =	ssyncadd.s32 $0xFFFFF800  }
0xab: {  	[tilespmem:s15], [sflag:$0x1] =	stream.indirect.gather [hbm4b:s4+s18], $0x10, s28, s18, $0xb8;
	[tilespmem:$0x4800] =	vst v63  }
0xac: {  	_ = 	snop  }
0xad: {  	[spmem:s2] =	stream.indirect.scatter.add.f32 [tilespmem:s20], [sflag:$0x3], $0x10, s29, s18, $0xb8;
	[tilespmem:$0x4800] =	vst v63  }
0xae: {  	_ =	swait.ge [sflag:s16], $0x800  }
0xaf: {  	[sflag:s16] =	ssyncset.done $0x0  }
0xb0: {  	[sflag:s16] =	ssyncadd.s32 $0xFFFFF800  }
0xb1: {  	_ =	swait.ge [sflag:s19], $0x800  }
0xb2: {  	[sflag:s19] =	ssyncset.done $0x0  }
0xb3: {  	[sflag:s19] =	ssyncadd.s32 $0xFFFFF800  }
0xb4: {  	[tilespmem:s20], [sflag:$0x2] =	stream.indirect.gather [hbm4b:s4+s18], $0x10, s30, s18, $0xb8;
	[tilespmem:$0x4800] =	vst v63  }
0xb5: {  	_ = 	snop  }
0xb6: {  	[spmem:s2] =	stream.indirect.scatter.add.f32 [tilespmem:s15], [sflag:$0x3], $0x10, s31, s18, $0xb8;
	[tilespmem:$0x4800] =	vst v63  }
0xb7: {  	_ =	swait.ge [sflag:s16], $0x800  }
0xb8: {  	[sflag:s16] =	ssyncset.done $0x0  }
0xb9: {  	[sflag:s16] =	ssyncadd.s32 $0xFFFFF800  }
0xba: {  	_ =	swait.ge [sflag:s21], $0x800  }
0xbb: {  	[sflag:s21] =	ssyncset.done $0x0  }
0xbc: {  	[sflag:s21] =	ssyncadd.s32 $0xFFFFF800  }
0xbd: {  	[tilespmem:s15], [sflag:$0x1] =	stream.indirect.gather [hbm4b:s4+s18], $0x10, s0, s18, $0xb8;
	[tilespmem:$0x4800] =	vst v63  }
0xbe: {  	_ = 	snop  }
0xbf: {  	[spmem:s2] =	stream.indirect.scatter.add.f32 [tilespmem:s20], [sflag:$0x3], $0x10, s1, s18, $0xb8;
	[tilespmem:$0x4800] =	vst v63  }
0xc0: {  	_ =	swait.ge [sflag:s16], $0x800  }
0xc1: {  	[sflag:s16] =	ssyncset.done $0x0  }
0xc2: {  	[sflag:s16] =	ssyncadd.s32 $0xFFFFF800  }
0xc3: {  	_ =	swait.ge [sflag:s19], $0x800  }
0xc4: {  	[sflag:s19] =	ssyncset.done $0x0  }
0xc5: {  	[sflag:s19] =	ssyncadd.s32 $0xFFFFF800  }
0xc6: {  	[tilespmem:s20], [sflag:$0x2] =	stream.indirect.gather [hbm4b:s4+s18], $0x10, s7, s18, $0xb8;
	[tilespmem:$0x4800] =	vst v63  }
0xc7: {  	_ = 	snop  }
0xc8: {  	[spmem:s2] =	stream.indirect.scatter.add.f32 [tilespmem:s15], [sflag:$0x3], $0x10, s8, s18, $0xb8;
	[tilespmem:$0x4800] =	vst v63  }
0xc9: {  	_ =	swait.ge [sflag:s16], $0x800  }
0xca: {  	[sflag:s16] =	ssyncset.done $0x0  }
0xcb: {  	[sflag:s16] =	ssyncadd.s32 $0xFFFFF800  }
0xcc: {  	_ =	swait.ge [sflag:s21], $0x800  }
.Ltmp2:
0xcd: {  	[sflag:s21] =	ssyncset.done $0x0;
	(pc) =	sbr.rel @p0 .LBB2_4-.Ltmp2, $4  }
0xce: {  	[sflag:s21] =	ssyncadd.s32 $0xFFFFF800  }
0xcf: {  	[spmem:s2] =	stream.indirect.scatter.add.f32 [tilespmem:s20], [sflag:$0x3], $0x10, s9, s18, $0xb8;
	[tilespmem:$0x4800] =	vst v63  }
0xd0: {  	_ =	swait.ge [sflag:s16], $0x800  }
0xd1: {  	[sflag:s16] =	ssyncset.done $0x0  }
.LBB2_5:
0xd2: {  	[sflag:s16] =	ssyncadd.s32 $0xFFFFF800  }
0xd3: {  	s11 =	stileid.u32;
	[bflag:$0x0] =	sbarrier.arrive $0xFFFF  }
0xd4: {  	s11 =	sshll.u32 s11, $0x6;
	s13 =	rddreg [dreg:$0x3]  }
0xd5: {  	s11 =	sor.u32 $0x1C03, s11;
	s14 =	rddreg [dreg:$0x9]  }
0xd6: {  	[hbm:s13], [sflag:s11] =	dma.local [spmem:s14], $0x500  }
0xd7: {  	_ =	swait.ge [sflag:s16], $0x500  }
0xd8: {  	s10 =	sadd.s32 $0x1, s10;
	s14 =	rddreg [dreg:$0x4]  }
0xd9: {  	p0 =	sne.s32 s10, s14  }
.Ltmp3:
0xda: {  	_ = 	snop;
	(pc) =	sbr.rel @p0 .LBB2_1-.Ltmp3, $3  }
0xdb: {  	_ =	sdelay $0x1  }
0xdc: {  	[sflag:s16] =	ssyncset.done $0x0  }
0xdd: {  	[sflag:s16] =	ssyncadd.s32 $0xFFFFFB00  }
0xde: {  	_ =	sfence.sel $0x180000  }
0xdf: {  	[bflag:$0x0] =	sbarrier.arrive $0xFFFF  }
0xe0: {  	_ =	strace $0x9000004A  }
0xe1: {  	s0 =	stileid.u32;
	[bflag:$0x2] =	sbarrier.arrive $0xFFFF  }
0xe2: {  	p0 =	sne.s32 s0, $0x0;
	s0 =	rddreg [dreg:$0x2]  }
0xe3: {  	s0 =	sadd.s32 @!p0 $0x100000, s0  }
0xe4: {  	[sflag:s0] =	ssyncadd.tile.s32 @!p0 $0x1;
	_ =	shalt  }
.Lfunc_end2:
_tile_overlayer_lowered:
.L_overlay_start_2:
0xe5: {  	(tag) =	ssettag $0x2  }
0xe6: {  	s0 =	rddreg [dreg:$0x0];
	s2 =	stileid.u32  }
0xe7: {  	s1 =	rddreg [dreg:$0x1];
	p0 =	sne.s32 s2, $0x0  }
0xe8: {  	s3 =	rddreg [dreg:$0x2];
	[bflag:$0x3] =	sbarrier.arrive $0xFFFF;
	s2 =	simm.s32 @!p0 $0x1C03  }
0xe9: {  	[timem:s3], [sflag:s2] =	dma.local @!p0 [hbm:s0], s1  }
0xea: {  	s0 =	simm.s32 @!p0 $0x3  }
0xeb: {  	_ =	swait.ge @!p0 [sflag:s0], s1  }
0xec: {  	s1 =	ssub.s32 @!p0 $0x0, s1;
	[sflag:s0] =	ssyncset.done @!p0 $0x0  }
0xed: {  	[sflag:s0] =	ssyncadd.s32 @!p0 s1  }
0xee: {  	[bflag:$0x3] =	sbarrier.arrive $0xFFFF  }
0xef: {  	_ =	shalt  }

// kernel: kernel.7.cloned.1.call-start
scs
__scs_entry_jumppad:
0x0: {  	(pc) =	sbr.rel $0x88, $3  }
0x1: {  	(tag) =	ssettag $0x0;
	lr =	simm.s32 $0x1  }
0x2: {  	[smem:$0x3F99] =	sst lr;
	_ =	strace $0xD0000000  }
0x3: {  	_ = 	snop  }
0x4: {  	_ = 	snop  }
0x5: {  	_ = 	snop  }
0x6: {  	_ = 	snop  }
0x7: {  	_ = 	snop  }
__scs_overlays_trampoline_lowered:
0x8: {  	[smem:$0x3FA8] =	sst s0  }
0x9: {  	[smem:$0x3FA9] =	sst s1  }
0xa: {  	[smem:$0x3FAA] =	sst s2  }
0xb: {  	[smem:$0x3FAB] =	sst s3  }
0xc: {  	[smem:$0x3FAC] =	sst s4  }
0xd: {  	[smem:$0x3FAD] =	sst s5  }
0xe: {  	[smem:$0x3FAE] =	sst s6  }
0xf: {  	[smem:$0x3FAF] =	sst s7  }
0x10: {  	[smem:$0x3FB0] =	sst s8  }
0x11: {  	[smem:$0x3FB1] =	sst s9;
	s0 =	simm.s32 @!p0 $0x0  }
0x12: {  	s1 =	sld [smem:$0x3F97];
	s0 =	simm.s32 @p0 $0x1  }
0x13: {  	[smem:$0x3FB2] =	sst s0;
	s0 =	simm.s32 @!p1 $0x0  }
0x14: {  	s2 =	sld [smem:$0x3F96];
	s0 =	simm.s32 @p1 $0x1  }
0x15: {  	[smem:$0x3FB3] =	sst s0;
	s0 =	simm.s32 @!p2 $0x0  }
0x16: {  	s3 =	sld [smem:$0x3FDB];
	s0 =	simm.s32 @p2 $0x1  }
0x17: {  	s4 =	simm.s32 $0x1BF5;
	[smem:$0x3FB5] =	sst s0  }
0x18: {  	s0 =	sld [smem:$0x3F98];
	_ =	swait.ge [sflag:s4], $0x0  }
0x19: {  	s7 =	sld [smem:$0x3F99]  }
0x1a: {  	s8 =	sadd.s32 $0xFFFFE003, lr  }
0x1b: {  	s9 =	sadd.s32 $0xFFFFFEF7, lr;
	s5 =	simm.s32 $0xFFFFFFFF;
	p2 =	slt.u32 s8, $0xFFFFF086  }
0x1c: {  	p1 =	slt.u32 s9, $0xF7A;
	s5 =	simm.s32 @!p2 $0x0  }
0x1d: {  	s5 =	simm.s32 @p1 $0x1;
	p0 =	seq.s32 s7, s2  }
0x1e: {  	s7 =	smul.u32 @!p0 $0xF7A, s2;
	p2 =	seq.s32 @!p0 s5, $0x0  }
0x1f: {  	s9 =	smul.u32 $0xF7A, s1;
	s8 =	simm.s32 @!p0 $0x1BF5;
	p2 =	por !p2, p0  }
0x20: {  	[sflag:s8] =	ssyncset.s32 @!p0 $0xFFFFF086;
	s6 =	sadd.s32 @!p0 s3, s7;
	s7 =	simm.s32 @!p0 $0x108  }
0x21: {  	s3 =	sadd.s32 s3, s9;
	s6 =	sadd.s32 @!p0 $0x88, s6;
	s7 =	simm.s32 @p2 $0x1082  }
0x22: {  	[simem:s7], [sflag:s8] =	dma.local @!p0 [hbm:s6], $0xF7A  }
0x23: {  	s9 =	sor.u32 $0xD0000000, s2;
	s6 =	simm.s32 $0x108;
	_ =	swait.ge @!p0 [sflag:s8], $0x0  }
0x24: {  	s3 =	sadd.s32 $0x88, s3;
	s6 =	simm.s32 @!p1 $0x1082;
	[sflag:s4] =	ssyncset.s32 $0xFFFFF086  }
0x25: {  	[simem:s6], [sflag:s4] =	dma.local [hbm:s3], $0xF7A  }
0x26: {  	[smem:$0x3F99] =	sst s1;
	(tag) =	ssettag s2;
	_ =	strace s9  }
0x27: {  	s1 =	sld [smem:$0x3FA9]  }
0x28: {  	s2 =	sld [smem:$0x3FAA]  }
0x29: {  	s4 =	sld [smem:$0x3FAC]  }
0x2a: {  	p0 =	seq.s32 s5, $0x0;
	s5 =	sld [smem:$0x3FAD]  }
0x2b: {  	s6 =	sld [smem:$0x3FAE]  }
0x2c: {  	s7 =	sld [smem:$0x3FAF]  }
0x2d: {  	s3 =	simm.s32 $0x108;
	s8 =	sld [smem:$0x3FB0]  }
0x2e: {  	s3 =	simm.s32 @!p0 $0x1082;
	s9 =	sld [smem:$0x3FB1]  }
0x2f: {  	lr =	sadd.s32 s0, s3;
	s0 =	sld [smem:$0x3FA8]  }
0x30: {  	s3 =	sld [smem:$0x3FAB]  }
0x31: {  	[smem:$0x3FB4] =	sst s10  }
0x32: {  	s10 =	sld [smem:$0x3FB2];
	_ =	sdelay $0x3  }
0x33: {  	p0 =	seq.s32 s10, $0x1;
	s10 =	sld [smem:$0x3FB4];
	_ =	sdelay $0x3  }
0x34: {  	[smem:$0x3FB4] =	sst s10  }
0x35: {  	s10 =	sld [smem:$0x3FB3];
	_ =	sdelay $0x3  }
0x36: {  	p1 =	seq.s32 s10, $0x1;
	s10 =	sld [smem:$0x3FB4];
	_ =	sdelay $0x3  }
0x37: {  	[smem:$0x3FB4] =	sst s10  }
0x38: {  	s10 =	sld [smem:$0x3FB5]  }
0x39: {  	_ = 	snop;
	(pc) =	sbr.ind lr, $3  }
0x3a: {  	_ = 	snop  }
0x3b: {  	_ = 	snop  }
0x3c: {  	p2 =	seq.s32 s10, $0x1;
	s10 =	sld [smem:$0x3FB4]  }
0x3d: {  	_ =	shalt  }
0x3e: {  	_ =	shalt  }
0x3f: {  	_ =	shalt  }
0x40: {  	_ =	shalt  }
0x41: {  	_ =	shalt  }
0x42: {  	_ =	shalt  }
0x43: {  	_ =	shalt  }
0x44: {  	_ =	shalt  }
0x45: {  	_ =	shalt  }
0x46: {  	_ =	shalt  }
0x47: {  	_ =	shalt  }
0x48: {  	_ =	shalt  }
0x49: {  	_ =	shalt  }
0x4a: {  	_ =	shalt  }
0x4b: {  	_ =	shalt  }
0x4c: {  	_ =	shalt  }
0x4d: {  	_ =	shalt  }
0x4e: {  	_ =	shalt  }
0x4f: {  	_ =	shalt  }
0x50: {  	_ =	shalt  }
0x51: {  	_ =	shalt  }
0x52: {  	_ =	shalt  }
0x53: {  	_ =	shalt  }
0x54: {  	_ =	shalt  }
0x55: {  	_ =	shalt  }
0x56: {  	_ =	shalt  }
0x57: {  	_ =	shalt  }
0x58: {  	_ =	shalt  }
0x59: {  	_ =	shalt  }
0x5a: {  	_ =	shalt  }
0x5b: {  	_ =	shalt  }
0x5c: {  	_ =	shalt  }
0x5d: {  	_ =	shalt  }
0x5e: {  	_ =	shalt  }
0x5f: {  	_ =	shalt  }
0x60: {  	_ =	shalt  }
0x61: {  	_ =	shalt  }
0x62: {  	_ =	shalt  }
0x63: {  	_ =	shalt  }
0x64: {  	_ =	shalt  }
0x65: {  	_ =	shalt  }
0x66: {  	_ =	shalt  }
0x67: {  	_ =	shalt  }
0x68: {  	_ =	shalt  }
0x69: {  	_ =	shalt  }
0x6a: {  	_ =	shalt  }
0x6b: {  	_ =	shalt  }
0x6c: {  	_ =	shalt  }
0x6d: {  	_ =	shalt  }
0x6e: {  	_ =	shalt  }
0x6f: {  	_ =	shalt  }
0x70: {  	_ =	shalt  }
0x71: {  	_ =	shalt  }
0x72: {  	_ =	shalt  }
0x73: {  	_ =	shalt  }
0x74: {  	_ =	shalt  }
0x75: {  	_ =	shalt  }
0x76: {  	_ =	shalt  }
0x77: {  	_ =	shalt  }
0x78: {  	_ =	shalt  }
0x79: {  	_ =	shalt  }
0x7a: {  	_ =	shalt  }
0x7b: {  	_ =	shalt  }
0x7c: {  	_ =	shalt  }
0x7d: {  	_ =	shalt  }
0x7e: {  	_ =	shalt  }
0x7f: {  	_ =	shalt  }
0x80: {  	_ =	shalt  }
0x81: {  	_ =	shalt  }
0x82: {  	_ =	shalt  }
0x83: {  	_ =	shalt  }
0x84: {  	_ =	shalt  }
0x85: {  	_ =	shalt  }
0x86: {  	_ =	shalt  }
0x87: {  	_ =	shalt  }
.Lfunc_end0:
.L_simem_size_0:
called_computation_lowered:
.L_overlay_start_0:
0x88: {  	s2 =	sld [smem:$0x3FD9]  }
0x89: {  	s3 =	sld [smem:$0x3FFE];
	_ =	sdelay $0x1  }
0x8a: {  	s1 =	srdreg.scid  }
0x8b: {  	s0 =	sand.u32 $0x1, s1  }
0x8c: {  	s16 =	sshll.u32 s0, $0xA;
	s2 =	sadd.s32 s3, s2  }
0x8d: {  	s2 =	sadd.s32 s2, s16  }
0x8e: {  	[smem:$0x3FC0] =	sst s2  }
0x8f: {  	_ = 	snop  }
0x90: {  	(tm) =	ssettm $0x1  }
0x91: {  	s17 =	sld [smem:$0x3FFB];
	_ =	sdelay $0x3  }
0x92: {  	_ =	strace s17  }
0x93: {  	s2 =	sld [smem:$0x3FFC];
	_ =	sdelay $0x3  }
0x94: {  	_ =	strace s2  }
0x95: {  	s2 =	sld [smem:$0x3FFD];
	_ =	sdelay $0x3  }
0x96: {  	_ =	strace s2  }
0x97: {  	_ =	strace $0x8FFFFFFF  }
0x98: {  	s18 =	sld [smem:$0x3FDB];
	_ =	sdelay $0x1  }
0x99: {  	s19 =	simm.s32 $_scs_section_size  }
0x9a: {  	s4 =	simm.s32 $_size__tile_overlayer_lowered;
	s5 =	simm.s32 $_tile_overlayer_lowered  }
0x9b: {  	s22 =	simm.s32 $0x1BFF;
	s21 =	sshll.u32 s5, $0x1;
	s2 =	sadd.s32 s19, s18  }
0x9c: {  	s6 =	simm.s32 $0x0;
	s20 =	sshll.u32 s4, $0x1;
	s4 =	sadd.s32 s21, s2  }
0x9d: {  	[timem:s6], [sflag:s22] =	dma.local [hbm:s4], s20  }
0x9e: {  	_ =	swait.ge [sflag:s22], s20  }
0x9f: {  	s3 =	ssub.s32 $0x0, s20;
	[sflag:s22] =	ssyncset.done $0x0  }
0xa0: {  	[sflag:s22] =	ssyncadd.s32 s3;
	_ =	sdelay $0x1  }
0xa1: {  	s23 =	simm.s32 $0x1B8B  }
0xa2: {  	_ =	swait.ge [sflag:s23], $0x1  }
0xa3: {  	[sflag:s23] =	ssyncset.done $0x0  }
0xa4: {  	s25 =	simm.s32 $0x1B8E;
	s24 =	sld [smem:$0x3FFE];
	[sflag:s23] =	ssyncadd.s32 $0xFFFFFFFF  }
0xa5: {  	s26 =	simm.s32 $execute0_lowered;
	[smem:$0x3FD2] =	sst s25  }
0xa6: {  	s4 =	sshll.u32 s26, $0x1;
	_ =	strace $0x80000046;
	[dreg:$0x1] =	wrdreg $0xFFFFFFFF  }
0xa7: {  	s28 =	simm.s32 $_size_execute0_lowered;
	s2 =	sadd.s32 s2, s4;
	[dreg:$0x0] =	wrdreg $0x0  }
0xa8: {  	s4 =	sshll.u32 s28, $0x1;
	[dreg:$0x2] =	wrdreg s2  }
0xa9: {  	[dreg:$0x3] =	wrdreg s4  }
0xaa: {  	[dreg:$0x4] =	wrdreg $0xC0  }
0xab: {  	_ =	task [dreg:s6], $0x5FFFF  }
0xac: {  	[dreg:$0x1] =	wrdreg $0xFFFFFFFF  }
0xad: {  	[dreg:$0x0] =	wrdreg $0x60  }
0xae: {  	[dreg:$0x2] =	wrdreg s24  }
0xaf: {  	[dreg:$0x3] =	wrdreg $0x50000  }
0xb0: {  	[dreg:$0x4] =	wrdreg $0xF0000  }
0xb1: {  	[dreg:$0x5] =	wrdreg $0x9  }
0xb2: {  	_ =	task.clear_ibuf [dreg:s6], $0x6FFFF;
	_ =	strace $0x90000046  }
0xb3: {  	s29 =	simm.s32 $0x9;
	_ =	strace $0x80000048  }
0xb4: {  	_ =	swait.ge [sflag:s29], $0x1  }
0xb5: {  	[sflag:s29] =	ssyncadd.s32 $0xFFFFFFFF  }
0xb6: {  	_ =	strace $0x90000048  }
0xb7: {  	_ =	sfence  }
0xb8: {  	s30 =	sld [smem:$0x0];
	_ =	sdelay $0x2  }
0xb9: {  	s31 =	sshll.u32 s1, $0xD;
	s1 =	sshrl.u32 s1, $0x2  }
0xba: {  	s3 =	sand.u32 $0x4000, s31;
	s1 =	sadd.s32 s1, s30  }
0xbb: {  	s0 =	sor.u32 s3, s0;
	s1 =	sshll.u32 s1, $0x11  }
0xbc: {  	s0 =	sor.u32 s1, s0  }
0xbd: {  	s0 =	sadd.s32 $0x8F2B, s0  }
0xbe: {  	[sflag:s0] =	ssyncadd.remote.s32 $0x1  }
0xbf: {  	_ =	sfence.sel $0xFFFF  }
0xc0: {  	[dreg:$0x0] =	wrdreg $0xFFFFFFFF;
	(pc) =	sbr.abs _section_cstart, $3  }
0xc1: {  	[dreg:$0x1] =	wrdreg $0xFFFFFFFF  }
0xc2: {  	_ =	task.clear_ibuf [dreg:s6], $0x2FFFF;
	_ =	strace $0x9FFFFFFF  }
0xc3: {  	(tm) =	ssettm $0x7FFFFFFF  }
tec
execute0_lowered:
.L_overlay_start_1:
0x0: {  	(tag) =	ssettag $0x1  }
0x1: {  	s12 =	stileid.u32  }
0x2: {  	s0 =	rddreg [dreg:$0x0];
	s5 =	smul.u32 $0x88, s12  }
0x3: {  	s1 =	rddreg [dreg:$0x1];
	s6 =	smul.u32 $0x18, s12  }
0x4: {  	s2 =	srdreg.scid;
	s8 =	smul.u32 $0xA000, s12  }
0x5: {  	s3 =	rddreg [dreg:$0x2];
	s4 =	simm.s32 $0x0;
	s10 =	smul.u32 $0x2800, s12  }
0x6: {  	s28 =	simm.s32 $0x400;
	s29 =	simm.s32 $0x80;
	s23 =	smul.u32 $0x280, s12  }
0x7: {  	s30 =	simm.s32 $0x1;
	s2 =	sand.u32 $0x1, s2;
	s12 =	smul.u32 $0x28000, s12  }
0x8: {  	s31 =	simm.s32 $0x2800;
	[smem:$0x7FF] =	sst s4;
	s7 =	smul.u32 $0xA0000, s2  }
0x9: {  	p0 =	seq.s32 s2, $0x0;
	s9 =	smul.u32 $0x28000, s2;
	s2 =	ssub.s32 $0x2, s2  }
0xa: {  	_ =	strace $0x80000047;
	s6 =	sadd.s32 $0x880, s6;
	s22 =	sshrl.u32 s2, $0x1  }
0xb: {  	s25 =	sshrl.u32 s12, $0x2;
	s26 =	sadd.s32 $0x80, s23;
	s12 =	sadd.s32 $0x100, s23  }
0xc: {  	s14 =	sadd.s32 $0x180, s23;
	s6 =	smov.u32 @p0 s5;
	s5 =	sadd.s32 $0x1400, s0  }
0xd: {  	s7 =	sadd.s32 s8, s7;
	s19 =	sadd.s32 s10, s9;
	s2 =	ssub.s32 s2, s22  }
0xe: {  	s9 =	sadd.s32 s8, s1;
	s8 =	sshrl.u32 s8, $0x2;
	s13 =	sshll.u32 s12, $0x6  }
0xf: {  	s15 =	sshll.u32 s12, $0x4;
	s16 =	sshll.u32 s14, $0x6;
	s12 =	simm.s32 $0x600  }
0x10: {  	s6 =	sshll.u32 s6, $0x4;
	s18 =	sshrl.u32 s7, $0x3;
	s21 =	sshrl.u32 s19, $0x3  }
0x11: {  	s2 =	smax.u32 s2, $0x1;
	s17 =	sadd.s32 s16, s1;
	s19 =	sshll.u32 s14, $0x4  }
0x12: {  	s7 =	simm.s32 $0x180;
	s14 =	simm.s32 $0x680;
	s16 =	simm.s32 $0x700  }
0x13: {  	s11 =	sadd.s32 s6, s0;
	s20 =	sadd.s32 s18, s0;
	[dreg:$0x8] =	wrdreg s2  }
0x14: {  	s0 =	sadd.s32 s21, s0;
	s2 =	sadd.s32 s25, s1;
	[dreg:$0xf] =	wrdreg s17  }
0x15: {  	s6 =	simm.s32 $0x11;
	s21 =	sadd.s32 s19, s3;
	[dreg:$0x9] =	wrdreg s2  }
0x16: {  	s18 =	sadd.s32 $0x200, s23;
	s23 =	simm.s32 $0x100;
	[dreg:$0x10] =	wrdreg s21  }
0x17: {  	s17 =	simm.s32 $0x780;
	s6 =	simm.s32 @!p0 $0x3;
	[dreg:$0x4] =	wrdreg s23  }
0x18: {  	s24 =	sadd.s32 $0x28E00, s20;
	s0 =	sadd.s32 $0x50E00, s0;
	[dreg:$0x5] =	wrdreg s6  }
0x19: {  	s20 =	sshll.u32 s18, $0x6;
	s25 =	sadd.s32 $0x1EE00, s11;
	[dreg:$0x6] =	wrdreg s24  }
0x1a: {  	s23 =	simm.s32 $0x3;
	[dreg:$0x7] =	wrdreg s0;
	s0 =	sadd.s32 s10, s3  }
0x1b: {  	s6 =	sadd.s32 s8, s3;
	s8 =	sshll.u32 s26, $0x6;
	s10 =	sshll.u32 s26, $0x4  }
0x1c: {  	s22 =	sadd.s32 s20, s1;
	s24 =	sadd.s32 $0x14E00, s11;
	[dreg:$0xa] =	wrdreg s6  }
0x1d: {  	s26 =	sshrl.u32 s9, $0x3;
	s9 =	simm.s32 $0x200;
	[dreg:$0x11] =	wrdreg s22  }
0x1e: {  	s11 =	simm.s32 $0x280;
	s2 =	sadd.s32 s8, s1;
	[dreg:$0x13] =	wrdreg s26  }
0x1f: {  	s22 =	simm.s32 $0x800;
	s0 =	sshrl.u32 s0, $0x3;
	[dreg:$0xb] =	wrdreg s2  }
0x20: {  	s26 =	simm.s32 $0x4800;
	s2 =	sadd.s32 s10, s3;
	[dreg:$0x14] =	wrdreg s0  }
0x21: {  	s8 =	simm.s32 $0x500;
	[dreg:$0xc] =	wrdreg s2;
	s2 =	sadd.s32 s13, s1  }
0x22: {  	s0 =	simm.s32 $0x480;
	[dreg:$0xd] =	wrdreg s2;
	s2 =	sadd.s32 s15, s3  }
0x23: {  	s10 =	simm.s32 $0x580;
	[dreg:$0xe] =	wrdreg s2;
	s2 =	sshll.u32 s18, $0x4  }
0x24: {  	s13 =	simm.s32 $0x300;
	s15 =	simm.s32 $0x380;
	s2 =	sadd.s32 s2, s3  }
0x25: {  	v0 =	vimm.f32 $0.0e+00;
	v1 =	vimm.f32 $1.000000000e+00;
	s18 =	simm.s32 $0x0;
	[dreg:$0x12] =	wrdreg s2;
	s2 =	simm.s32 $0x2  }
.LBB2_1:
0x26: {  	s20 =	simm.s32 $0x0  }
0x27: {  	s19 =	simm.s32 $0x820;
	[tilespmem:s20+$0x4800] =	vst v0  }
0x28: {  	[tilespmem:s19+$0xFFFFFFE0] =	vst v0  }
0x29: {  	[tilespmem:s19+$0xFFFFFFF0] =	vst v0  }
0x2a: {  	[tilespmem:s19+$0x0] =	vst v0  }
0x2b: {  	s20 =	simm.s32 $0x40;
	[tilespmem:s19+$0x10] =	vst v0  }
.LBB2_2:
0x2c: {  	s21 =	sshra.s32 s20, $0x2;
	p0 =	sne.s32 s20, $0x1FC0  }
.Ltmp0:
0x2d: {  	s20 =	sadd.s32 $0x40, s20;
	s19 =	sadd.s32 $0x40, s19;
	[tilespmem:s21+$0x4800] =	vst v0;
	(pc) =	sbr.rel @p0 .LBB2_2-.Ltmp0, $4  }
0x2e: {  	[tilespmem:s19+$0xFFFFFFE0] =	vst v0  }
0x2f: {  	[tilespmem:s19+$0xFFFFFFF0] =	vst v0  }
0x30: {  	[tilespmem:s19+$0x0] =	vst v0  }
0x31: {  	[tilespmem:s19+$0x10] =	vst v0  }
0x32: {  	s6 =	rddreg [dreg:$0x9]  }
0x33: {  	[spmem:s6] =	stream.linear.scatter [tilespmem:s22], [sflag:$0x3], $0x2000, $0x38;
	[tilespmem:$0x11800] =	vst v63  }
0x34: {  	_ =	swait.ge [sflag:s23], $0x2000  }
0x35: {  	[sflag:s23] =	ssyncset.done $0x0  }
0x36: {  	s19 =	rddreg [dreg:$0xa];
	[sflag:s23] =	ssyncadd.s32 $0xFFFFE000  }
0x37: {  	[spmem:s19] =	stream.linear.scatter [tilespmem:s26], [sflag:$0x3], $0x800, $0x38;
	[tilespmem:$0x11800] =	vst v63  }
0x38: {  	_ =	swait.ge [sflag:s23], $0x800  }
0x39: {  	[sflag:s23] =	ssyncset.done $0x0  }
0x3a: {  	s20 =	rddreg [dreg:$0xb];
	[sflag:s23] =	ssyncadd.s32 $0xFFFFF800  }
0x3b: {  	[spmem:s20] =	stream.linear.scatter [tilespmem:s22], [sflag:$0x3], $0x2000, $0x38;
	[tilespmem:$0x11800] =	vst v63  }
0x3c: {  	_ =	swait.ge [sflag:s23], $0x2000  }
0x3d: {  	[sflag:s23] =	ssyncset.done $0x0  }
0x3e: {  	s21 =	rddreg [dreg:$0xc];
	[sflag:s23] =	ssyncadd.s32 $0xFFFFE000  }
0x3f: {  	[spmem:s21] =	stream.linear.scatter [tilespmem:s26], [sflag:$0x3], $0x800, $0x38;
	[tilespmem:$0x11800] =	vst v63  }
0x40: {  	_ =	swait.ge [sflag:s23], $0x800  }
0x41: {  	[sflag:s23] =	ssyncset.done $0x0  }
0x42: {  	s19 =	rddreg [dreg:$0xd];
	[sflag:s23] =	ssyncadd.s32 $0xFFFFF800  }
0x43: {  	[spmem:s19] =	stream.linear.scatter [tilespmem:s22], [sflag:$0x3], $0x2000, $0x38;
	[tilespmem:$0x11800] =	vst v63  }
0x44: {  	_ =	swait.ge [sflag:s23], $0x2000  }
0x45: {  	[sflag:s23] =	ssyncset.done $0x0  }
0x46: {  	s20 =	rddreg [dreg:$0xe];
	[sflag:s23] =	ssyncadd.s32 $0xFFFFE000  }
0x47: {  	[spmem:s20] =	stream.linear.scatter [tilespmem:s26], [sflag:$0x3], $0x800, $0x38;
	[tilespmem:$0x11800] =	vst v63  }
0x48: {  	_ =	swait.ge [sflag:s23], $0x800  }
0x49: {  	[sflag:s23] =	ssyncset.done $0x0  }
0x4a: {  	s21 =	rddreg [dreg:$0xf];
	[sflag:s23] =	ssyncadd.s32 $0xFFFFF800  }
0x4b: {  	[spmem:s21] =	stream.linear.scatter [tilespmem:s22], [sflag:$0x3], $0x2000, $0x38;
	[tilespmem:$0x11800] =	vst v63  }
0x4c: {  	_ =	swait.ge [sflag:s23], $0x2000  }
0x4d: {  	[sflag:s23] =	ssyncset.done $0x0  }
0x4e: {  	s19 =	rddreg [dreg:$0x10];
	[sflag:s23] =	ssyncadd.s32 $0xFFFFE000  }
0x4f: {  	[spmem:s19] =	stream.linear.scatter [tilespmem:s26], [sflag:$0x3], $0x800, $0x38;
	[tilespmem:$0x11800] =	vst v63  }
0x50: {  	_ =	swait.ge [sflag:s23], $0x800  }
0x51: {  	[sflag:s23] =	ssyncset.done $0x0  }
0x52: {  	s20 =	rddreg [dreg:$0x11];
	[sflag:s23] =	ssyncadd.s32 $0xFFFFF800  }
0x53: {  	[spmem:s20] =	stream.linear.scatter [tilespmem:s22], [sflag:$0x3], $0x2000, $0x38;
	[tilespmem:$0x11800] =	vst v63  }
0x54: {  	_ =	swait.ge [sflag:s23], $0x2000  }
0x55: {  	[sflag:s23] =	ssyncset.done $0x0  }
0x56: {  	s21 =	rddreg [dreg:$0x12];
	[sflag:s23] =	ssyncadd.s32 $0xFFFFE000  }
0x57: {  	[spmem:s21] =	stream.linear.scatter [tilespmem:s26], [sflag:$0x3], $0x800, $0x38;
	[tilespmem:$0x11800] =	vst v63  }
0x58: {  	_ =	swait.ge [sflag:s23], $0x800  }
0x59: {  	[sflag:s23] =	ssyncset.done $0x0  }
0x5a: {  	s19 =	simm.s32 $0x40;
	s20 =	simm.s32 $0x0;
	[sflag:s23] =	ssyncadd.s32 $0xFFFFF800  }
.LBB2_4:
0x5b: {  	p0 =	sne.s32 s19, $0x1FC0;
	[tilespmem:s20+$0x4800] =	vst v1;
	s20 =	smov.u32 s19;
	s19 =	sadd.s32 $0x40, s19  }
.Ltmp1:
0x5c: {  	(pc) =	sbr.rel @p0 .LBB2_4-.Ltmp1, $2  }
0x5d: {  	_ =	sdelay $0x2  }
0x5e: {  	s20 =	sshra.s32 s20, $0x2  }
0x5f: {  	[tilespmem:s20+$0x4800] =	vst v1  }
0x60: {  	[bflag:$0x0] =	sbarrier.arrive $0xFFFF  }
0x61: {  	[tilespmem:s4], [sflag:$0x3] =	stream.linear.gather [hbm4b:s25+s4], $0x400, $0x38;
	[tilespmem:$0x11800] =	vst v63  }
0x62: {  	_ =	swait.ge [sflag:s23], $0x400  }
0x63: {  	[sflag:s23] =	ssyncset.done $0x0  }
0x64: {  	[sflag:s23] =	ssyncadd.s32 $0xFFFFFC00  }
0x65: {  	[tilespmem:s28], [sflag:$0x3] =	stream.linear.gather [hbm4b:s24+s4], $0x400, $0x38;
	[tilespmem:$0x11800] =	vst v63  }
0x66: {  	_ =	swait.ge [sflag:s23], $0x400  }
0x67: {  	[sflag:s23] =	ssyncset.done $0x0  }
0x68: {  	[sflag:s23] =	ssyncadd.s32 $0xFFFFFC00  }
0x69: {  	[tilespmem:s22], [sflag:$0x1] =	stream.indirect.gather [hbm4b:s5+s29], $0x40, s4, s29, $0xb8;
	[tilespmem:$0x11800] =	vst v63  }
0x6a: {  	_ =	swait.ge [sflag:s30], $0x2000  }
0x6b: {  	[sflag:s30] =	ssyncset.done $0x0  }
0x6c: {  	[sflag:s30] =	ssyncadd.s32 $0xFFFFE000  }
0x6d: {  	[tilespmem:s31], [sflag:$0x2] =	stream.indirect.gather [hbm4b:s5+s29], $0x40, s29, s29, $0xb8;
	[tilespmem:$0x11800] =	vst v63  }
0x6e: {  	_ = 	snop  }
0x6f: {  	[spmem:s3] =	stream.indirect.scatter.add.f32 [tilespmem:s26], [sflag:$0x3], $0x10, s28, s29, $0xb8;
	[tilespmem:$0x11800] =	vst v63  }
0x70: {  	_ =	swait.ge [sflag:s23], $0x800  }
0x71: {  	[sflag:s23] =	ssyncset.done $0x0  }
0x72: {  	[sflag:s23] =	ssyncadd.s32 $0xFFFFF800  }
0x73: {  	[spmem:s1] =	stream.indirect.scatter.add.f32 [tilespmem:s22], [sflag:$0x3], $0x40, s28, s29, $0xb8;
	[tilespmem:$0x11800] =	vst v63  }
0x74: {  	_ =	swait.ge [sflag:s23], $0x2000  }
0x75: {  	[sflag:s23] =	ssyncset.done $0x0  }
0x76: {  	[sflag:s23] =	ssyncadd.s32 $0xFFFFE000  }
0x77: {  	_ =	swait.ge [sflag:s2], $0x2000  }
0x78: {  	[sflag:s2] =	ssyncset.done $0x0  }
0x79: {  	s19 =	rddreg [dreg:$0x4];
	[sflag:s2] =	ssyncadd.s32 $0xFFFFE000  }
0x7a: {  	[tilespmem:s22], [sflag:$0x1] =	stream.indirect.gather [hbm4b:s5+s29], $0x40, s19, s29, $0xb8;
	[tilespmem:$0x11800] =	vst v63  }
0x7b: {  	_ = 	snop  }
0x7c: {  	[spmem:s3] =	stream.indirect.scatter.add.f32 [tilespmem:s26], [sflag:$0x3], $0x10, s0, s29, $0xb8;
	[tilespmem:$0x11800] =	vst v63  }
0x7d: {  	_ =	swait.ge [sflag:s23], $0x800  }
0x7e: {  	[sflag:s23] =	ssyncset.done $0x0  }
0x7f: {  	[sflag:s23] =	ssyncadd.s32 $0xFFFFF800  }
0x80: {  	[spmem:s1] =	stream.indirect.scatter.add.f32 [tilespmem:s31], [sflag:$0x3], $0x40, s0, s29, $0xb8;
	[tilespmem:$0x11800] =	vst v63  }
0x81: {  	_ =	swait.ge [sflag:s23], $0x2000  }
0x82: {  	[sflag:s23] =	ssyncset.done $0x0  }
0x83: {  	[sflag:s23] =	ssyncadd.s32 $0xFFFFE000  }
0x84: {  	_ =	swait.ge [sflag:s30], $0x2000  }
0x85: {  	[sflag:s30] =	ssyncset.done $0x0  }
0x86: {  	[sflag:s30] =	ssyncadd.s32 $0xFFFFE000  }
0x87: {  	[tilespmem:s31], [sflag:$0x2] =	stream.indirect.gather [hbm4b:s5+s29], $0x40, s7, s29, $0xb8;
	[tilespmem:$0x11800] =	vst v63  }
0x88: {  	_ = 	snop  }
0x89: {  	[spmem:s3] =	stream.indirect.scatter.add.f32 [tilespmem:s26], [sflag:$0x3], $0x10, s8, s29, $0xb8;
	[tilespmem:$0x11800] =	vst v63  }
0x8a: {  	_ =	swait.ge [sflag:s23], $0x800  }
0x8b: {  	[sflag:s23] =	ssyncset.done $0x0  }
0x8c: {  	[sflag:s23] =	ssyncadd.s32 $0xFFFFF800  }
0x8d: {  	[spmem:s1] =	stream.indirect.scatter.add.f32 [tilespmem:s22], [sflag:$0x3], $0x40, s8, s29, $0xb8;
	[tilespmem:$0x11800] =	vst v63  }
0x8e: {  	_ =	swait.ge [sflag:s23], $0x2000  }
0x8f: {  	[sflag:s23] =	ssyncset.done $0x0  }
0x90: {  	[sflag:s23] =	ssyncadd.s32 $0xFFFFE000  }
0x91: {  	_ =	swait.ge [sflag:s2], $0x2000  }
0x92: {  	[sflag:s2] =	ssyncset.done $0x0  }
0x93: {  	[sflag:s2] =	ssyncadd.s32 $0xFFFFE000  }
0x94: {  	[tilespmem:s22], [sflag:$0x1] =	stream.indirect.gather [hbm4b:s5+s29], $0x40, s9, s29, $0xb8;
	[tilespmem:$0x11800] =	vst v63  }
0x95: {  	_ = 	snop  }
0x96: {  	[spmem:s3] =	stream.indirect.scatter.add.f32 [tilespmem:s26], [sflag:$0x3], $0x10, s10, s29, $0xb8;
	[tilespmem:$0x11800] =	vst v63  }
0x97: {  	_ =	swait.ge [sflag:s23], $0x800  }
0x98: {  	[sflag:s23] =	ssyncset.done $0x0  }
0x99: {  	[sflag:s23] =	ssyncadd.s32 $0xFFFFF800  }
0x9a: {  	[spmem:s1] =	stream.indirect.scatter.add.f32 [tilespmem:s31], [sflag:$0x3], $0x40, s10, s29, $0xb8;
	[tilespmem:$0x11800] =	vst v63  }
0x9b: {  	_ =	swait.ge [sflag:s23], $0x2000  }
0x9c: {  	[sflag:s23] =	ssyncset.done $0x0  }
0x9d: {  	[sflag:s23] =	ssyncadd.s32 $0xFFFFE000  }
0x9e: {  	_ =	swait.ge [sflag:s30], $0x2000  }
0x9f: {  	[sflag:s30] =	ssyncset.done $0x0  }
0xa0: {  	[sflag:s30] =	ssyncadd.s32 $0xFFFFE000  }
0xa1: {  	[tilespmem:s31], [sflag:$0x2] =	stream.indirect.gather [hbm4b:s5+s29], $0x40, s11, s29, $0xb8;
	[tilespmem:$0x11800] =	vst v63  }
0xa2: {  	_ = 	snop  }
0xa3: {  	[spmem:s3] =	stream.indirect.scatter.add.f32 [tilespmem:s26], [sflag:$0x3], $0x10, s12, s29, $0xb8;
	[tilespmem:$0x11800] =	vst v63  }
0xa4: {  	_ =	swait.ge [sflag:s23], $0x800  }
0xa5: {  	[sflag:s23] =	ssyncset.done $0x0  }
0xa6: {  	[sflag:s23] =	ssyncadd.s32 $0xFFFFF800  }
0xa7: {  	[spmem:s1] =	stream.indirect.scatter.add.f32 [tilespmem:s22], [sflag:$0x3], $0x40, s12, s29, $0xb8;
	[tilespmem:$0x11800] =	vst v63  }
0xa8: {  	_ =	swait.ge [sflag:s23], $0x2000  }
0xa9: {  	[sflag:s23] =	ssyncset.done $0x0  }
0xaa: {  	[sflag:s23] =	ssyncadd.s32 $0xFFFFE000  }
0xab: {  	_ =	swait.ge [sflag:s2], $0x2000  }
0xac: {  	[sflag:s2] =	ssyncset.done $0x0  }
0xad: {  	[sflag:s2] =	ssyncadd.s32 $0xFFFFE000  }
0xae: {  	[tilespmem:s22], [sflag:$0x1] =	stream.indirect.gather [hbm4b:s5+s29], $0x40, s13, s29, $0xb8;
	[tilespmem:$0x11800] =	vst v63  }
0xaf: {  	_ = 	snop  }
0xb0: {  	[spmem:s3] =	stream.indirect.scatter.add.f32 [tilespmem:s26], [sflag:$0x3], $0x10, s14, s29, $0xb8;
	[tilespmem:$0x11800] =	vst v63  }
0xb1: {  	_ =	swait.ge [sflag:s23], $0x800  }
0xb2: {  	[sflag:s23] =	ssyncset.done $0x0  }
0xb3: {  	[sflag:s23] =	ssyncadd.s32 $0xFFFFF800  }
0xb4: {  	[spmem:s1] =	stream.indirect.scatter.add.f32 [tilespmem:s31], [sflag:$0x3], $0x40, s14, s29, $0xb8;
	[tilespmem:$0x11800] =	vst v63  }
0xb5: {  	_ =	swait.ge [sflag:s23], $0x2000  }
0xb6: {  	[sflag:s23] =	ssyncset.done $0x0  }
0xb7: {  	[sflag:s23] =	ssyncadd.s32 $0xFFFFE000  }
0xb8: {  	_ =	swait.ge [sflag:s30], $0x2000  }
0xb9: {  	[sflag:s30] =	ssyncset.done $0x0  }
0xba: {  	[sflag:s30] =	ssyncadd.s32 $0xFFFFE000  }
0xbb: {  	[tilespmem:s31], [sflag:$0x2] =	stream.indirect.gather [hbm4b:s5+s29], $0x40, s15, s29, $0xb8;
	[tilespmem:$0x11800] =	vst v63  }
0xbc: {  	_ = 	snop  }
0xbd: {  	[spmem:s3] =	stream.indirect.scatter.add.f32 [tilespmem:s26], [sflag:$0x3], $0x10, s16, s29, $0xb8;
	[tilespmem:$0x11800] =	vst v63  }
0xbe: {  	_ =	swait.ge [sflag:s23], $0x800  }
0xbf: {  	[sflag:s23] =	ssyncset.done $0x0  }
0xc0: {  	[sflag:s23] =	ssyncadd.s32 $0xFFFFF800  }
0xc1: {  	[spmem:s1] =	stream.indirect.scatter.add.f32 [tilespmem:s22], [sflag:$0x3], $0x40, s16, s29, $0xb8;
	[tilespmem:$0x11800] =	vst v63  }
0xc2: {  	_ =	swait.ge [sflag:s23], $0x2000  }
0xc3: {  	[sflag:s23] =	ssyncset.done $0x0  }
0xc4: {  	[sflag:s23] =	ssyncadd.s32 $0xFFFFE000  }
0xc5: {  	_ =	swait.ge [sflag:s2], $0x2000  }
0xc6: {  	[sflag:s2] =	ssyncset.done $0x0  }
0xc7: {  	[sflag:s2] =	ssyncadd.s32 $0xFFFFE000  }
0xc8: {  	[spmem:s3] =	stream.indirect.scatter.add.f32 [tilespmem:s26], [sflag:$0x3], $0x10, s17, s29, $0xb8;
	[tilespmem:$0x11800] =	vst v63  }
0xc9: {  	_ =	swait.ge [sflag:s23], $0x800  }
0xca: {  	s6 =	rddreg [dreg:$0x5]  }
0xcb: {  	p0 =	sne.s32 s6, $0x1  }
.Ltmp2:
0xcc: {  	[sflag:s23] =	ssyncset.done $0x0;
	(pc) =	sbr.rel @!p0 .LBB2_7-.Ltmp2, $4  }
0xcd: {  	[sflag:s23] =	ssyncadd.s32 $0xFFFFF800  }
0xce: {  	[spmem:s1] =	stream.indirect.scatter.add.f32 [tilespmem:s31], [sflag:$0x3], $0x40, s17, s29, $0xb8;
	[tilespmem:$0x11800] =	vst v63  }
0xcf: {  	s20 =	smov.u32 s24;
	_ =	swait.ge [sflag:s23], $0x2000  }
0xd0: {  	s21 =	smov.u32 s25;
	s19 =	sadd.s32 $0xFFFFFFFF, s6;
	[sflag:s23] =	ssyncset.done $0x0  }
.LBB2_6:
0xd1: {  	[sflag:s23] =	ssyncadd.s32 $0xFFFFE000;
	s21 =	sadd.s32 $0x80, s21  }
0xd2: {  	[tilespmem:s4], [sflag:$0x3] =	stream.linear.gather [hbm4b:s21+s4], $0x400, $0x38;
	[tilespmem:$0x11800] =	vst v63  }
0xd3: {  	_ =	swait.ge [sflag:s23], $0x400  }
0xd4: {  	[sflag:s23] =	ssyncset.done $0x0  }
0xd5: {  	s20 =	sadd.s32 $0x80, s20;
	[sflag:s23] =	ssyncadd.s32 $0xFFFFFC00  }
0xd6: {  	[tilespmem:s28], [sflag:$0x3] =	stream.linear.gather [hbm4b:s20+s4], $0x400, $0x38;
	[tilespmem:$0x11800] =	vst v63  }
0xd7: {  	_ =	swait.ge [sflag:s23], $0x400  }
0xd8: {  	[sflag:s23] =	ssyncset.done $0x0  }
0xd9: {  	[sflag:s23] =	ssyncadd.s32 $0xFFFFFC00  }
0xda: {  	[tilespmem:s22], [sflag:$0x1] =	stream.indirect.gather [hbm4b:s5+s29], $0x40, s4, s29, $0xb8;
	[tilespmem:$0x11800] =	vst v63  }
0xdb: {  	_ =	swait.ge [sflag:s30], $0x2000  }
0xdc: {  	[sflag:s30] =	ssyncset.done $0x0  }
0xdd: {  	[sflag:s30] =	ssyncadd.s32 $0xFFFFE000  }
0xde: {  	[tilespmem:s31], [sflag:$0x2] =	stream.indirect.gather [hbm4b:s5+s29], $0x40, s29, s29, $0xb8;
	[tilespmem:$0x11800] =	vst v63  }
0xdf: {  	_ = 	snop  }
0xe0: {  	[spmem:s3] =	stream.indirect.scatter.add.f32 [tilespmem:s26], [sflag:$0x3], $0x10, s28, s29, $0xb8;
	[tilespmem:$0x11800] =	vst v63  }
0xe1: {  	_ =	swait.ge [sflag:s23], $0x800  }
0xe2: {  	[sflag:s23] =	ssyncset.done $0x0  }
0xe3: {  	[sflag:s23] =	ssyncadd.s32 $0xFFFFF800  }
0xe4: {  	[spmem:s1] =	stream.indirect.scatter.add.f32 [tilespmem:s22], [sflag:$0x3], $0x40, s28, s29, $0xb8;
	[tilespmem:$0x11800] =	vst v63  }
0xe5: {  	_ =	swait.ge [sflag:s23], $0x2000  }
0xe6: {  	[sflag:s23] =	ssyncset.done $0x0  }
0xe7: {  	[sflag:s23] =	ssyncadd.s32 $0xFFFFE000  }
0xe8: {  	_ =	swait.ge [sflag:s2], $0x2000  }
0xe9: {  	[sflag:s2] =	ssyncset.done $0x0  }
0xea: {  	s6 =	rddreg [dreg:$0x4];
	[sflag:s2] =	ssyncadd.s32 $0xFFFFE000  }
0xeb: {  	[tilespmem:s22], [sflag:$0x1] =	stream.indirect.gather [hbm4b:s5+s29], $0x40, s6, s29, $0xb8;
	[tilespmem:$0x11800] =	vst v63  }
0xec: {  	_ = 	snop  }
0xed: {  	[spmem:s3] =	stream.indirect.scatter.add.f32 [tilespmem:s26], [sflag:$0x3], $0x10, s0, s29, $0xb8;
	[tilespmem:$0x11800] =	vst v63  }
0xee: {  	_ =	swait.ge [sflag:s23], $0x800  }
0xef: {  	[sflag:s23] =	ssyncset.done $0x0  }
0xf0: {  	[sflag:s23] =	ssyncadd.s32 $0xFFFFF800  }
0xf1: {  	[spmem:s1] =	stream.indirect.scatter.add.f32 [tilespmem:s31], [sflag:$0x3], $0x40, s0, s29, $0xb8;
	[tilespmem:$0x11800] =	vst v63  }
0xf2: {  	_ =	swait.ge [sflag:s23], $0x2000  }
0xf3: {  	[sflag:s23] =	ssyncset.done $0x0  }
0xf4: {  	[sflag:s23] =	ssyncadd.s32 $0xFFFFE000  }
0xf5: {  	_ =	swait.ge [sflag:s30], $0x2000  }
0xf6: {  	[sflag:s30] =	ssyncset.done $0x0  }
0xf7: {  	[sflag:s30] =	ssyncadd.s32 $0xFFFFE000  }
0xf8: {  	[tilespmem:s31], [sflag:$0x2] =	stream.indirect.gather [hbm4b:s5+s29], $0x40, s7, s29, $0xb8;
	[tilespmem:$0x11800] =	vst v63  }
0xf9: {  	_ = 	snop  }
0xfa: {  	[spmem:s3] =	stream.indirect.scatter.add.f32 [tilespmem:s26], [sflag:$0x3], $0x10, s8, s29, $0xb8;
	[tilespmem:$0x11800] =	vst v63  }
0xfb: {  	_ =	swait.ge [sflag:s23], $0x800  }
0xfc: {  	[sflag:s23] =	ssyncset.done $0x0  }
0xfd: {  	[sflag:s23] =	ssyncadd.s32 $0xFFFFF800  }
0xfe: {  	[spmem:s1] =	stream.indirect.scatter.add.f32 [tilespmem:s22], [sflag:$0x3], $0x40, s8, s29, $0xb8;
	[tilespmem:$0x11800] =	vst v63  }
0xff: {  	_ =	swait.ge [sflag:s23], $0x2000  }
0x100: {  	[sflag:s23] =	ssyncset.done $0x0  }
0x101: {  	[sflag:s23] =	ssyncadd.s32 $0xFFFFE000  }
0x102: {  	_ =	swait.ge [sflag:s2], $0x2000  }
0x103: {  	[sflag:s2] =	ssyncset.done $0x0  }
0x104: {  	[sflag:s2] =	ssyncadd.s32 $0xFFFFE000  }
0x105: {  	[tilespmem:s22], [sflag:$0x1] =	stream.indirect.gather [hbm4b:s5+s29], $0x40, s9, s29, $0xb8;
	[tilespmem:$0x11800] =	vst v63  }
0x106: {  	_ = 	snop  }
0x107: {  	[spmem:s3] =	stream.indirect.scatter.add.f32 [tilespmem:s26], [sflag:$0x3], $0x10, s10, s29, $0xb8;
	[tilespmem:$0x11800] =	vst v63  }
0x108: {  	_ =	swait.ge [sflag:s23], $0x800  }
0x109: {  	[sflag:s23] =	ssyncset.done $0x0  }
0x10a: {  	[sflag:s23] =	ssyncadd.s32 $0xFFFFF800  }
0x10b: {  	[spmem:s1] =	stream.indirect.scatter.add.f32 [tilespmem:s31], [sflag:$0x3], $0x40, s10, s29, $0xb8;
	[tilespmem:$0x11800] =	vst v63  }
0x10c: {  	_ =	swait.ge [sflag:s23], $0x2000  }
0x10d: {  	[sflag:s23] =	ssyncset.done $0x0  }
0x10e: {  	[sflag:s23] =	ssyncadd.s32 $0xFFFFE000  }
0x10f: {  	_ =	swait.ge [sflag:s30], $0x2000  }
0x110: {  	[sflag:s30] =	ssyncset.done $0x0  }
0x111: {  	[sflag:s30] =	ssyncadd.s32 $0xFFFFE000  }
0x112: {  	[tilespmem:s31], [sflag:$0x2] =	stream.indirect.gather [hbm4b:s5+s29], $0x40, s11, s29, $0xb8;
	[tilespmem:$0x11800] =	vst v63  }
0x113: {  	_ = 	snop  }
0x114: {  	[spmem:s3] =	stream.indirect.scatter.add.f32 [tilespmem:s26], [sflag:$0x3], $0x10, s12, s29, $0xb8;
	[tilespmem:$0x11800] =	vst v63  }
0x115: {  	_ =	swait.ge [sflag:s23], $0x800  }
0x116: {  	[sflag:s23] =	ssyncset.done $0x0  }
0x117: {  	[sflag:s23] =	ssyncadd.s32 $0xFFFFF800  }
0x118: {  	[spmem:s1] =	stream.indirect.scatter.add.f32 [tilespmem:s22], [sflag:$0x3], $0x40, s12, s29, $0xb8;
	[tilespmem:$0x11800] =	vst v63  }
0x119: {  	_ =	swait.ge [sflag:s23], $0x2000  }
0x11a: {  	[sflag:s23] =	ssyncset.done $0x0  }
0x11b: {  	[sflag:s23] =	ssyncadd.s32 $0xFFFFE000  }
0x11c: {  	_ =	swait.ge [sflag:s2], $0x2000  }
0x11d: {  	[sflag:s2] =	ssyncset.done $0x0  }
0x11e: {  	[sflag:s2] =	ssyncadd.s32 $0xFFFFE000  }
0x11f: {  	[tilespmem:s22], [sflag:$0x1] =	stream.indirect.gather [hbm4b:s5+s29], $0x40, s13, s29, $0xb8;
	[tilespmem:$0x11800] =	vst v63  }
0x120: {  	_ = 	snop  }
0x121: {  	[spmem:s3] =	stream.indirect.scatter.add.f32 [tilespmem:s26], [sflag:$0x3], $0x10, s14, s29, $0xb8;
	[tilespmem:$0x11800] =	vst v63  }
0x122: {  	_ =	swait.ge [sflag:s23], $0x800  }
0x123: {  	[sflag:s23] =	ssyncset.done $0x0  }
0x124: {  	[sflag:s23] =	ssyncadd.s32 $0xFFFFF800  }
0x125: {  	[spmem:s1] =	stream.indirect.scatter.add.f32 [tilespmem:s31], [sflag:$0x3], $0x40, s14, s29, $0xb8;
	[tilespmem:$0x11800] =	vst v63  }
0x126: {  	_ =	swait.ge [sflag:s23], $0x2000  }
0x127: {  	[sflag:s23] =	ssyncset.done $0x0  }
0x128: {  	[sflag:s23] =	ssyncadd.s32 $0xFFFFE000  }
0x129: {  	_ =	swait.ge [sflag:s30], $0x2000  }
0x12a: {  	[sflag:s30] =	ssyncset.done $0x0  }
0x12b: {  	[sflag:s30] =	ssyncadd.s32 $0xFFFFE000  }
0x12c: {  	[tilespmem:s31], [sflag:$0x2] =	stream.indirect.gather [hbm4b:s5+s29], $0x40, s15, s29, $0xb8;
	[tilespmem:$0x11800] =	vst v63  }
0x12d: {  	_ = 	snop  }
0x12e: {  	[spmem:s3] =	stream.indirect.scatter.add.f32 [tilespmem:s26], [sflag:$0x3], $0x10, s16, s29, $0xb8;
	[tilespmem:$0x11800] =	vst v63  }
0x12f: {  	_ =	swait.ge [sflag:s23], $0x800  }
0x130: {  	[sflag:s23] =	ssyncset.done $0x0  }
0x131: {  	[sflag:s23] =	ssyncadd.s32 $0xFFFFF800  }
0x132: {  	[spmem:s1] =	stream.indirect.scatter.add.f32 [tilespmem:s22], [sflag:$0x3], $0x40, s16, s29, $0xb8;
	[tilespmem:$0x11800] =	vst v63  }
0x133: {  	_ =	swait.ge [sflag:s23], $0x2000  }
0x134: {  	[sflag:s23] =	ssyncset.done $0x0  }
0x135: {  	[sflag:s23] =	ssyncadd.s32 $0xFFFFE000  }
0x136: {  	_ =	swait.ge [sflag:s2], $0x2000  }
0x137: {  	[sflag:s2] =	ssyncset.done $0x0  }
0x138: {  	[sflag:s2] =	ssyncadd.s32 $0xFFFFE000  }
0x139: {  	[spmem:s3] =	stream.indirect.scatter.add.f32 [tilespmem:s26], [sflag:$0x3], $0x10, s17, s29, $0xb8;
	[tilespmem:$0x11800] =	vst v63  }
0x13a: {  	p0 =	sne.s32 s19, $0x1;
	_ =	swait.ge [sflag:s23], $0x800  }
.Ltmp3:
0x13b: {  	[sflag:s23] =	ssyncset.done $0x0;
	(pc) =	sbr.rel @p0 .LBB2_6-.Ltmp3, $4  }
0x13c: {  	[sflag:s23] =	ssyncadd.s32 $0xFFFFF800  }
0x13d: {  	[spmem:s1] =	stream.indirect.scatter.add.f32 [tilespmem:s31], [sflag:$0x3], $0x40, s17, s29, $0xb8;
	[tilespmem:$0x11800] =	vst v63  }
0x13e: {  	_ =	swait.ge [sflag:s23], $0x2000  }
0x13f: {  	s19 =	sadd.s32 $0xFFFFFFFF, s19;
	[sflag:s23] =	ssyncset.done $0x0  }
.LBB2_7:
0x140: {  	[sflag:s23] =	ssyncadd.s32 $0xFFFFE000  }
0x141: {  	s6 =	stileid.u32;
	[bflag:$0x0] =	sbarrier.arrive $0xFFFF  }
0x142: {  	s6 =	sshll.u32 s6, $0x6;
	s19 =	rddreg [dreg:$0x6]  }
0x143: {  	s6 =	sor.u32 $0x1C03, s6;
	s20 =	rddreg [dreg:$0x13]  }
0x144: {  	[hbm:s19], [sflag:s6] =	dma.local [spmem:s20], $0x1400  }
0x145: {  	_ =	swait.ge [sflag:s23], $0x1400  }
0x146: {  	[sflag:s23] =	ssyncset.done $0x0;
	s20 =	rddreg [dreg:$0x7]  }
0x147: {  	s21 =	rddreg [dreg:$0x14];
	[sflag:s23] =	ssyncadd.s32 $0xFFFFEC00  }
0x148: {  	[hbm:s20], [sflag:s6] =	dma.local [spmem:s21], $0x500  }
0x149: {  	_ =	swait.ge [sflag:s23], $0x500  }
0x14a: {  	s18 =	sadd.s32 $0x1, s18;
	s21 =	rddreg [dreg:$0x8]  }
0x14b: {  	p0 =	sne.s32 s18, s21  }
.Ltmp4:
0x14c: {  	_ = 	snop;
	(pc) =	sbr.rel @p0 .LBB2_1-.Ltmp4, $3  }
0x14d: {  	_ =	sdelay $0x1  }
0x14e: {  	[sflag:s23] =	ssyncset.done $0x0  }
0x14f: {  	[sflag:s23] =	ssyncadd.s32 $0xFFFFFB00  }
0x150: {  	_ =	sfence.sel $0x180000  }
0x151: {  	[bflag:$0x0] =	sbarrier.arrive $0xFFFF  }
0x152: {  	_ =	strace $0x90000047  }
0x153: {  	s0 =	stileid.u32;
	[bflag:$0x2] =	sbarrier.arrive $0xFFFF  }
0x154: {  	p0 =	sne.s32 s0, $0x0;
	s0 =	rddreg [dreg:$0x3]  }
0x155: {  	s0 =	sadd.s32 @!p0 $0x100000, s0  }
0x156: {  	[sflag:s0] =	ssyncadd.tile.s32 @!p0 $0x1;
	_ =	shalt  }
.Lfunc_end2:
_tile_overlayer_lowered:
.L_overlay_start_2:
0x157: {  	(tag) =	ssettag $0x2  }
0x158: {  	s0 =	rddreg [dreg:$0x0];
	s2 =	stileid.u32  }
0x159: {  	s1 =	rddreg [dreg:$0x1];
	p0 =	sne.s32 s2, $0x0  }
0x15a: {  	s3 =	rddreg [dreg:$0x2];
	[bflag:$0x3] =	sbarrier.arrive $0xFFFF;
	s2 =	simm.s32 @!p0 $0x1C03  }
0x15b: {  	[timem:s3], [sflag:s2] =	dma.local @!p0 [hbm:s0], s1  }
0x15c: {  	s0 =	simm.s32 @!p0 $0x3  }
0x15d: {  	_ =	swait.ge @!p0 [sflag:s0], s1  }
0x15e: {  	s1 =	ssub.s32 @!p0 $0x0, s1;
	[sflag:s0] =	ssyncset.done @!p0 $0x0  }
0x15f: {  	[sflag:s0] =	ssyncadd.s32 @!p0 s1  }
0x160: {  	[bflag:$0x3] =	sbarrier.arrive $0xFFFF  }
0x161: {  	_ =	shalt  }

</sc_bundles>
